<compile_context>
chip_gen: v7x
topology: tpu7x:2x2x1
jax: 0.10.2.dev20260603
libtpu: 0.0.44.dev20260713+nightly
codegen_flags: <defaults>
</compile_context>

<pallas_src>
import functools

import jax
import jax.numpy as jnp
from jax import lax
from jax.experimental import pallas as pl
from jax.experimental.pallas import tpu as pltpu
from jax.experimental.pallas import tpu_sc as plsc

N = 10000
E = 320000
D = 128
EPS = 1e-5

NC, NS, L = 2, 16, 16
NW = NC * NS
K = 128
CH = 80
E_PAD = NW * CH * K
PH = 40
NT = N + K
ZR = 624
ZTAIL = N - NS * ZR

_mesh = plsc.VectorSubcoreMesh(core_axis_name="c", subcore_axis_name="s")


@functools.partial(
    pl.kernel,
    out_type=(jax.ShapeDtypeStruct((NC, 1, NT), jnp.float32),
              jax.ShapeDtypeStruct((NC, 1, NT), jnp.float32)),
    mesh=_mesh,
    scratch_types=[
        pltpu.VMEM((CH, K), jnp.int32),
        pltpu.VMEM((CH, K), jnp.int32),
        pltpu.VMEM((K,), jnp.float32),
        pltpu.VMEM((NT,), jnp.float32),
        pltpu.VMEM_SHARED((NT,), jnp.float32),
        pltpu.VMEM_SHARED((NT,), jnp.float32),
    ],
)
def _sc_degrees(src_hbm, dst_hbm, dgo_hbm, dgi_hbm,
                src_v, dst_v, ones_v, zb_v, dgo, dgi):
    c = lax.axis_index("c")
    s = lax.axis_index("s")
    wid = s * NC + c
    pltpu.sync_copy(src_hbm.at[pl.ds(wid * CH, CH)], src_v)
    pltpu.sync_copy(dst_hbm.at[pl.ds(wid * CH, CH)], dst_v)
    for j in range(K // L):
        ones_v[pl.ds(j * L, L)] = jnp.ones((L,), jnp.float32)

    @pl.when(s == 0)
    def _zero():
        def zz(i, carry):
            zb_v[pl.ds(i * L, L)] = jnp.zeros((L,), jnp.float32)
            return carry
        lax.fori_loop(0, NT // L, zz, 0)
        pltpu.sync_copy(zb_v, dgo)
        pltpu.sync_copy(zb_v, dgi)

    plsc.subcore_barrier()

    def body(i, carry):
        pltpu.sync_copy(ones_v, dgo.at[src_v.at[i]], add=True)
        pltpu.sync_copy(ones_v, dgi.at[dst_v.at[i]], add=True)
        return carry
    lax.fori_loop(0, CH, body, 0)

    plsc.subcore_barrier()

    @pl.when(s == 0)
    def _writeback():
        pltpu.sync_copy(dgo, dgo_hbm.at[c, 0])
        pltpu.sync_copy(dgi, dgi_hbm.at[c, 0])


@functools.partial(
    pl.kernel,
    out_type=jax.ShapeDtypeStruct((NC, N, D), jnp.float32),
    mesh=_mesh,
    scratch_types=[
        pltpu.VMEM((PH, K), jnp.int32),
        pltpu.VMEM((PH, K), jnp.int32),
        pltpu.VMEM((K, D), jnp.float32),
        pltpu.VMEM((K, D), jnp.float32),
        pltpu.VMEM_SHARED((NT, D), jnp.float32),
        pltpu.SemaphoreType.DMA,
        pltpu.SemaphoreType.DMA,
    ],
)
def _sc_scatter(z_hbm, src_hbm, dst_hbm, out_hbm,
                src_v, dst_v, buf_a, buf_b, agg, sem_a, sem_b):
    c = lax.axis_index("c")
    s = lax.axis_index("s")
    wid = s * NC + c

    def zb(i, carry):
        for j in range(D // L):
            buf_a[i, pl.ds(j * L, L)] = jnp.zeros((L,), jnp.float32)
        return carry
    lax.fori_loop(0, K, zb, 0)
    for t in range(4):
        pltpu.sync_copy(buf_a.at[pl.ds(0, K)],
                        agg.at[pl.ds(s * ZR + t * K, K)])
    pltpu.sync_copy(buf_a.at[pl.ds(0, ZR - 4 * K)],
                    agg.at[pl.ds(s * ZR + 4 * K, ZR - 4 * K)])

    @pl.when(s == 0)
    def _zero_tail():
        pltpu.sync_copy(buf_a.at[pl.ds(0, ZTAIL)],
                        agg.at[pl.ds(NS * ZR, ZTAIL)])

    plsc.subcore_barrier()

    def fire(i, buf, sem):
        pltpu.async_copy(z_hbm.at[src_v.at[i]], buf, sem)

    def wait(i, buf, sem):
        pltpu.make_async_copy(z_hbm.at[src_v.at[i]], buf, sem).wait()

    def scat(i, buf):
        pltpu.sync_copy(buf, agg.at[dst_v.at[i]], add=True)

    def run_phase(base, nch):
        pltpu.sync_copy(src_hbm.at[pl.ds(base, nch)], src_v.at[pl.ds(0, nch)])
        pltpu.sync_copy(dst_hbm.at[pl.ds(base, nch)], dst_v.at[pl.ds(0, nch)])

        fire(0, buf_a, sem_a)

        def body(j, carry):
            i0 = 2 * j
            fire(i0 + 1, buf_b, sem_b)
            wait(i0, buf_a, sem_a)
            scat(i0, buf_a)
            fire(i0 + 2, buf_a, sem_a)
            wait(i0 + 1, buf_b, sem_b)
            scat(i0 + 1, buf_b)
            return carry
        lax.fori_loop(0, nch // 2 - 1, body, 0)

        fire(nch - 1, buf_b, sem_b)
        wait(nch - 2, buf_a, sem_a)
        scat(nch - 2, buf_a)
        wait(nch - 1, buf_b, sem_b)
        scat(nch - 1, buf_b)

    for p in range(CH // PH):
        with jax.named_scope("edge_phase_%d" % p):
            run_phase(wid * CH + p * PH, PH)

    plsc.subcore_barrier()

    with jax.named_scope("agg_writeback"):
        pltpu.sync_copy(agg.at[pl.ds(s * ZR, ZR)],
                        out_hbm.at[c, pl.ds(s * ZR, ZR)])

        @pl.when(s == 0)
        def _write_tail():
            pltpu.sync_copy(agg.at[pl.ds(NS * ZR, ZTAIL)],
                            out_hbm.at[c, pl.ds(NS * ZR, ZTAIL)])


def _rsqrt(x):
    y = lax.rsqrt(x)
    return y * (1.5 - 0.5 * x * y * y)


def _norms(dgo_ref, dgi_ref):
    deg_out = dgo_ref[0, 0, :N] + dgo_ref[1, 0, :N]
    deg_in = dgi_ref[0, 0, :N] + dgi_ref[1, 0, :N]
    no = _rsqrt(jnp.maximum(deg_out, 1.0))
    ni = _rsqrt(jnp.maximum(deg_in, 1.0))
    return no, ni


def _bn_relu(t, g, b):
    mean = jnp.mean(t, axis=0)
    var = jnp.mean(jnp.square(t - mean[None, :]), axis=0)
    h = (t - mean[None, :]) * _rsqrt(var + EPS)[None, :] * g[None, :] + b[None, :]
    return jnp.maximum(h, 0.0)


def _tc1_body(dgo_ref, dgi_ref, x_ref, z_ref):
    no, _ = _norms(dgo_ref, dgi_ref)
    z_ref[:N, :] = x_ref[...] * no[:, None]
    z_ref[N:, :] = jnp.zeros((NT - N, D), jnp.float32)


_tc1 = pl.pallas_call(
    _tc1_body, out_shape=jax.ShapeDtypeStruct((NT, D), jnp.float32))


def _tc2_body(dgo_ref, dgi_ref, sp_ref, w_ref, g_ref, b_ref, z_ref):
    no, ni = _norms(dgo_ref, dgi_ref)
    t = (sp_ref[0] + sp_ref[1]) * ni[:, None]
    u = jnp.dot(t, w_ref[...], preferred_element_type=jnp.float32)
    h = _bn_relu(u, g_ref[...], b_ref[...])
    z_ref[:N, :] = h * no[:, None]
    z_ref[N:, :] = jnp.zeros((NT - N, D), jnp.float32)


_tc2 = pl.pallas_call(
    _tc2_body, out_shape=jax.ShapeDtypeStruct((NT, D), jnp.float32))


def _tc3_body(dgo_ref, dgi_ref, sp_ref, w_ref, g_ref, b_ref, o_ref):
    _, ni = _norms(dgo_ref, dgi_ref)
    t = (sp_ref[0] + sp_ref[1]) * ni[:, None]
    u = jnp.dot(t, w_ref[...], preferred_element_type=jnp.float32)
    o_ref[...] = _bn_relu(u, g_ref[...], b_ref[...])


_tc3 = pl.pallas_call(
    _tc3_body, out_shape=jax.ShapeDtypeStruct((N, D), jnp.float32))


def kernel(node_features, edge_index, W1, b1, gamma1, beta1,
           W2, b2, gamma2, beta2):
    src = edge_index[0].astype(jnp.int32)
    dst = edge_index[1].astype(jnp.int32)
    pad = N + (jnp.arange(E_PAD - E, dtype=jnp.int32) % K)
    src2 = jnp.concatenate([src, pad]).reshape(NW * CH, K)
    dst2 = jnp.concatenate([dst, pad]).reshape(NW * CH, K)

    dgo, dgi = _sc_degrees(src2, dst2)
    h1 = _tc1(dgo, dgi, node_features)
    s1 = _sc_scatter(h1, src2, dst2)
    h2 = _tc2(dgo, dgi, s1, W1, gamma1, beta1)
    s2 = _sc_scatter(h2, src2, dst2)
    return _tc3(dgo, dgi, s2, W2, gamma2, beta2)

# --- scband reference (transcript-rebuilt; emitter-appended) ---
"""Pipeline reference for scband-gcn-43198781063681 (READ-ONLY COPY).

The authoritative reference and input builder live on the scoring server;
editing this copy changes nothing except your own understanding.
"""

import jax, jax.numpy as jnp
import numpy as np

N = 10000
E = 320000
D_IN = 128
HIDDEN = [128]
D_OUT = 128
EPS = 1e-5


def setup_inputs(seed: int = 0) -> dict:
    key = jax.random.key(seed)
    ks = jax.random.split(key, 12)
    x = jax.random.normal(ks[0], (N, D_IN), dtype=jnp.float32)
    edge_index = jax.random.randint(ks[1], (2, E), 0, N)
    # layer 1: GraphConv(D_IN -> HIDDEN[0]) + BatchNorm1d(HIDDEN[0])
    W1 = jax.random.normal(ks[2], (D_IN, HIDDEN[0]), dtype=jnp.float32) * (1.0 / np.sqrt(D_IN))
    b1 = jnp.zeros((HIDDEN[0],), dtype=jnp.float32)
    gamma1 = jnp.ones((HIDDEN[0],), dtype=jnp.float32)
    beta1 = jnp.zeros((HIDDEN[0],), dtype=jnp.float32)
    # layer 2: GraphConv(HIDDEN[0] -> D_OUT) + BatchNorm1d(D_OUT)
    W2 = jax.random.normal(ks[3], (HIDDEN[0], D_OUT), dtype=jnp.float32) * (1.0 / np.sqrt(HIDDEN[0]))
    b2 = jnp.zeros((D_OUT,), dtype=jnp.float32)
    gamma2 = jnp.ones((D_OUT,), dtype=jnp.float32)
    beta2 = jnp.zeros((D_OUT,), dtype=jnp.float32)
    return {
        "node_features": x,
        "edge_index": edge_index,
        "W1": W1, "b1": b1, "gamma1": gamma1, "beta1": beta1,
        "W2": W2, "b2": b2, "gamma2": gamma2, "beta2": beta2,
    }


def _graph_conv(x, src, dst, W, b):
    # DGL GraphConv with norm='both': D_out^{-1/2} A^T D_in^{-1/2} semantics
    ones = jnp.ones((src.shape[0],), dtype=x.dtype)
    deg_out = jax.ops.segment_sum(ones, src, num_segments=N)
    deg_in = jax.ops.segment_sum(ones, dst, num_segments=N)
    norm_out = jnp.where(deg_out > 0, deg_out, 1.0) ** -0.5
    norm_in = jnp.where(deg_in > 0, deg_in, 1.0) ** -0.5
    h = x * norm_out[:, None]
    msgs = h[src]                                  # gather (memory bound)
    agg = jnp.zeros((N, h.shape[1]), dtype=x.dtype).at[dst].add(msgs)  # scatter-add
    agg = agg * norm_in[:, None]
    return agg @ W + b


def _batchnorm_train(h, gamma, beta):
    mean = jnp.mean(h, axis=0)
    var = jnp.var(h, axis=0)
    return (h - mean) / jnp.sqrt(var + EPS) * gamma + beta


def reference(node_features, edge_index, W1, b1, gamma1, beta1, W2, b2, gamma2, beta2):
    src = edge_index[0]
    dst = edge_index[1]
    h = node_features
    # layer 1: GraphConv -> BN -> ReLU
    h = _graph_conv(h, src, dst, W1, b1)
    h = _batchnorm_train(h, gamma1, beta1)
    h = jax.nn.relu(h)
    # layer 2: GraphConv -> BN -> ReLU
    h = _graph_conv(h, src, dst, W2, b2)
    h = _batchnorm_train(h, gamma2, beta2)
    h = jax.nn.relu(h)
    return h

if __name__ == "__main__":
    import jax
    _d = setup_inputs()
    print(jax.jit(kernel)(*tuple(_d.values())))

</pallas_src>

<mosaic_0001>
#map = affine_map<(d0, d1) -> (0, 0)>
#map1 = affine_map<(d0, d1) -> (0, 0, 0)>
module attributes {stable_mosaic.version = 14 : i64} {
  func.func @_sc_scatter(%arg0: i32, %arg1: i32, %arg2: memref<10128x128xf32, #tpu.memory_space<hbm>>, %arg3: memref<2560x128xi32, #tpu.memory_space<hbm>>, %arg4: memref<2560x128xi32, #tpu.memory_space<hbm>>, %arg5: memref<2x10000x128xf32, #tpu.memory_space<hbm>>, %arg6: memref<40x128xi32, #tpu.memory_space<vmem>>, %arg7: memref<40x128xi32, #tpu.memory_space<vmem>>, %arg8: memref<128x128xf32, #tpu.memory_space<vmem>>, %arg9: memref<128x128xf32, #tpu.memory_space<vmem>>, %arg10: memref<10128x128xf32, #tpu.memory_space<vmem_shared>>, %arg11: memref<!tpu.dma_semaphore, #tpu.memory_space<semaphore_mem>>, %arg12: memref<!tpu.dma_semaphore, #tpu.memory_space<semaphore_mem>>) attributes {dimension_semantics = [#tpu.dimension_semantics<core_parallel>, #tpu.dimension_semantics<subcore_parallel>], iteration_bounds = array<i64: 2, 16>, scalar_prefetch = 0 : i64, scratch_operands = 7 : i64, tpu.core_type = #tpu.core_type<sc_vector_subcore>, window_params = [{transform_indices = #map}, {transform_indices = #map}, {transform_indices = #map}, {transform_indices = #map1}]} {
    %mul3A = arith.constant 2 : i32
    %mul3A_0 = arith.muli %arg1, %mul3A : i32
    %add3A = arith.addi %mul3A_0, %arg0 : i32
    %scan3A = arith.constant 0 : i32
    %scan3A_1 = arith.constant 0 : i32
    %scan3A_2 = arith.constant 128 : i32
    %scan3A_3 = arith.addi %scan3A_1, %scan3A_2 : i32
    %scan3A_4 = arith.constant 1 : i32
    scf.for %scan3A_115 = %scan3A_1 to %scan3A_3 step %scan3A_4  : i32 {
      %broadcast_in_dim3A = arith.constant 0.000000e+00 : f32
      %broadcast_in_dim3A_116 = vector.broadcast %broadcast_in_dim3A : f32 to vector<16xf32>
      %swap3A = arith.index_cast %scan3A_115 : i32 to index
      %swap3A_117 = arith.constant 0 : index
      %swap3A_118 = tpu.vector_load %arg8[%swap3A, %swap3A_117] {strides = array<i32>} : memref<128x128xf32, #tpu.memory_space<vmem>>, vector<1x16xf32>,
      %swap3A_119 = vector.shape_cast %swap3A_118 : vector<1x16xf32> to vector<16xf32>
      %swap3A_120 = vector.shape_cast %broadcast_in_dim3A_116 : vector<16xf32> to vector<1x16xf32>
      tpu.vector_store %arg8[%swap3A, %swap3A_117], %swap3A_120 {strides = array<i32>} : memref<128x128xf32, #tpu.memory_space<vmem>>, vector<1x16xf32>,
      %broadcast_in_dim3A_121 = arith.constant 0.000000e+00 : f32
      %broadcast_in_dim3A_122 = vector.broadcast %broadcast_in_dim3A_121 : f32 to vector<16xf32>
      %swap3A_123 = arith.index_cast %scan3A_115 : i32 to index
      %swap3A_124 = arith.constant 16 : index
      %swap3A_125 = tpu.vector_load %arg8[%swap3A_123, %swap3A_124] {strides = array<i32>} : memref<128x128xf32, #tpu.memory_space<vmem>>, vector<1x16xf32>,
      %swap3A_126 = vector.shape_cast %swap3A_125 : vector<1x16xf32> to vector<16xf32>
      %swap3A_127 = vector.shape_cast %broadcast_in_dim3A_122 : vector<16xf32> to vector<1x16xf32>
      tpu.vector_store %arg8[%swap3A_123, %swap3A_124], %swap3A_127 {strides = array<i32>} : memref<128x128xf32, #tpu.memory_space<vmem>>, vector<1x16xf32>,
      %broadcast_in_dim3A_128 = arith.constant 0.000000e+00 : f32
      %broadcast_in_dim3A_129 = vector.broadcast %broadcast_in_dim3A_128 : f32 to vector<16xf32>
      %swap3A_130 = arith.index_cast %scan3A_115 : i32 to index
      %swap3A_131 = arith.constant 32 : index
      %swap3A_132 = tpu.vector_load %arg8[%swap3A_130, %swap3A_131] {strides = array<i32>} : memref<128x128xf32, #tpu.memory_space<vmem>>, vector<1x16xf32>,
      %swap3A_133 = vector.shape_cast %swap3A_132 : vector<1x16xf32> to vector<16xf32>
      %swap3A_134 = vector.shape_cast %broadcast_in_dim3A_129 : vector<16xf32> to vector<1x16xf32>
      tpu.vector_store %arg8[%swap3A_130, %swap3A_131], %swap3A_134 {strides = array<i32>} : memref<128x128xf32, #tpu.memory_space<vmem>>, vector<1x16xf32>,
      %broadcast_in_dim3A_135 = arith.constant 0.000000e+00 : f32
      %broadcast_in_dim3A_136 = vector.broadcast %broadcast_in_dim3A_135 : f32 to vector<16xf32>
      %swap3A_137 = arith.index_cast %scan3A_115 : i32 to index
      %swap3A_138 = arith.constant 48 : index
      %swap3A_139 = tpu.vector_load %arg8[%swap3A_137, %swap3A_138] {strides = array<i32>} : memref<128x128xf32, #tpu.memory_space<vmem>>, vector<1x16xf32>,
      %swap3A_140 = vector.shape_cast %swap3A_139 : vector<1x16xf32> to vector<16xf32>
      %swap3A_141 = vector.shape_cast %broadcast_in_dim3A_136 : vector<16xf32> to vector<1x16xf32>
      tpu.vector_store %arg8[%swap3A_137, %swap3A_138], %swap3A_141 {strides = array<i32>} : memref<128x128xf32, #tpu.memory_space<vmem>>, vector<1x16xf32>,
      %broadcast_in_dim3A_142 = arith.constant 0.000000e+00 : f32
      %broadcast_in_dim3A_143 = vector.broadcast %broadcast_in_dim3A_142 : f32 to vector<16xf32>
      %swap3A_144 = arith.index_cast %scan3A_115 : i32 to index
      %swap3A_145 = arith.constant 64 : index
      %swap3A_146 = tpu.vector_load %arg8[%swap3A_144, %swap3A_145] {strides = array<i32>} : memref<128x128xf32, #tpu.memory_space<vmem>>, vector<1x16xf32>,
      %swap3A_147 = vector.shape_cast %swap3A_146 : vector<1x16xf32> to vector<16xf32>
      %swap3A_148 = vector.shape_cast %broadcast_in_dim3A_143 : vector<16xf32> to vector<1x16xf32>
      tpu.vector_store %arg8[%swap3A_144, %swap3A_145], %swap3A_148 {strides = array<i32>} : memref<128x128xf32, #tpu.memory_space<vmem>>, vector<1x16xf32>,
      %broadcast_in_dim3A_149 = arith.constant 0.000000e+00 : f32
      %broadcast_in_dim3A_150 = vector.broadcast %broadcast_in_dim3A_149 : f32 to vector<16xf32>
      %swap3A_151 = arith.index_cast %scan3A_115 : i32 to index
      %swap3A_152 = arith.constant 80 : index
      %swap3A_153 = tpu.vector_load %arg8[%swap3A_151, %swap3A_152] {strides = array<i32>} : memref<128x128xf32, #tpu.memory_space<vmem>>, vector<1x16xf32>,
      %swap3A_154 = vector.shape_cast %swap3A_153 : vector<1x16xf32> to vector<16xf32>
      %swap3A_155 = vector.shape_cast %broadcast_in_dim3A_150 : vector<16xf32> to vector<1x16xf32>
      tpu.vector_store %arg8[%swap3A_151, %swap3A_152], %swap3A_155 {strides = array<i32>} : memref<128x128xf32, #tpu.memory_space<vmem>>, vector<1x16xf32>,
      %broadcast_in_dim3A_156 = arith.constant 0.000000e+00 : f32
      %broadcast_in_dim3A_157 = vector.broadcast %broadcast_in_dim3A_156 : f32 to vector<16xf32>
      %swap3A_158 = arith.index_cast %scan3A_115 : i32 to index
      %swap3A_159 = arith.constant 96 : index
      %swap3A_160 = tpu.vector_load %arg8[%swap3A_158, %swap3A_159] {strides = array<i32>} : memref<128x128xf32, #tpu.memory_space<vmem>>, vector<1x16xf32>,
      %swap3A_161 = vector.shape_cast %swap3A_160 : vector<1x16xf32> to vector<16xf32>
      %swap3A_162 = vector.shape_cast %broadcast_in_dim3A_157 : vector<16xf32> to vector<1x16xf32>
      tpu.vector_store %arg8[%swap3A_158, %swap3A_159], %swap3A_162 {strides = array<i32>} : memref<128x128xf32, #tpu.memory_space<vmem>>, vector<1x16xf32>,
      %broadcast_in_dim3A_163 = arith.constant 0.000000e+00 : f32
      %broadcast_in_dim3A_164 = vector.broadcast %broadcast_in_dim3A_163 : f32 to vector<16xf32>
      %swap3A_165 = arith.index_cast %scan3A_115 : i32 to index
      %swap3A_166 = arith.constant 112 : index
      %swap3A_167 = tpu.vector_load %arg8[%swap3A_165, %swap3A_166] {strides = array<i32>} : memref<128x128xf32, #tpu.memory_space<vmem>>, vector<1x16xf32>,
      %swap3A_168 = vector.shape_cast %swap3A_167 : vector<1x16xf32> to vector<16xf32>
      %swap3A_169 = vector.shape_cast %broadcast_in_dim3A_164 : vector<16xf32> to vector<1x16xf32>
      tpu.vector_store %arg8[%swap3A_165, %swap3A_166], %swap3A_169 {strides = array<i32>} : memref<128x128xf32, #tpu.memory_space<vmem>>, vector<1x16xf32>,
    }
    %scan3A_5 = arith.constant 128 : i32
    %mul3A_6 = arith.constant 624 : i32
    %mul3A_7 = arith.muli %arg1, %mul3A_6 : i32
    %add3A_8 = arith.constant 0 : i32
    %add3A_9 = arith.addi %mul3A_7, %add3A_8 : i32
    "tpu.region"() ({
      %run_scoped3A_115 = tpu.sem_alloc : memref<!tpu.dma_semaphore, #tpu.memory_space<semaphore_mem>>
      %dma_start3A_116 = arith.constant 0 : i32
      %dma_start3A_117 = arith.constant 0 : i32
      %dma_start3A_118 = tpu.memref_slice %arg8[%dma_start3A_116, %dma_start3A_117] : memref<128x128xf32, #tpu.memory_space<vmem>> -> memref<128x128xf32, #tpu.memory_space<vmem>>
      %dma_start3A_119 = arith.constant 0 : i32
      %dma_start3A_120 = tpu.memref_slice %arg10[%add3A_9, %dma_start3A_119] : memref<10128x128xf32, #tpu.memory_space<vmem_shared>> -> memref<128x128xf32, #tpu.memory_space<vmem_shared>>
      %dma_start3A_121 = arith.constant 0 : i32
      %dma_start3A_122 = tpu.memref_slice %arg10[%add3A_9, %dma_start3A_121] : memref<10128x128xf32, #tpu.memory_space<vmem_shared>> -> memref<128x128xf32, #tpu.memory_space<vmem_shared>>
      %dma_start3A_123 = arith.constant 0 : i32
      %dma_start3A_124 = arith.constant 0 : i32
      %dma_start3A_125 = tpu.memref_slice %arg8[%dma_start3A_123, %dma_start3A_124] : memref<128x128xf32, #tpu.memory_space<vmem>> -> memref<128x128xf32, #tpu.memory_space<vmem>>
      tpu.enqueue_dma source(%dma_start3A_125 : memref<128x128xf32, #tpu.memory_space<vmem>>) target(%dma_start3A_122 : memref<128x128xf32, #tpu.memory_space<vmem_shared>>) target_semaphore(%run_scoped3A_115 : memref<!tpu.dma_semaphore, #tpu.memory_space<semaphore_mem>>)
      %dma_wait3A_126 = arith.constant 0 : i32
      %dma_wait3A_127 = arith.constant 0 : i32
      %dma_wait3A_128 = tpu.memref_slice %arg8[%dma_wait3A_126, %dma_wait3A_127] : memref<128x128xf32, #tpu.memory_space<vmem>> -> memref<128x128xf32, #tpu.memory_space<vmem>>
      %dma_wait3A_129 = arith.constant 0 : i32
      %dma_wait3A_130 = tpu.memref_slice %arg10[%add3A_9, %dma_wait3A_129] : memref<10128x128xf32, #tpu.memory_space<vmem_shared>> -> memref<128x128xf32, #tpu.memory_space<vmem_shared>>
      %dma_wait3A_131 = arith.constant 0 : i32
      %dma_wait3A_132 = tpu.memref_slice %arg10[%add3A_9, %dma_wait3A_131] : memref<10128x128xf32, #tpu.memory_space<vmem_shared>> -> memref<128x128xf32, #tpu.memory_space<vmem_shared>>
      %dma_wait3A_133 = arith.constant 0 : i32
      %dma_wait3A_134 = arith.constant 0 : i32
      %dma_wait3A_135 = tpu.memref_slice %arg8[%dma_wait3A_133, %dma_wait3A_134] : memref<128x128xf32, #tpu.memory_space<vmem>> -> memref<128x128xf32, #tpu.memory_space<vmem>>
      tpu.wait_dma2 semaphore(%run_scoped3A_115 : memref<!tpu.dma_semaphore, #tpu.memory_space<semaphore_mem>>) src(%dma_wait3A_135 : memref<128x128xf32, #tpu.memory_space<vmem>>) dst(%dma_wait3A_132 : memref<128x128xf32, #tpu.memory_space<vmem_shared>>)
      tpu.yield
    }) : () -> ()
    %mul3A_10 = arith.constant 624 : i32
    %mul3A_11 = arith.muli %arg1, %mul3A_10 : i32
    %add3A_12 = arith.constant 128 : i32
    %add3A_13 = arith.addi %mul3A_11, %add3A_12 : i32
    "tpu.region"() ({
      %run_scoped3A_115 = tpu.sem_alloc : memref<!tpu.dma_semaphore, #tpu.memory_space<semaphore_mem>>
      %dma_start3A_116 = arith.constant 0 : i32
      %dma_start3A_117 = arith.constant 0 : i32
      %dma_start3A_118 = tpu.memref_slice %arg8[%dma_start3A_116, %dma_start3A_117] : memref<128x128xf32, #tpu.memory_space<vmem>> -> memref<128x128xf32, #tpu.memory_space<vmem>>
      %dma_start3A_119 = arith.constant 0 : i32
      %dma_start3A_120 = tpu.memref_slice %arg10[%add3A_13, %dma_start3A_119] : memref<10128x128xf32, #tpu.memory_space<vmem_shared>> -> memref<128x128xf32, #tpu.memory_space<vmem_shared>>
      %dma_start3A_121 = arith.constant 0 : i32
      %dma_start3A_122 = tpu.memref_slice %arg10[%add3A_13, %dma_start3A_121] : memref<10128x128xf32, #tpu.memory_space<vmem_shared>> -> memref<128x128xf32, #tpu.memory_space<vmem_shared>>
      %dma_start3A_123 = arith.constant 0 : i32
      %dma_start3A_124 = arith.constant 0 : i32
      %dma_start3A_125 = tpu.memref_slice %arg8[%dma_start3A_123, %dma_start3A_124] : memref<128x128xf32, #tpu.memory_space<vmem>> -> memref<128x128xf32, #tpu.memory_space<vmem>>
      tpu.enqueue_dma source(%dma_start3A_125 : memref<128x128xf32, #tpu.memory_space<vmem>>) target(%dma_start3A_122 : memref<128x128xf32, #tpu.memory_space<vmem_shared>>) target_semaphore(%run_scoped3A_115 : memref<!tpu.dma_semaphore, #tpu.memory_space<semaphore_mem>>)
      %dma_wait3A_126 = arith.constant 0 : i32
      %dma_wait3A_127 = arith.constant 0 : i32
      %dma_wait3A_128 = tpu.memref_slice %arg8[%dma_wait3A_126, %dma_wait3A_127] : memref<128x128xf32, #tpu.memory_space<vmem>> -> memref<128x128xf32, #tpu.memory_space<vmem>>
      %dma_wait3A_129 = arith.constant 0 : i32
      %dma_wait3A_130 = tpu.memref_slice %arg10[%add3A_13, %dma_wait3A_129] : memref<10128x128xf32, #tpu.memory_space<vmem_shared>> -> memref<128x128xf32, #tpu.memory_space<vmem_shared>>
      %dma_wait3A_131 = arith.constant 0 : i32
      %dma_wait3A_132 = tpu.memref_slice %arg10[%add3A_13, %dma_wait3A_131] : memref<10128x128xf32, #tpu.memory_space<vmem_shared>> -> memref<128x128xf32, #tpu.memory_space<vmem_shared>>
      %dma_wait3A_133 = arith.constant 0 : i32
      %dma_wait3A_134 = arith.constant 0 : i32
      %dma_wait3A_135 = tpu.memref_slice %arg8[%dma_wait3A_133, %dma_wait3A_134] : memref<128x128xf32, #tpu.memory_space<vmem>> -> memref<128x128xf32, #tpu.memory_space<vmem>>
      tpu.wait_dma2 semaphore(%run_scoped3A_115 : memref<!tpu.dma_semaphore, #tpu.memory_space<semaphore_mem>>) src(%dma_wait3A_135 : memref<128x128xf32, #tpu.memory_space<vmem>>) dst(%dma_wait3A_132 : memref<128x128xf32, #tpu.memory_space<vmem_shared>>)
      tpu.yield
    }) : () -> ()
    %mul3A_14 = arith.constant 624 : i32
    %mul3A_15 = arith.muli %arg1, %mul3A_14 : i32
    %add3A_16 = arith.constant 256 : i32
    %add3A_17 = arith.addi %mul3A_15, %add3A_16 : i32
    "tpu.region"() ({
      %run_scoped3A_115 = tpu.sem_alloc : memref<!tpu.dma_semaphore, #tpu.memory_space<semaphore_mem>>
      %dma_start3A_116 = arith.constant 0 : i32
      %dma_start3A_117 = arith.constant 0 : i32
      %dma_start3A_118 = tpu.memref_slice %arg8[%dma_start3A_116, %dma_start3A_117] : memref<128x128xf32, #tpu.memory_space<vmem>> -> memref<128x128xf32, #tpu.memory_space<vmem>>
      %dma_start3A_119 = arith.constant 0 : i32
      %dma_start3A_120 = tpu.memref_slice %arg10[%add3A_17, %dma_start3A_119] : memref<10128x128xf32, #tpu.memory_space<vmem_shared>> -> memref<128x128xf32, #tpu.memory_space<vmem_shared>>
      %dma_start3A_121 = arith.constant 0 : i32
      %dma_start3A_122 = tpu.memref_slice %arg10[%add3A_17, %dma_start3A_121] : memref<10128x128xf32, #tpu.memory_space<vmem_shared>> -> memref<128x128xf32, #tpu.memory_space<vmem_shared>>
      %dma_start3A_123 = arith.constant 0 : i32
      %dma_start3A_124 = arith.constant 0 : i32
      %dma_start3A_125 = tpu.memref_slice %arg8[%dma_start3A_123, %dma_start3A_124] : memref<128x128xf32, #tpu.memory_space<vmem>> -> memref<128x128xf32, #tpu.memory_space<vmem>>
      tpu.enqueue_dma source(%dma_start3A_125 : memref<128x128xf32, #tpu.memory_space<vmem>>) target(%dma_start3A_122 : memref<128x128xf32, #tpu.memory_space<vmem_shared>>) target_semaphore(%run_scoped3A_115 : memref<!tpu.dma_semaphore, #tpu.memory_space<semaphore_mem>>)
      %dma_wait3A_126 = arith.constant 0 : i32
      %dma_wait3A_127 = arith.constant 0 : i32
      %dma_wait3A_128 = tpu.memref_slice %arg8[%dma_wait3A_126, %dma_wait3A_127] : memref<128x128xf32, #tpu.memory_space<vmem>> -> memref<128x128xf32, #tpu.memory_space<vmem>>
      %dma_wait3A_129 = arith.constant 0 : i32
      %dma_wait3A_130 = tpu.memref_slice %arg10[%add3A_17, %dma_wait3A_129] : memref<10128x128xf32, #tpu.memory_space<vmem_shared>> -> memref<128x128xf32, #tpu.memory_space<vmem_shared>>
      %dma_wait3A_131 = arith.constant 0 : i32
      %dma_wait3A_132 = tpu.memref_slice %arg10[%add3A_17, %dma_wait3A_131] : memref<10128x128xf32, #tpu.memory_space<vmem_shared>> -> memref<128x128xf32, #tpu.memory_space<vmem_shared>>
      %dma_wait3A_133 = arith.constant 0 : i32
      %dma_wait3A_134 = arith.constant 0 : i32
      %dma_wait3A_135 = tpu.memref_slice %arg8[%dma_wait3A_133, %dma_wait3A_134] : memref<128x128xf32, #tpu.memory_space<vmem>> -> memref<128x128xf32, #tpu.memory_space<vmem>>
      tpu.wait_dma2 semaphore(%run_scoped3A_115 : memref<!tpu.dma_semaphore, #tpu.memory_space<semaphore_mem>>) src(%dma_wait3A_135 : memref<128x128xf32, #tpu.memory_space<vmem>>) dst(%dma_wait3A_132 : memref<128x128xf32, #tpu.memory_space<vmem_shared>>)
      tpu.yield
    }) : () -> ()
    %mul3A_18 = arith.constant 624 : i32
    %mul3A_19 = arith.muli %arg1, %mul3A_18 : i32
    %add3A_20 = arith.constant 384 : i32
    %add3A_21 = arith.addi %mul3A_19, %add3A_20 : i32
    "tpu.region"() ({
      %run_scoped3A_115 = tpu.sem_alloc : memref<!tpu.dma_semaphore, #tpu.memory_space<semaphore_mem>>
      %dma_start3A_116 = arith.constant 0 : i32
      %dma_start3A_117 = arith.constant 0 : i32
      %dma_start3A_118 = tpu.memref_slice %arg8[%dma_start3A_116, %dma_start3A_117] : memref<128x128xf32, #tpu.memory_space<vmem>> -> memref<128x128xf32, #tpu.memory_space<vmem>>
      %dma_start3A_119 = arith.constant 0 : i32
      %dma_start3A_120 = tpu.memref_slice %arg10[%add3A_21, %dma_start3A_119] : memref<10128x128xf32, #tpu.memory_space<vmem_shared>> -> memref<128x128xf32, #tpu.memory_space<vmem_shared>>
      %dma_start3A_121 = arith.constant 0 : i32
      %dma_start3A_122 = tpu.memref_slice %arg10[%add3A_21, %dma_start3A_121] : memref<10128x128xf32, #tpu.memory_space<vmem_shared>> -> memref<128x128xf32, #tpu.memory_space<vmem_shared>>
      %dma_start3A_123 = arith.constant 0 : i32
      %dma_start3A_124 = arith.constant 0 : i32
      %dma_start3A_125 = tpu.memref_slice %arg8[%dma_start3A_123, %dma_start3A_124] : memref<128x128xf32, #tpu.memory_space<vmem>> -> memref<128x128xf32, #tpu.memory_space<vmem>>
      tpu.enqueue_dma source(%dma_start3A_125 : memref<128x128xf32, #tpu.memory_space<vmem>>) target(%dma_start3A_122 : memref<128x128xf32, #tpu.memory_space<vmem_shared>>) target_semaphore(%run_scoped3A_115 : memref<!tpu.dma_semaphore, #tpu.memory_space<semaphore_mem>>)
      %dma_wait3A_126 = arith.constant 0 : i32
      %dma_wait3A_127 = arith.constant 0 : i32
      %dma_wait3A_128 = tpu.memref_slice %arg8[%dma_wait3A_126, %dma_wait3A_127] : memref<128x128xf32, #tpu.memory_space<vmem>> -> memref<128x128xf32, #tpu.memory_space<vmem>>
      %dma_wait3A_129 = arith.constant 0 : i32
      %dma_wait3A_130 = tpu.memref_slice %arg10[%add3A_21, %dma_wait3A_129] : memref<10128x128xf32, #tpu.memory_space<vmem_shared>> -> memref<128x128xf32, #tpu.memory_space<vmem_shared>>
      %dma_wait3A_131 = arith.constant 0 : i32
      %dma_wait3A_132 = tpu.memref_slice %arg10[%add3A_21, %dma_wait3A_131] : memref<10128x128xf32, #tpu.memory_space<vmem_shared>> -> memref<128x128xf32, #tpu.memory_space<vmem_shared>>
      %dma_wait3A_133 = arith.constant 0 : i32
      %dma_wait3A_134 = arith.constant 0 : i32
      %dma_wait3A_135 = tpu.memref_slice %arg8[%dma_wait3A_133, %dma_wait3A_134] : memref<128x128xf32, #tpu.memory_space<vmem>> -> memref<128x128xf32, #tpu.memory_space<vmem>>
      tpu.wait_dma2 semaphore(%run_scoped3A_115 : memref<!tpu.dma_semaphore, #tpu.memory_space<semaphore_mem>>) src(%dma_wait3A_135 : memref<128x128xf32, #tpu.memory_space<vmem>>) dst(%dma_wait3A_132 : memref<128x128xf32, #tpu.memory_space<vmem_shared>>)
      tpu.yield
    }) : () -> ()
    %mul3A_22 = arith.constant 624 : i32
    %mul3A_23 = arith.muli %arg1, %mul3A_22 : i32
    %add3A_24 = arith.constant 512 : i32
    %add3A_25 = arith.addi %mul3A_23, %add3A_24 : i32
    "tpu.region"() ({
      %run_scoped3A_115 = tpu.sem_alloc : memref<!tpu.dma_semaphore, #tpu.memory_space<semaphore_mem>>
      %dma_start3A_116 = arith.constant 0 : i32
      %dma_start3A_117 = arith.constant 0 : i32
      %dma_start3A_118 = tpu.memref_slice %arg8[%dma_start3A_116, %dma_start3A_117] : memref<128x128xf32, #tpu.memory_space<vmem>> -> memref<112x128xf32, #tpu.memory_space<vmem>>
      %dma_start3A_119 = arith.constant 0 : i32
      %dma_start3A_120 = tpu.memref_slice %arg10[%add3A_25, %dma_start3A_119] : memref<10128x128xf32, #tpu.memory_space<vmem_shared>> -> memref<112x128xf32, #tpu.memory_space<vmem_shared>>
      %dma_start3A_121 = arith.constant 0 : i32
      %dma_start3A_122 = tpu.memref_slice %arg10[%add3A_25, %dma_start3A_121] : memref<10128x128xf32, #tpu.memory_space<vmem_shared>> -> memref<112x128xf32, #tpu.memory_space<vmem_shared>>
      %dma_start3A_123 = arith.constant 0 : i32
      %dma_start3A_124 = arith.constant 0 : i32
      %dma_start3A_125 = tpu.memref_slice %arg8[%dma_start3A_123, %dma_start3A_124] : memref<128x128xf32, #tpu.memory_space<vmem>> -> memref<112x128xf32, #tpu.memory_space<vmem>>
      tpu.enqueue_dma source(%dma_start3A_125 : memref<112x128xf32, #tpu.memory_space<vmem>>) target(%dma_start3A_122 : memref<112x128xf32, #tpu.memory_space<vmem_shared>>) target_semaphore(%run_scoped3A_115 : memref<!tpu.dma_semaphore, #tpu.memory_space<semaphore_mem>>)
      %dma_wait3A_126 = arith.constant 0 : i32
      %dma_wait3A_127 = arith.constant 0 : i32
      %dma_wait3A_128 = tpu.memref_slice %arg8[%dma_wait3A_126, %dma_wait3A_127] : memref<128x128xf32, #tpu.memory_space<vmem>> -> memref<112x128xf32, #tpu.memory_space<vmem>>
      %dma_wait3A_129 = arith.constant 0 : i32
      %dma_wait3A_130 = tpu.memref_slice %arg10[%add3A_25, %dma_wait3A_129] : memref<10128x128xf32, #tpu.memory_space<vmem_shared>> -> memref<112x128xf32, #tpu.memory_space<vmem_shared>>
      %dma_wait3A_131 = arith.constant 0 : i32
      %dma_wait3A_132 = tpu.memref_slice %arg10[%add3A_25, %dma_wait3A_131] : memref<10128x128xf32, #tpu.memory_space<vmem_shared>> -> memref<112x128xf32, #tpu.memory_space<vmem_shared>>
      %dma_wait3A_133 = arith.constant 0 : i32
      %dma_wait3A_134 = arith.constant 0 : i32
      %dma_wait3A_135 = tpu.memref_slice %arg8[%dma_wait3A_133, %dma_wait3A_134] : memref<128x128xf32, #tpu.memory_space<vmem>> -> memref<112x128xf32, #tpu.memory_space<vmem>>
      tpu.wait_dma2 semaphore(%run_scoped3A_115 : memref<!tpu.dma_semaphore, #tpu.memory_space<semaphore_mem>>) src(%dma_wait3A_135 : memref<112x128xf32, #tpu.memory_space<vmem>>) dst(%dma_wait3A_132 : memref<112x128xf32, #tpu.memory_space<vmem_shared>>)
      tpu.yield
    }) : () -> ()
    %eq3A = arith.constant 0 : i32
    %eq3A_26 = arith.cmpi eq, %arg1, %eq3A : i32
    %convert_element_type3A = arith.extui %eq3A_26 : i1 to i32
    %cond3A = arith.constant 0 : i32
    %cond3A_27 = arith.cmpi ne, %convert_element_type3A, %cond3A : i32
    scf.if %cond3A_27 {
      "tpu.region"() ({
        %run_scoped3A_115 = tpu.sem_alloc : memref<!tpu.dma_semaphore, #tpu.memory_space<semaphore_mem>>
        %dma_start3A_116 = arith.constant 0 : i32
        %dma_start3A_117 = arith.constant 0 : i32
        %dma_start3A_118 = tpu.memref_slice %arg8[%dma_start3A_116, %dma_start3A_117] : memref<128x128xf32, #tpu.memory_space<vmem>> -> memref<16x128xf32, #tpu.memory_space<vmem>>
        %dma_start3A_119 = arith.constant 9984 : i32
        %dma_start3A_120 = arith.constant 0 : i32
        %dma_start3A_121 = tpu.memref_slice %arg10[%dma_start3A_119, %dma_start3A_120] : memref<10128x128xf32, #tpu.memory_space<vmem_shared>> -> memref<16x128xf32, #tpu.memory_space<vmem_shared>>
        %dma_start3A_122 = arith.constant 9984 : i32
        %dma_start3A_123 = arith.constant 0 : i32
        %dma_start3A_124 = tpu.memref_slice %arg10[%dma_start3A_122, %dma_start3A_123] : memref<10128x128xf32, #tpu.memory_space<vmem_shared>> -> memref<16x128xf32, #tpu.memory_space<vmem_shared>>
        %dma_start3A_125 = arith.constant 0 : i32
        %dma_start3A_126 = arith.constant 0 : i32
        %dma_start3A_127 = tpu.memref_slice %arg8[%dma_start3A_125, %dma_start3A_126] : memref<128x128xf32, #tpu.memory_space<vmem>> -> memref<16x128xf32, #tpu.memory_space<vmem>>
        tpu.enqueue_dma source(%dma_start3A_127 : memref<16x128xf32, #tpu.memory_space<vmem>>) target(%dma_start3A_124 : memref<16x128xf32, #tpu.memory_space<vmem_shared>>) target_semaphore(%run_scoped3A_115 : memref<!tpu.dma_semaphore, #tpu.memory_space<semaphore_mem>>)
        %dma_wait3A_128 = arith.constant 0 : i32
        %dma_wait3A_129 = arith.constant 0 : i32
        %dma_wait3A_130 = tpu.memref_slice %arg8[%dma_wait3A_128, %dma_wait3A_129] : memref<128x128xf32, #tpu.memory_space<vmem>> -> memref<16x128xf32, #tpu.memory_space<vmem>>
        %dma_wait3A_131 = arith.constant 9984 : i32
        %dma_wait3A_132 = arith.constant 0 : i32
        %dma_wait3A_133 = tpu.memref_slice %arg10[%dma_wait3A_131, %dma_wait3A_132] : memref<10128x128xf32, #tpu.memory_space<vmem_shared>> -> memref<16x128xf32, #tpu.memory_space<vmem_shared>>
        %dma_wait3A_134 = arith.constant 9984 : i32
        %dma_wait3A_135 = arith.constant 0 : i32
        %dma_wait3A_136 = tpu.memref_slice %arg10[%dma_wait3A_134, %dma_wait3A_135] : memref<10128x128xf32, #tpu.memory_space<vmem_shared>> -> memref<16x128xf32, #tpu.memory_space<vmem_shared>>
        %dma_wait3A_137 = arith.constant 0 : i32
        %dma_wait3A_138 = arith.constant 0 : i32
        %dma_wait3A_139 = tpu.memref_slice %arg8[%dma_wait3A_137, %dma_wait3A_138] : memref<128x128xf32, #tpu.memory_space<vmem>> -> memref<16x128xf32, #tpu.memory_space<vmem>>
        tpu.wait_dma2 semaphore(%run_scoped3A_115 : memref<!tpu.dma_semaphore, #tpu.memory_space<semaphore_mem>>) src(%dma_wait3A_139 : memref<16x128xf32, #tpu.memory_space<vmem>>) dst(%dma_wait3A_136 : memref<16x128xf32, #tpu.memory_space<vmem_shared>>)
        tpu.yield
      }) : () -> ()
    } else {
    }
    %barrier3A = arith.constant 0 : index
    tpu.barrier barrier_id(%barrier3A)
    "tpu.trace_start"() <{level = 10 : i32, message = "edge_phase_0"}> : () -> ()
    %mul3A_28 = arith.constant 80 : i32
    %mul3A_29 = arith.muli %add3A, %mul3A_28 : i32
    %add3A_30 = arith.constant 0 : i32
    %add3A_31 = arith.addi %mul3A_29, %add3A_30 : i32
    "tpu.region"() ({
      %run_scoped3A_115 = tpu.sem_alloc : memref<!tpu.dma_semaphore, #tpu.memory_space<semaphore_mem>>
      %dma_start3A_116 = arith.constant 0 : i32
      %dma_start3A_117 = arith.constant 0 : i32
      %dma_start3A_118 = tpu.memref_slice %arg6[%dma_start3A_116, %dma_start3A_117] : memref<40x128xi32, #tpu.memory_space<vmem>> -> memref<40x128xi32, #tpu.memory_space<vmem>>
      %dma_start3A_119 = arith.constant 0 : i32
      %dma_start3A_120 = tpu.memref_slice %arg3[%add3A_31, %dma_start3A_119] : memref<2560x128xi32, #tpu.memory_space<hbm>> -> memref<40x128xi32, #tpu.memory_space<hbm>>
      %dma_start3A_121 = arith.constant 0 : i32
      %dma_start3A_122 = arith.constant 0 : i32
      %dma_start3A_123 = tpu.memref_slice %arg6[%dma_start3A_121, %dma_start3A_122] : memref<40x128xi32, #tpu.memory_space<vmem>> -> memref<40x128xi32, #tpu.memory_space<vmem>>
      %dma_start3A_124 = arith.constant 0 : i32
      %dma_start3A_125 = tpu.memref_slice %arg3[%add3A_31, %dma_start3A_124] : memref<2560x128xi32, #tpu.memory_space<hbm>> -> memref<40x128xi32, #tpu.memory_space<hbm>>
      tpu.enqueue_dma source(%dma_start3A_125 : memref<40x128xi32, #tpu.memory_space<hbm>>) target(%dma_start3A_123 : memref<40x128xi32, #tpu.memory_space<vmem>>) target_semaphore(%run_scoped3A_115 : memref<!tpu.dma_semaphore, #tpu.memory_space<semaphore_mem>>)
      %dma_wait3A_126 = arith.constant 0 : i32
      %dma_wait3A_127 = arith.constant 0 : i32
      %dma_wait3A_128 = tpu.memref_slice %arg6[%dma_wait3A_126, %dma_wait3A_127] : memref<40x128xi32, #tpu.memory_space<vmem>> -> memref<40x128xi32, #tpu.memory_space<vmem>>
      %dma_wait3A_129 = arith.constant 0 : i32
      %dma_wait3A_130 = tpu.memref_slice %arg3[%add3A_31, %dma_wait3A_129] : memref<2560x128xi32, #tpu.memory_space<hbm>> -> memref<40x128xi32, #tpu.memory_space<hbm>>
      %dma_wait3A_131 = arith.constant 0 : i32
      %dma_wait3A_132 = arith.constant 0 : i32
      %dma_wait3A_133 = tpu.memref_slice %arg6[%dma_wait3A_131, %dma_wait3A_132] : memref<40x128xi32, #tpu.memory_space<vmem>> -> memref<40x128xi32, #tpu.memory_space<vmem>>
      %dma_wait3A_134 = arith.constant 0 : i32
      %dma_wait3A_135 = tpu.memref_slice %arg3[%add3A_31, %dma_wait3A_134] : memref<2560x128xi32, #tpu.memory_space<hbm>> -> memref<40x128xi32, #tpu.memory_space<hbm>>
      tpu.wait_dma2 semaphore(%run_scoped3A_115 : memref<!tpu.dma_semaphore, #tpu.memory_space<semaphore_mem>>) src(%dma_wait3A_135 : memref<40x128xi32, #tpu.memory_space<hbm>>) dst(%dma_wait3A_133 : memref<40x128xi32, #tpu.memory_space<vmem>>)
      tpu.yield
    }) : () -> ()
    "tpu.region"() ({
      %run_scoped3A_115 = tpu.sem_alloc : memref<!tpu.dma_semaphore, #tpu.memory_space<semaphore_mem>>
      %dma_start3A_116 = arith.constant 0 : i32
      %dma_start3A_117 = arith.constant 0 : i32
      %dma_start3A_118 = tpu.memref_slice %arg7[%dma_start3A_116, %dma_start3A_117] : memref<40x128xi32, #tpu.memory_space<vmem>> -> memref<40x128xi32, #tpu.memory_space<vmem>>
      %dma_start3A_119 = arith.constant 0 : i32
      %dma_start3A_120 = tpu.memref_slice %arg4[%add3A_31, %dma_start3A_119] : memref<2560x128xi32, #tpu.memory_space<hbm>> -> memref<40x128xi32, #tpu.memory_space<hbm>>
      %dma_start3A_121 = arith.constant 0 : i32
      %dma_start3A_122 = arith.constant 0 : i32
      %dma_start3A_123 = tpu.memref_slice %arg7[%dma_start3A_121, %dma_start3A_122] : memref<40x128xi32, #tpu.memory_space<vmem>> -> memref<40x128xi32, #tpu.memory_space<vmem>>
      %dma_start3A_124 = arith.constant 0 : i32
      %dma_start3A_125 = tpu.memref_slice %arg4[%add3A_31, %dma_start3A_124] : memref<2560x128xi32, #tpu.memory_space<hbm>> -> memref<40x128xi32, #tpu.memory_space<hbm>>
      tpu.enqueue_dma source(%dma_start3A_125 : memref<40x128xi32, #tpu.memory_space<hbm>>) target(%dma_start3A_123 : memref<40x128xi32, #tpu.memory_space<vmem>>) target_semaphore(%run_scoped3A_115 : memref<!tpu.dma_semaphore, #tpu.memory_space<semaphore_mem>>)
      %dma_wait3A_126 = arith.constant 0 : i32
      %dma_wait3A_127 = arith.constant 0 : i32
      %dma_wait3A_128 = tpu.memref_slice %arg7[%dma_wait3A_126, %dma_wait3A_127] : memref<40x128xi32, #tpu.memory_space<vmem>> -> memref<40x128xi32, #tpu.memory_space<vmem>>
      %dma_wait3A_129 = arith.constant 0 : i32
      %dma_wait3A_130 = tpu.memref_slice %arg4[%add3A_31, %dma_wait3A_129] : memref<2560x128xi32, #tpu.memory_space<hbm>> -> memref<40x128xi32, #tpu.memory_space<hbm>>
      %dma_wait3A_131 = arith.constant 0 : i32
      %dma_wait3A_132 = arith.constant 0 : i32
      %dma_wait3A_133 = tpu.memref_slice %arg7[%dma_wait3A_131, %dma_wait3A_132] : memref<40x128xi32, #tpu.memory_space<vmem>> -> memref<40x128xi32, #tpu.memory_space<vmem>>
      %dma_wait3A_134 = arith.constant 0 : i32
      %dma_wait3A_135 = tpu.memref_slice %arg4[%add3A_31, %dma_wait3A_134] : memref<2560x128xi32, #tpu.memory_space<hbm>> -> memref<40x128xi32, #tpu.memory_space<hbm>>
      tpu.wait_dma2 semaphore(%run_scoped3A_115 : memref<!tpu.dma_semaphore, #tpu.memory_space<semaphore_mem>>) src(%dma_wait3A_135 : memref<40x128xi32, #tpu.memory_space<hbm>>) dst(%dma_wait3A_133 : memref<40x128xi32, #tpu.memory_space<vmem>>)
      tpu.yield
    }) : () -> ()
    %dma_start3A = arith.constant 0 : i32
    %dma_start3A_32 = arith.constant 0 : i32
    %dma_start3A_33 = tpu.memref_slice %arg6[%dma_start3A, %dma_start3A_32] : memref<40x128xi32, #tpu.memory_space<vmem>> -> memref<1x128xi32, #tpu.memory_space<vmem>>
    %dma_start3A_34 = tpu.memref_squeeze %dma_start3A_33 : memref<1x128xi32, #tpu.memory_space<vmem>> -> memref<128xi32, #tpu.memory_space<vmem>>
    %dma_start3A_35 = arith.constant 0 : i32
    %dma_start3A_36 = arith.constant 0 : i32
    %dma_start3A_37 = tpu.memref_slice %arg2[%dma_start3A_35, %dma_start3A_36] : memref<10128x128xf32, #tpu.memory_space<hbm>> -> memref<10128x128xf32, #tpu.memory_space<hbm>>
    tpu.enqueue_indirect_dma source(%dma_start3A_37 : memref<10128x128xf32, #tpu.memory_space<hbm>>) target(%arg8 : memref<128x128xf32, #tpu.memory_space<vmem>>) offsets(%dma_start3A_34 : memref<128xi32, #tpu.memory_space<vmem>>) semaphore(%arg11 : memref<!tpu.dma_semaphore, #tpu.memory_space<semaphore_mem>>)
    %scan3A_38 = arith.constant 0 : i32
    %scan3A_39 = arith.constant 0 : i32
    %scan3A_40 = arith.constant 19 : i32
    %scan3A_41 = arith.addi %scan3A_39, %scan3A_40 : i32
    %scan3A_42 = arith.constant 1 : i32
    scf.for %scan3A_115 = %scan3A_39 to %scan3A_41 step %scan3A_42  : i32 {
      %mul3A_116 = arith.constant 2 : i32
      %mul3A_117 = arith.muli %mul3A_116, %scan3A_115 : i32
      %add3A_118 = arith.constant 1 : i32
      %add3A_119 = arith.addi %mul3A_117, %add3A_118 : i32
      %dma_start3A_120 = arith.constant 0 : i32
      %dma_start3A_121 = tpu.memref_slice %arg6[%add3A_119, %dma_start3A_120] : memref<40x128xi32, #tpu.memory_space<vmem>> -> memref<1x128xi32, #tpu.memory_space<vmem>>
      %dma_start3A_122 = tpu.memref_squeeze %dma_start3A_121 : memref<1x128xi32, #tpu.memory_space<vmem>> -> memref<128xi32, #tpu.memory_space<vmem>>
      %dma_start3A_123 = arith.constant 0 : i32
      %dma_start3A_124 = arith.constant 0 : i32
      %dma_start3A_125 = tpu.memref_slice %arg2[%dma_start3A_123, %dma_start3A_124] : memref<10128x128xf32, #tpu.memory_space<hbm>> -> memref<10128x128xf32, #tpu.memory_space<hbm>>
      tpu.enqueue_indirect_dma source(%dma_start3A_125 : memref<10128x128xf32, #tpu.memory_space<hbm>>) target(%arg9 : memref<128x128xf32, #tpu.memory_space<vmem>>) offsets(%dma_start3A_122 : memref<128xi32, #tpu.memory_space<vmem>>) semaphore(%arg12 : memref<!tpu.dma_semaphore, #tpu.memory_space<semaphore_mem>>)
      %dma_wait3A_126 = arith.constant 0 : i32
      %dma_wait3A_127 = tpu.memref_slice %arg6[%mul3A_117, %dma_wait3A_126] : memref<40x128xi32, #tpu.memory_space<vmem>> -> memref<1x128xi32, #tpu.memory_space<vmem>>
      %dma_wait3A_128 = tpu.memref_squeeze %dma_wait3A_127 : memref<1x128xi32, #tpu.memory_space<vmem>> -> memref<128xi32, #tpu.memory_space<vmem>>
      %dma_wait3A_129 = arith.constant 0 : i32
      %dma_wait3A_130 = arith.constant 0 : i32
      %dma_wait3A_131 = tpu.memref_slice %arg2[%dma_wait3A_129, %dma_wait3A_130] : memref<10128x128xf32, #tpu.memory_space<hbm>> -> memref<10128x128xf32, #tpu.memory_space<hbm>>
      tpu.wait_indirect_dma semaphore(%arg11 : memref<!tpu.dma_semaphore, #tpu.memory_space<semaphore_mem>>) src(%dma_wait3A_131 : memref<10128x128xf32, #tpu.memory_space<hbm>>) dst(%arg8 : memref<128x128xf32, #tpu.memory_space<vmem>>)
      "tpu.region"() ({
        %run_scoped3A_150 = tpu.sem_alloc : memref<!tpu.dma_semaphore, #tpu.memory_space<semaphore_mem>>
        %dma_start3A_151 = arith.constant 0 : i32
        %dma_start3A_152 = tpu.memref_slice %arg7[%mul3A_117, %dma_start3A_151] : memref<40x128xi32, #tpu.memory_space<vmem>> -> memref<1x128xi32, #tpu.memory_space<vmem>>
        %dma_start3A_153 = tpu.memref_squeeze %dma_start3A_152 : memref<1x128xi32, #tpu.memory_space<vmem>> -> memref<128xi32, #tpu.memory_space<vmem>>
        %dma_start3A_154 = arith.constant 0 : i32
        %dma_start3A_155 = arith.constant 0 : i32
        %dma_start3A_156 = tpu.memref_slice %arg10[%dma_start3A_154, %dma_start3A_155] : memref<10128x128xf32, #tpu.memory_space<vmem_shared>> -> memref<10128x128xf32, #tpu.memory_space<vmem_shared>>
        tpu.enqueue_indirect_dma source(%arg8 : memref<128x128xf32, #tpu.memory_space<vmem>>) target(%dma_start3A_156 : memref<10128x128xf32, #tpu.memory_space<vmem_shared>>) offsets(%dma_start3A_153 : memref<128xi32, #tpu.memory_space<vmem>>) semaphore(%run_scoped3A_150 : memref<!tpu.dma_semaphore, #tpu.memory_space<semaphore_mem>>) {add = true}
        %dma_wait3A_157 = arith.constant 0 : i32
        %dma_wait3A_158 = tpu.memref_slice %arg7[%mul3A_117, %dma_wait3A_157] : memref<40x128xi32, #tpu.memory_space<vmem>> -> memref<1x128xi32, #tpu.memory_space<vmem>>
        %dma_wait3A_159 = tpu.memref_squeeze %dma_wait3A_158 : memref<1x128xi32, #tpu.memory_space<vmem>> -> memref<128xi32, #tpu.memory_space<vmem>>
        %dma_wait3A_160 = arith.constant 0 : i32
        %dma_wait3A_161 = arith.constant 0 : i32
        %dma_wait3A_162 = tpu.memref_slice %arg10[%dma_wait3A_160, %dma_wait3A_161] : memref<10128x128xf32, #tpu.memory_space<vmem_shared>> -> memref<10128x128xf32, #tpu.memory_space<vmem_shared>>
        tpu.wait_indirect_dma semaphore(%run_scoped3A_150 : memref<!tpu.dma_semaphore, #tpu.memory_space<semaphore_mem>>) src(%arg8 : memref<128x128xf32, #tpu.memory_space<vmem>>) dst(%dma_wait3A_162 : memref<10128x128xf32, #tpu.memory_space<vmem_shared>>)
        tpu.yield
      }) : () -> ()
      %add3A_132 = arith.constant 2 : i32
      %add3A_133 = arith.addi %mul3A_117, %add3A_132 : i32
      %dma_start3A_134 = arith.constant 0 : i32
      %dma_start3A_135 = tpu.memref_slice %arg6[%add3A_133, %dma_start3A_134] : memref<40x128xi32, #tpu.memory_space<vmem>> -> memref<1x128xi32, #tpu.memory_space<vmem>>
      %dma_start3A_136 = tpu.memref_squeeze %dma_start3A_135 : memref<1x128xi32, #tpu.memory_space<vmem>> -> memref<128xi32, #tpu.memory_space<vmem>>
      %dma_start3A_137 = arith.constant 0 : i32
      %dma_start3A_138 = arith.constant 0 : i32
      %dma_start3A_139 = tpu.memref_slice %arg2[%dma_start3A_137, %dma_start3A_138] : memref<10128x128xf32, #tpu.memory_space<hbm>> -> memref<10128x128xf32, #tpu.memory_space<hbm>>
      tpu.enqueue_indirect_dma source(%dma_start3A_139 : memref<10128x128xf32, #tpu.memory_space<hbm>>) target(%arg8 : memref<128x128xf32, #tpu.memory_space<vmem>>) offsets(%dma_start3A_136 : memref<128xi32, #tpu.memory_space<vmem>>) semaphore(%arg11 : memref<!tpu.dma_semaphore, #tpu.memory_space<semaphore_mem>>)
      %add3A_140 = arith.constant 1 : i32
      %add3A_141 = arith.addi %mul3A_117, %add3A_140 : i32
      %dma_wait3A_142 = arith.constant 0 : i32
      %dma_wait3A_143 = tpu.memref_slice %arg6[%add3A_141, %dma_wait3A_142] : memref<40x128xi32, #tpu.memory_space<vmem>> -> memref<1x128xi32, #tpu.memory_space<vmem>>
      %dma_wait3A_144 = tpu.memref_squeeze %dma_wait3A_143 : memref<1x128xi32, #tpu.memory_space<vmem>> -> memref<128xi32, #tpu.memory_space<vmem>>
      %dma_wait3A_145 = arith.constant 0 : i32
      %dma_wait3A_146 = arith.constant 0 : i32
      %dma_wait3A_147 = tpu.memref_slice %arg2[%dma_wait3A_145, %dma_wait3A_146] : memref<10128x128xf32, #tpu.memory_space<hbm>> -> memref<10128x128xf32, #tpu.memory_space<hbm>>
      tpu.wait_indirect_dma semaphore(%arg12 : memref<!tpu.dma_semaphore, #tpu.memory_space<semaphore_mem>>) src(%dma_wait3A_147 : memref<10128x128xf32, #tpu.memory_space<hbm>>) dst(%arg9 : memref<128x128xf32, #tpu.memory_space<vmem>>)
      %add3A_148 = arith.constant 1 : i32
      %add3A_149 = arith.addi %mul3A_117, %add3A_148 : i32
      "tpu.region"() ({
        %run_scoped3A_150 = tpu.sem_alloc : memref<!tpu.dma_semaphore, #tpu.memory_space<semaphore_mem>>
        %dma_start3A_151 = arith.constant 0 : i32
        %dma_start3A_152 = tpu.memref_slice %arg7[%add3A_149, %dma_start3A_151] : memref<40x128xi32, #tpu.memory_space<vmem>> -> memref<1x128xi32, #tpu.memory_space<vmem>>
        %dma_start3A_153 = tpu.memref_squeeze %dma_start3A_152 : memref<1x128xi32, #tpu.memory_space<vmem>> -> memref<128xi32, #tpu.memory_space<vmem>>
        %dma_start3A_154 = arith.constant 0 : i32
        %dma_start3A_155 = arith.constant 0 : i32
        %dma_start3A_156 = tpu.memref_slice %arg10[%dma_start3A_154, %dma_start3A_155] : memref<10128x128xf32, #tpu.memory_space<vmem_shared>> -> memref<10128x128xf32, #tpu.memory_space<vmem_shared>>
        tpu.enqueue_indirect_dma source(%arg9 : memref<128x128xf32, #tpu.memory_space<vmem>>) target(%dma_start3A_156 : memref<10128x128xf32, #tpu.memory_space<vmem_shared>>) offsets(%dma_start3A_153 : memref<128xi32, #tpu.memory_space<vmem>>) semaphore(%run_scoped3A_150 : memref<!tpu.dma_semaphore, #tpu.memory_space<semaphore_mem>>) {add = true}
        %dma_wait3A_157 = arith.constant 0 : i32
        %dma_wait3A_158 = tpu.memref_slice %arg7[%add3A_149, %dma_wait3A_157] : memref<40x128xi32, #tpu.memory_space<vmem>> -> memref<1x128xi32, #tpu.memory_space<vmem>>
        %dma_wait3A_159 = tpu.memref_squeeze %dma_wait3A_158 : memref<1x128xi32, #tpu.memory_space<vmem>> -> memref<128xi32, #tpu.memory_space<vmem>>
        %dma_wait3A_160 = arith.constant 0 : i32
        %dma_wait3A_161 = arith.constant 0 : i32
        %dma_wait3A_162 = tpu.memref_slice %arg10[%dma_wait3A_160, %dma_wait3A_161] : memref<10128x128xf32, #tpu.memory_space<vmem_shared>> -> memref<10128x128xf32, #tpu.memory_space<vmem_shared>>
        tpu.wait_indirect_dma semaphore(%run_scoped3A_150 : memref<!tpu.dma_semaphore, #tpu.memory_space<semaphore_mem>>) src(%arg9 : memref<128x128xf32, #tpu.memory_space<vmem>>) dst(%dma_wait3A_162 : memref<10128x128xf32, #tpu.memory_space<vmem_shared>>)
        tpu.yield
      }) : () -> ()
    }
    %scan3A_43 = arith.constant 19 : i32
    %dma_start3A_44 = arith.constant 39 : i32
    %dma_start3A_45 = arith.constant 0 : i32
    %dma_start3A_46 = tpu.memref_slice %arg6[%dma_start3A_44, %dma_start3A_45] : memref<40x128xi32, #tpu.memory_space<vmem>> -> memref<1x128xi32, #tpu.memory_space<vmem>>
    %dma_start3A_47 = tpu.memref_squeeze %dma_start3A_46 : memref<1x128xi32, #tpu.memory_space<vmem>> -> memref<128xi32, #tpu.memory_space<vmem>>
    %dma_start3A_48 = arith.constant 0 : i32
    %dma_start3A_49 = arith.constant 0 : i32
    %dma_start3A_50 = tpu.memref_slice %arg2[%dma_start3A_48, %dma_start3A_49] : memref<10128x128xf32, #tpu.memory_space<hbm>> -> memref<10128x128xf32, #tpu.memory_space<hbm>>
    tpu.enqueue_indirect_dma source(%dma_start3A_50 : memref<10128x128xf32, #tpu.memory_space<hbm>>) target(%arg9 : memref<128x128xf32, #tpu.memory_space<vmem>>) offsets(%dma_start3A_47 : memref<128xi32, #tpu.memory_space<vmem>>) semaphore(%arg12 : memref<!tpu.dma_semaphore, #tpu.memory_space<semaphore_mem>>)
    %dma_wait3A = arith.constant 38 : i32
    %dma_wait3A_51 = arith.constant 0 : i32
    %dma_wait3A_52 = tpu.memref_slice %arg6[%dma_wait3A, %dma_wait3A_51] : memref<40x128xi32, #tpu.memory_space<vmem>> -> memref<1x128xi32, #tpu.memory_space<vmem>>
    %dma_wait3A_53 = tpu.memref_squeeze %dma_wait3A_52 : memref<1x128xi32, #tpu.memory_space<vmem>> -> memref<128xi32, #tpu.memory_space<vmem>>
    %dma_wait3A_54 = arith.constant 0 : i32
    %dma_wait3A_55 = arith.constant 0 : i32
    %dma_wait3A_56 = tpu.memref_slice %arg2[%dma_wait3A_54, %dma_wait3A_55] : memref<10128x128xf32, #tpu.memory_space<hbm>> -> memref<10128x128xf32, #tpu.memory_space<hbm>>
    tpu.wait_indirect_dma semaphore(%arg11 : memref<!tpu.dma_semaphore, #tpu.memory_space<semaphore_mem>>) src(%dma_wait3A_56 : memref<10128x128xf32, #tpu.memory_space<hbm>>) dst(%arg8 : memref<128x128xf32, #tpu.memory_space<vmem>>)
    %run_scoped3A = arith.constant 38 : i32
    "tpu.region"() ({
      %run_scoped3A_115 = tpu.sem_alloc : memref<!tpu.dma_semaphore, #tpu.memory_space<semaphore_mem>>
      %dma_start3A_116 = arith.constant 0 : i32
      %dma_start3A_117 = tpu.memref_slice %arg7[%run_scoped3A, %dma_start3A_116] : memref<40x128xi32, #tpu.memory_space<vmem>> -> memref<1x128xi32, #tpu.memory_space<vmem>>
      %dma_start3A_118 = tpu.memref_squeeze %dma_start3A_117 : memref<1x128xi32, #tpu.memory_space<vmem>> -> memref<128xi32, #tpu.memory_space<vmem>>
      %dma_start3A_119 = arith.constant 0 : i32
      %dma_start3A_120 = arith.constant 0 : i32
      %dma_start3A_121 = tpu.memref_slice %arg10[%dma_start3A_119, %dma_start3A_120] : memref<10128x128xf32, #tpu.memory_space<vmem_shared>> -> memref<10128x128xf32, #tpu.memory_space<vmem_shared>>
      tpu.enqueue_indirect_dma source(%arg8 : memref<128x128xf32, #tpu.memory_space<vmem>>) target(%dma_start3A_121 : memref<10128x128xf32, #tpu.memory_space<vmem_shared>>) offsets(%dma_start3A_118 : memref<128xi32, #tpu.memory_space<vmem>>) semaphore(%run_scoped3A_115 : memref<!tpu.dma_semaphore, #tpu.memory_space<semaphore_mem>>) {add = true}
      %dma_wait3A_122 = arith.constant 0 : i32
      %dma_wait3A_123 = tpu.memref_slice %arg7[%run_scoped3A, %dma_wait3A_122] : memref<40x128xi32, #tpu.memory_space<vmem>> -> memref<1x128xi32, #tpu.memory_space<vmem>>
      %dma_wait3A_124 = tpu.memref_squeeze %dma_wait3A_123 : memref<1x128xi32, #tpu.memory_space<vmem>> -> memref<128xi32, #tpu.memory_space<vmem>>
      %dma_wait3A_125 = arith.constant 0 : i32
      %dma_wait3A_126 = arith.constant 0 : i32
      %dma_wait3A_127 = tpu.memref_slice %arg10[%dma_wait3A_125, %dma_wait3A_126] : memref<10128x128xf32, #tpu.memory_space<vmem_shared>> -> memref<10128x128xf32, #tpu.memory_space<vmem_shared>>
      tpu.wait_indirect_dma semaphore(%run_scoped3A_115 : memref<!tpu.dma_semaphore, #tpu.memory_space<semaphore_mem>>) src(%arg8 : memref<128x128xf32, #tpu.memory_space<vmem>>) dst(%dma_wait3A_127 : memref<10128x128xf32, #tpu.memory_space<vmem_shared>>)
      tpu.yield
    }) : () -> ()
    %dma_wait3A_57 = arith.constant 39 : i32
    %dma_wait3A_58 = arith.constant 0 : i32
    %dma_wait3A_59 = tpu.memref_slice %arg6[%dma_wait3A_57, %dma_wait3A_58] : memref<40x128xi32, #tpu.memory_space<vmem>> -> memref<1x128xi32, #tpu.memory_space<vmem>>
    %dma_wait3A_60 = tpu.memref_squeeze %dma_wait3A_59 : memref<1x128xi32, #tpu.memory_space<vmem>> -> memref<128xi32, #tpu.memory_space<vmem>>
    %dma_wait3A_61 = arith.constant 0 : i32
    %dma_wait3A_62 = arith.constant 0 : i32
    %dma_wait3A_63 = tpu.memref_slice %arg2[%dma_wait3A_61, %dma_wait3A_62] : memref<10128x128xf32, #tpu.memory_space<hbm>> -> memref<10128x128xf32, #tpu.memory_space<hbm>>
    tpu.wait_indirect_dma semaphore(%arg12 : memref<!tpu.dma_semaphore, #tpu.memory_space<semaphore_mem>>) src(%dma_wait3A_63 : memref<10128x128xf32, #tpu.memory_space<hbm>>) dst(%arg9 : memref<128x128xf32, #tpu.memory_space<vmem>>)
    %run_scoped3A_64 = arith.constant 39 : i32
    "tpu.region"() ({
      %run_scoped3A_115 = tpu.sem_alloc : memref<!tpu.dma_semaphore, #tpu.memory_space<semaphore_mem>>
      %dma_start3A_116 = arith.constant 0 : i32
      %dma_start3A_117 = tpu.memref_slice %arg7[%run_scoped3A_64, %dma_start3A_116] : memref<40x128xi32, #tpu.memory_space<vmem>> -> memref<1x128xi32, #tpu.memory_space<vmem>>
      %dma_start3A_118 = tpu.memref_squeeze %dma_start3A_117 : memref<1x128xi32, #tpu.memory_space<vmem>> -> memref<128xi32, #tpu.memory_space<vmem>>
      %dma_start3A_119 = arith.constant 0 : i32
      %dma_start3A_120 = arith.constant 0 : i32
      %dma_start3A_121 = tpu.memref_slice %arg10[%dma_start3A_119, %dma_start3A_120] : memref<10128x128xf32, #tpu.memory_space<vmem_shared>> -> memref<10128x128xf32, #tpu.memory_space<vmem_shared>>
      tpu.enqueue_indirect_dma source(%arg9 : memref<128x128xf32, #tpu.memory_space<vmem>>) target(%dma_start3A_121 : memref<10128x128xf32, #tpu.memory_space<vmem_shared>>) offsets(%dma_start3A_118 : memref<128xi32, #tpu.memory_space<vmem>>) semaphore(%run_scoped3A_115 : memref<!tpu.dma_semaphore, #tpu.memory_space<semaphore_mem>>) {add = true}
      %dma_wait3A_122 = arith.constant 0 : i32
      %dma_wait3A_123 = tpu.memref_slice %arg7[%run_scoped3A_64, %dma_wait3A_122] : memref<40x128xi32, #tpu.memory_space<vmem>> -> memref<1x128xi32, #tpu.memory_space<vmem>>
      %dma_wait3A_124 = tpu.memref_squeeze %dma_wait3A_123 : memref<1x128xi32, #tpu.memory_space<vmem>> -> memref<128xi32, #tpu.memory_space<vmem>>
      %dma_wait3A_125 = arith.constant 0 : i32
      %dma_wait3A_126 = arith.constant 0 : i32
      %dma_wait3A_127 = tpu.memref_slice %arg10[%dma_wait3A_125, %dma_wait3A_126] : memref<10128x128xf32, #tpu.memory_space<vmem_shared>> -> memref<10128x128xf32, #tpu.memory_space<vmem_shared>>
      tpu.wait_indirect_dma semaphore(%run_scoped3A_115 : memref<!tpu.dma_semaphore, #tpu.memory_space<semaphore_mem>>) src(%arg9 : memref<128x128xf32, #tpu.memory_space<vmem>>) dst(%dma_wait3A_127 : memref<10128x128xf32, #tpu.memory_space<vmem_shared>>)
      tpu.yield
    }) : () -> ()
    "tpu.trace_stop"() : () -> ()
    "tpu.trace_start"() <{level = 10 : i32, message = "edge_phase_1"}> : () -> ()
    %mul3A_65 = arith.constant 80 : i32
    %mul3A_66 = arith.muli %add3A, %mul3A_65 : i32
    %add3A_67 = arith.constant 40 : i32
    %add3A_68 = arith.addi %mul3A_66, %add3A_67 : i32
    "tpu.region"() ({
      %run_scoped3A_115 = tpu.sem_alloc : memref<!tpu.dma_semaphore, #tpu.memory_space<semaphore_mem>>
      %dma_start3A_116 = arith.constant 0 : i32
      %dma_start3A_117 = arith.constant 0 : i32
      %dma_start3A_118 = tpu.memref_slice %arg6[%dma_start3A_116, %dma_start3A_117] : memref<40x128xi32, #tpu.memory_space<vmem>> -> memref<40x128xi32, #tpu.memory_space<vmem>>
      %dma_start3A_119 = arith.constant 0 : i32
      %dma_start3A_120 = tpu.memref_slice %arg3[%add3A_68, %dma_start3A_119] : memref<2560x128xi32, #tpu.memory_space<hbm>> -> memref<40x128xi32, #tpu.memory_space<hbm>>
      %dma_start3A_121 = arith.constant 0 : i32
      %dma_start3A_122 = arith.constant 0 : i32
      %dma_start3A_123 = tpu.memref_slice %arg6[%dma_start3A_121, %dma_start3A_122] : memref<40x128xi32, #tpu.memory_space<vmem>> -> memref<40x128xi32, #tpu.memory_space<vmem>>
      %dma_start3A_124 = arith.constant 0 : i32
      %dma_start3A_125 = tpu.memref_slice %arg3[%add3A_68, %dma_start3A_124] : memref<2560x128xi32, #tpu.memory_space<hbm>> -> memref<40x128xi32, #tpu.memory_space<hbm>>
      tpu.enqueue_dma source(%dma_start3A_125 : memref<40x128xi32, #tpu.memory_space<hbm>>) target(%dma_start3A_123 : memref<40x128xi32, #tpu.memory_space<vmem>>) target_semaphore(%run_scoped3A_115 : memref<!tpu.dma_semaphore, #tpu.memory_space<semaphore_mem>>)
      %dma_wait3A_126 = arith.constant 0 : i32
      %dma_wait3A_127 = arith.constant 0 : i32
      %dma_wait3A_128 = tpu.memref_slice %arg6[%dma_wait3A_126, %dma_wait3A_127] : memref<40x128xi32, #tpu.memory_space<vmem>> -> memref<40x128xi32, #tpu.memory_space<vmem>>
      %dma_wait3A_129 = arith.constant 0 : i32
      %dma_wait3A_130 = tpu.memref_slice %arg3[%add3A_68, %dma_wait3A_129] : memref<2560x128xi32, #tpu.memory_space<hbm>> -> memref<40x128xi32, #tpu.memory_space<hbm>>
      %dma_wait3A_131 = arith.constant 0 : i32
      %dma_wait3A_132 = arith.constant 0 : i32
      %dma_wait3A_133 = tpu.memref_slice %arg6[%dma_wait3A_131, %dma_wait3A_132] : memref<40x128xi32, #tpu.memory_space<vmem>> -> memref<40x128xi32, #tpu.memory_space<vmem>>
      %dma_wait3A_134 = arith.constant 0 : i32
      %dma_wait3A_135 = tpu.memref_slice %arg3[%add3A_68, %dma_wait3A_134] : memref<2560x128xi32, #tpu.memory_space<hbm>> -> memref<40x128xi32, #tpu.memory_space<hbm>>
      tpu.wait_dma2 semaphore(%run_scoped3A_115 : memref<!tpu.dma_semaphore, #tpu.memory_space<semaphore_mem>>) src(%dma_wait3A_135 : memref<40x128xi32, #tpu.memory_space<hbm>>) dst(%dma_wait3A_133 : memref<40x128xi32, #tpu.memory_space<vmem>>)
      tpu.yield
    }) : () -> ()
    "tpu.region"() ({
      %run_scoped3A_115 = tpu.sem_alloc : memref<!tpu.dma_semaphore, #tpu.memory_space<semaphore_mem>>
      %dma_start3A_116 = arith.constant 0 : i32
      %dma_start3A_117 = arith.constant 0 : i32
      %dma_start3A_118 = tpu.memref_slice %arg7[%dma_start3A_116, %dma_start3A_117] : memref<40x128xi32, #tpu.memory_space<vmem>> -> memref<40x128xi32, #tpu.memory_space<vmem>>
      %dma_start3A_119 = arith.constant 0 : i32
      %dma_start3A_120 = tpu.memref_slice %arg4[%add3A_68, %dma_start3A_119] : memref<2560x128xi32, #tpu.memory_space<hbm>> -> memref<40x128xi32, #tpu.memory_space<hbm>>
      %dma_start3A_121 = arith.constant 0 : i32
      %dma_start3A_122 = arith.constant 0 : i32
      %dma_start3A_123 = tpu.memref_slice %arg7[%dma_start3A_121, %dma_start3A_122] : memref<40x128xi32, #tpu.memory_space<vmem>> -> memref<40x128xi32, #tpu.memory_space<vmem>>
      %dma_start3A_124 = arith.constant 0 : i32
      %dma_start3A_125 = tpu.memref_slice %arg4[%add3A_68, %dma_start3A_124] : memref<2560x128xi32, #tpu.memory_space<hbm>> -> memref<40x128xi32, #tpu.memory_space<hbm>>
      tpu.enqueue_dma source(%dma_start3A_125 : memref<40x128xi32, #tpu.memory_space<hbm>>) target(%dma_start3A_123 : memref<40x128xi32, #tpu.memory_space<vmem>>) target_semaphore(%run_scoped3A_115 : memref<!tpu.dma_semaphore, #tpu.memory_space<semaphore_mem>>)
      %dma_wait3A_126 = arith.constant 0 : i32
      %dma_wait3A_127 = arith.constant 0 : i32
      %dma_wait3A_128 = tpu.memref_slice %arg7[%dma_wait3A_126, %dma_wait3A_127] : memref<40x128xi32, #tpu.memory_space<vmem>> -> memref<40x128xi32, #tpu.memory_space<vmem>>
      %dma_wait3A_129 = arith.constant 0 : i32
      %dma_wait3A_130 = tpu.memref_slice %arg4[%add3A_68, %dma_wait3A_129] : memref<2560x128xi32, #tpu.memory_space<hbm>> -> memref<40x128xi32, #tpu.memory_space<hbm>>
      %dma_wait3A_131 = arith.constant 0 : i32
      %dma_wait3A_132 = arith.constant 0 : i32
      %dma_wait3A_133 = tpu.memref_slice %arg7[%dma_wait3A_131, %dma_wait3A_132] : memref<40x128xi32, #tpu.memory_space<vmem>> -> memref<40x128xi32, #tpu.memory_space<vmem>>
      %dma_wait3A_134 = arith.constant 0 : i32
      %dma_wait3A_135 = tpu.memref_slice %arg4[%add3A_68, %dma_wait3A_134] : memref<2560x128xi32, #tpu.memory_space<hbm>> -> memref<40x128xi32, #tpu.memory_space<hbm>>
      tpu.wait_dma2 semaphore(%run_scoped3A_115 : memref<!tpu.dma_semaphore, #tpu.memory_space<semaphore_mem>>) src(%dma_wait3A_135 : memref<40x128xi32, #tpu.memory_space<hbm>>) dst(%dma_wait3A_133 : memref<40x128xi32, #tpu.memory_space<vmem>>)
      tpu.yield
    }) : () -> ()
    %dma_start3A_69 = arith.constant 0 : i32
    %dma_start3A_70 = arith.constant 0 : i32
    %dma_start3A_71 = tpu.memref_slice %arg6[%dma_start3A_69, %dma_start3A_70] : memref<40x128xi32, #tpu.memory_space<vmem>> -> memref<1x128xi32, #tpu.memory_space<vmem>>
    %dma_start3A_72 = tpu.memref_squeeze %dma_start3A_71 : memref<1x128xi32, #tpu.memory_space<vmem>> -> memref<128xi32, #tpu.memory_space<vmem>>
    %dma_start3A_73 = arith.constant 0 : i32
    %dma_start3A_74 = arith.constant 0 : i32
    %dma_start3A_75 = tpu.memref_slice %arg2[%dma_start3A_73, %dma_start3A_74] : memref<10128x128xf32, #tpu.memory_space<hbm>> -> memref<10128x128xf32, #tpu.memory_space<hbm>>
    tpu.enqueue_indirect_dma source(%dma_start3A_75 : memref<10128x128xf32, #tpu.memory_space<hbm>>) target(%arg8 : memref<128x128xf32, #tpu.memory_space<vmem>>) offsets(%dma_start3A_72 : memref<128xi32, #tpu.memory_space<vmem>>) semaphore(%arg11 : memref<!tpu.dma_semaphore, #tpu.memory_space<semaphore_mem>>)
    %scan3A_76 = arith.constant 0 : i32
    %scan3A_77 = arith.constant 0 : i32
    %scan3A_78 = arith.constant 19 : i32
    %scan3A_79 = arith.addi %scan3A_77, %scan3A_78 : i32
    %scan3A_80 = arith.constant 1 : i32
    scf.for %scan3A_115 = %scan3A_77 to %scan3A_79 step %scan3A_80  : i32 {
      %mul3A_116 = arith.constant 2 : i32
      %mul3A_117 = arith.muli %mul3A_116, %scan3A_115 : i32
      %add3A_118 = arith.constant 1 : i32
      %add3A_119 = arith.addi %mul3A_117, %add3A_118 : i32
      %dma_start3A_120 = arith.constant 0 : i32
      %dma_start3A_121 = tpu.memref_slice %arg6[%add3A_119, %dma_start3A_120] : memref<40x128xi32, #tpu.memory_space<vmem>> -> memref<1x128xi32, #tpu.memory_space<vmem>>
      %dma_start3A_122 = tpu.memref_squeeze %dma_start3A_121 : memref<1x128xi32, #tpu.memory_space<vmem>> -> memref<128xi32, #tpu.memory_space<vmem>>
      %dma_start3A_123 = arith.constant 0 : i32
      %dma_start3A_124 = arith.constant 0 : i32
      %dma_start3A_125 = tpu.memref_slice %arg2[%dma_start3A_123, %dma_start3A_124] : memref<10128x128xf32, #tpu.memory_space<hbm>> -> memref<10128x128xf32, #tpu.memory_space<hbm>>
      tpu.enqueue_indirect_dma source(%dma_start3A_125 : memref<10128x128xf32, #tpu.memory_space<hbm>>) target(%arg9 : memref<128x128xf32, #tpu.memory_space<vmem>>) offsets(%dma_start3A_122 : memref<128xi32, #tpu.memory_space<vmem>>) semaphore(%arg12 : memref<!tpu.dma_semaphore, #tpu.memory_space<semaphore_mem>>)
      %dma_wait3A_126 = arith.constant 0 : i32
      %dma_wait3A_127 = tpu.memref_slice %arg6[%mul3A_117, %dma_wait3A_126] : memref<40x128xi32, #tpu.memory_space<vmem>> -> memref<1x128xi32, #tpu.memory_space<vmem>>
      %dma_wait3A_128 = tpu.memref_squeeze %dma_wait3A_127 : memref<1x128xi32, #tpu.memory_space<vmem>> -> memref<128xi32, #tpu.memory_space<vmem>>
      %dma_wait3A_129 = arith.constant 0 : i32
      %dma_wait3A_130 = arith.constant 0 : i32
      %dma_wait3A_131 = tpu.memref_slice %arg2[%dma_wait3A_129, %dma_wait3A_130] : memref<10128x128xf32, #tpu.memory_space<hbm>> -> memref<10128x128xf32, #tpu.memory_space<hbm>>
      tpu.wait_indirect_dma semaphore(%arg11 : memref<!tpu.dma_semaphore, #tpu.memory_space<semaphore_mem>>) src(%dma_wait3A_131 : memref<10128x128xf32, #tpu.memory_space<hbm>>) dst(%arg8 : memref<128x128xf32, #tpu.memory_space<vmem>>)
      "tpu.region"() ({
        %run_scoped3A_150 = tpu.sem_alloc : memref<!tpu.dma_semaphore, #tpu.memory_space<semaphore_mem>>
        %dma_start3A_151 = arith.constant 0 : i32
        %dma_start3A_152 = tpu.memref_slice %arg7[%mul3A_117, %dma_start3A_151] : memref<40x128xi32, #tpu.memory_space<vmem>> -> memref<1x128xi32, #tpu.memory_space<vmem>>
        %dma_start3A_153 = tpu.memref_squeeze %dma_start3A_152 : memref<1x128xi32, #tpu.memory_space<vmem>> -> memref<128xi32, #tpu.memory_space<vmem>>
        %dma_start3A_154 = arith.constant 0 : i32
        %dma_start3A_155 = arith.constant 0 : i32
        %dma_start3A_156 = tpu.memref_slice %arg10[%dma_start3A_154, %dma_start3A_155] : memref<10128x128xf32, #tpu.memory_space<vmem_shared>> -> memref<10128x128xf32, #tpu.memory_space<vmem_shared>>
        tpu.enqueue_indirect_dma source(%arg8 : memref<128x128xf32, #tpu.memory_space<vmem>>) target(%dma_start3A_156 : memref<10128x128xf32, #tpu.memory_space<vmem_shared>>) offsets(%dma_start3A_153 : memref<128xi32, #tpu.memory_space<vmem>>) semaphore(%run_scoped3A_150 : memref<!tpu.dma_semaphore, #tpu.memory_space<semaphore_mem>>) {add = true}
        %dma_wait3A_157 = arith.constant 0 : i32
        %dma_wait3A_158 = tpu.memref_slice %arg7[%mul3A_117, %dma_wait3A_157] : memref<40x128xi32, #tpu.memory_space<vmem>> -> memref<1x128xi32, #tpu.memory_space<vmem>>
        %dma_wait3A_159 = tpu.memref_squeeze %dma_wait3A_158 : memref<1x128xi32, #tpu.memory_space<vmem>> -> memref<128xi32, #tpu.memory_space<vmem>>
        %dma_wait3A_160 = arith.constant 0 : i32
        %dma_wait3A_161 = arith.constant 0 : i32
        %dma_wait3A_162 = tpu.memref_slice %arg10[%dma_wait3A_160, %dma_wait3A_161] : memref<10128x128xf32, #tpu.memory_space<vmem_shared>> -> memref<10128x128xf32, #tpu.memory_space<vmem_shared>>
        tpu.wait_indirect_dma semaphore(%run_scoped3A_150 : memref<!tpu.dma_semaphore, #tpu.memory_space<semaphore_mem>>) src(%arg8 : memref<128x128xf32, #tpu.memory_space<vmem>>) dst(%dma_wait3A_162 : memref<10128x128xf32, #tpu.memory_space<vmem_shared>>)
        tpu.yield
      }) : () -> ()
      %add3A_132 = arith.constant 2 : i32
      %add3A_133 = arith.addi %mul3A_117, %add3A_132 : i32
      %dma_start3A_134 = arith.constant 0 : i32
      %dma_start3A_135 = tpu.memref_slice %arg6[%add3A_133, %dma_start3A_134] : memref<40x128xi32, #tpu.memory_space<vmem>> -> memref<1x128xi32, #tpu.memory_space<vmem>>
      %dma_start3A_136 = tpu.memref_squeeze %dma_start3A_135 : memref<1x128xi32, #tpu.memory_space<vmem>> -> memref<128xi32, #tpu.memory_space<vmem>>
      %dma_start3A_137 = arith.constant 0 : i32
      %dma_start3A_138 = arith.constant 0 : i32
      %dma_start3A_139 = tpu.memref_slice %arg2[%dma_start3A_137, %dma_start3A_138] : memref<10128x128xf32, #tpu.memory_space<hbm>> -> memref<10128x128xf32, #tpu.memory_space<hbm>>
      tpu.enqueue_indirect_dma source(%dma_start3A_139 : memref<10128x128xf32, #tpu.memory_space<hbm>>) target(%arg8 : memref<128x128xf32, #tpu.memory_space<vmem>>) offsets(%dma_start3A_136 : memref<128xi32, #tpu.memory_space<vmem>>) semaphore(%arg11 : memref<!tpu.dma_semaphore, #tpu.memory_space<semaphore_mem>>)
      %add3A_140 = arith.constant 1 : i32
      %add3A_141 = arith.addi %mul3A_117, %add3A_140 : i32
      %dma_wait3A_142 = arith.constant 0 : i32
      %dma_wait3A_143 = tpu.memref_slice %arg6[%add3A_141, %dma_wait3A_142] : memref<40x128xi32, #tpu.memory_space<vmem>> -> memref<1x128xi32, #tpu.memory_space<vmem>>
      %dma_wait3A_144 = tpu.memref_squeeze %dma_wait3A_143 : memref<1x128xi32, #tpu.memory_space<vmem>> -> memref<128xi32, #tpu.memory_space<vmem>>
      %dma_wait3A_145 = arith.constant 0 : i32
      %dma_wait3A_146 = arith.constant 0 : i32
      %dma_wait3A_147 = tpu.memref_slice %arg2[%dma_wait3A_145, %dma_wait3A_146] : memref<10128x128xf32, #tpu.memory_space<hbm>> -> memref<10128x128xf32, #tpu.memory_space<hbm>>
      tpu.wait_indirect_dma semaphore(%arg12 : memref<!tpu.dma_semaphore, #tpu.memory_space<semaphore_mem>>) src(%dma_wait3A_147 : memref<10128x128xf32, #tpu.memory_space<hbm>>) dst(%arg9 : memref<128x128xf32, #tpu.memory_space<vmem>>)
      %add3A_148 = arith.constant 1 : i32
      %add3A_149 = arith.addi %mul3A_117, %add3A_148 : i32
      "tpu.region"() ({
        %run_scoped3A_150 = tpu.sem_alloc : memref<!tpu.dma_semaphore, #tpu.memory_space<semaphore_mem>>
        %dma_start3A_151 = arith.constant 0 : i32
        %dma_start3A_152 = tpu.memref_slice %arg7[%add3A_149, %dma_start3A_151] : memref<40x128xi32, #tpu.memory_space<vmem>> -> memref<1x128xi32, #tpu.memory_space<vmem>>
        %dma_start3A_153 = tpu.memref_squeeze %dma_start3A_152 : memref<1x128xi32, #tpu.memory_space<vmem>> -> memref<128xi32, #tpu.memory_space<vmem>>
        %dma_start3A_154 = arith.constant 0 : i32
        %dma_start3A_155 = arith.constant 0 : i32
        %dma_start3A_156 = tpu.memref_slice %arg10[%dma_start3A_154, %dma_start3A_155] : memref<10128x128xf32, #tpu.memory_space<vmem_shared>> -> memref<10128x128xf32, #tpu.memory_space<vmem_shared>>
        tpu.enqueue_indirect_dma source(%arg9 : memref<128x128xf32, #tpu.memory_space<vmem>>) target(%dma_start3A_156 : memref<10128x128xf32, #tpu.memory_space<vmem_shared>>) offsets(%dma_start3A_153 : memref<128xi32, #tpu.memory_space<vmem>>) semaphore(%run_scoped3A_150 : memref<!tpu.dma_semaphore, #tpu.memory_space<semaphore_mem>>) {add = true}
        %dma_wait3A_157 = arith.constant 0 : i32
        %dma_wait3A_158 = tpu.memref_slice %arg7[%add3A_149, %dma_wait3A_157] : memref<40x128xi32, #tpu.memory_space<vmem>> -> memref<1x128xi32, #tpu.memory_space<vmem>>
        %dma_wait3A_159 = tpu.memref_squeeze %dma_wait3A_158 : memref<1x128xi32, #tpu.memory_space<vmem>> -> memref<128xi32, #tpu.memory_space<vmem>>
        %dma_wait3A_160 = arith.constant 0 : i32
        %dma_wait3A_161 = arith.constant 0 : i32
        %dma_wait3A_162 = tpu.memref_slice %arg10[%dma_wait3A_160, %dma_wait3A_161] : memref<10128x128xf32, #tpu.memory_space<vmem_shared>> -> memref<10128x128xf32, #tpu.memory_space<vmem_shared>>
        tpu.wait_indirect_dma semaphore(%run_scoped3A_150 : memref<!tpu.dma_semaphore, #tpu.memory_space<semaphore_mem>>) src(%arg9 : memref<128x128xf32, #tpu.memory_space<vmem>>) dst(%dma_wait3A_162 : memref<10128x128xf32, #tpu.memory_space<vmem_shared>>)
        tpu.yield
      }) : () -> ()
    }
    %scan3A_81 = arith.constant 19 : i32
    %dma_start3A_82 = arith.constant 39 : i32
    %dma_start3A_83 = arith.constant 0 : i32
    %dma_start3A_84 = tpu.memref_slice %arg6[%dma_start3A_82, %dma_start3A_83] : memref<40x128xi32, #tpu.memory_space<vmem>> -> memref<1x128xi32, #tpu.memory_space<vmem>>
    %dma_start3A_85 = tpu.memref_squeeze %dma_start3A_84 : memref<1x128xi32, #tpu.memory_space<vmem>> -> memref<128xi32, #tpu.memory_space<vmem>>
    %dma_start3A_86 = arith.constant 0 : i32
    %dma_start3A_87 = arith.constant 0 : i32
    %dma_start3A_88 = tpu.memref_slice %arg2[%dma_start3A_86, %dma_start3A_87] : memref<10128x128xf32, #tpu.memory_space<hbm>> -> memref<10128x128xf32, #tpu.memory_space<hbm>>
    tpu.enqueue_indirect_dma source(%dma_start3A_88 : memref<10128x128xf32, #tpu.memory_space<hbm>>) target(%arg9 : memref<128x128xf32, #tpu.memory_space<vmem>>) offsets(%dma_start3A_85 : memref<128xi32, #tpu.memory_space<vmem>>) semaphore(%arg12 : memref<!tpu.dma_semaphore, #tpu.memory_space<semaphore_mem>>)
    %dma_wait3A_89 = arith.constant 38 : i32
    %dma_wait3A_90 = arith.constant 0 : i32
    %dma_wait3A_91 = tpu.memref_slice %arg6[%dma_wait3A_89, %dma_wait3A_90] : memref<40x128xi32, #tpu.memory_space<vmem>> -> memref<1x128xi32, #tpu.memory_space<vmem>>
    %dma_wait3A_92 = tpu.memref_squeeze %dma_wait3A_91 : memref<1x128xi32, #tpu.memory_space<vmem>> -> memref<128xi32, #tpu.memory_space<vmem>>
    %dma_wait3A_93 = arith.constant 0 : i32
    %dma_wait3A_94 = arith.constant 0 : i32
    %dma_wait3A_95 = tpu.memref_slice %arg2[%dma_wait3A_93, %dma_wait3A_94] : memref<10128x128xf32, #tpu.memory_space<hbm>> -> memref<10128x128xf32, #tpu.memory_space<hbm>>
    tpu.wait_indirect_dma semaphore(%arg11 : memref<!tpu.dma_semaphore, #tpu.memory_space<semaphore_mem>>) src(%dma_wait3A_95 : memref<10128x128xf32, #tpu.memory_space<hbm>>) dst(%arg8 : memref<128x128xf32, #tpu.memory_space<vmem>>)
    %run_scoped3A_96 = arith.constant 38 : i32
    "tpu.region"() ({
      %run_scoped3A_115 = tpu.sem_alloc : memref<!tpu.dma_semaphore, #tpu.memory_space<semaphore_mem>>
      %dma_start3A_116 = arith.constant 0 : i32
      %dma_start3A_117 = tpu.memref_slice %arg7[%run_scoped3A_96, %dma_start3A_116] : memref<40x128xi32, #tpu.memory_space<vmem>> -> memref<1x128xi32, #tpu.memory_space<vmem>>
      %dma_start3A_118 = tpu.memref_squeeze %dma_start3A_117 : memref<1x128xi32, #tpu.memory_space<vmem>> -> memref<128xi32, #tpu.memory_space<vmem>>
      %dma_start3A_119 = arith.constant 0 : i32
      %dma_start3A_120 = arith.constant 0 : i32
      %dma_start3A_121 = tpu.memref_slice %arg10[%dma_start3A_119, %dma_start3A_120] : memref<10128x128xf32, #tpu.memory_space<vmem_shared>> -> memref<10128x128xf32, #tpu.memory_space<vmem_shared>>
      tpu.enqueue_indirect_dma source(%arg8 : memref<128x128xf32, #tpu.memory_space<vmem>>) target(%dma_start3A_121 : memref<10128x128xf32, #tpu.memory_space<vmem_shared>>) offsets(%dma_start3A_118 : memref<128xi32, #tpu.memory_space<vmem>>) semaphore(%run_scoped3A_115 : memref<!tpu.dma_semaphore, #tpu.memory_space<semaphore_mem>>) {add = true}
      %dma_wait3A_122 = arith.constant 0 : i32
      %dma_wait3A_123 = tpu.memref_slice %arg7[%run_scoped3A_96, %dma_wait3A_122] : memref<40x128xi32, #tpu.memory_space<vmem>> -> memref<1x128xi32, #tpu.memory_space<vmem>>
      %dma_wait3A_124 = tpu.memref_squeeze %dma_wait3A_123 : memref<1x128xi32, #tpu.memory_space<vmem>> -> memref<128xi32, #tpu.memory_space<vmem>>
      %dma_wait3A_125 = arith.constant 0 : i32
      %dma_wait3A_126 = arith.constant 0 : i32
      %dma_wait3A_127 = tpu.memref_slice %arg10[%dma_wait3A_125, %dma_wait3A_126] : memref<10128x128xf32, #tpu.memory_space<vmem_shared>> -> memref<10128x128xf32, #tpu.memory_space<vmem_shared>>
      tpu.wait_indirect_dma semaphore(%run_scoped3A_115 : memref<!tpu.dma_semaphore, #tpu.memory_space<semaphore_mem>>) src(%arg8 : memref<128x128xf32, #tpu.memory_space<vmem>>) dst(%dma_wait3A_127 : memref<10128x128xf32, #tpu.memory_space<vmem_shared>>)
      tpu.yield
    }) : () -> ()
    %dma_wait3A_97 = arith.constant 39 : i32
    %dma_wait3A_98 = arith.constant 0 : i32
    %dma_wait3A_99 = tpu.memref_slice %arg6[%dma_wait3A_97, %dma_wait3A_98] : memref<40x128xi32, #tpu.memory_space<vmem>> -> memref<1x128xi32, #tpu.memory_space<vmem>>
    %dma_wait3A_100 = tpu.memref_squeeze %dma_wait3A_99 : memref<1x128xi32, #tpu.memory_space<vmem>> -> memref<128xi32, #tpu.memory_space<vmem>>
    %dma_wait3A_101 = arith.constant 0 : i32
    %dma_wait3A_102 = arith.constant 0 : i32
    %dma_wait3A_103 = tpu.memref_slice %arg2[%dma_wait3A_101, %dma_wait3A_102] : memref<10128x128xf32, #tpu.memory_space<hbm>> -> memref<10128x128xf32, #tpu.memory_space<hbm>>
    tpu.wait_indirect_dma semaphore(%arg12 : memref<!tpu.dma_semaphore, #tpu.memory_space<semaphore_mem>>) src(%dma_wait3A_103 : memref<10128x128xf32, #tpu.memory_space<hbm>>) dst(%arg9 : memref<128x128xf32, #tpu.memory_space<vmem>>)
    %run_scoped3A_104 = arith.constant 39 : i32
    "tpu.region"() ({
      %run_scoped3A_115 = tpu.sem_alloc : memref<!tpu.dma_semaphore, #tpu.memory_space<semaphore_mem>>
      %dma_start3A_116 = arith.constant 0 : i32
      %dma_start3A_117 = tpu.memref_slice %arg7[%run_scoped3A_104, %dma_start3A_116] : memref<40x128xi32, #tpu.memory_space<vmem>> -> memref<1x128xi32, #tpu.memory_space<vmem>>
      %dma_start3A_118 = tpu.memref_squeeze %dma_start3A_117 : memref<1x128xi32, #tpu.memory_space<vmem>> -> memref<128xi32, #tpu.memory_space<vmem>>
      %dma_start3A_119 = arith.constant 0 : i32
      %dma_start3A_120 = arith.constant 0 : i32
      %dma_start3A_121 = tpu.memref_slice %arg10[%dma_start3A_119, %dma_start3A_120] : memref<10128x128xf32, #tpu.memory_space<vmem_shared>> -> memref<10128x128xf32, #tpu.memory_space<vmem_shared>>
      tpu.enqueue_indirect_dma source(%arg9 : memref<128x128xf32, #tpu.memory_space<vmem>>) target(%dma_start3A_121 : memref<10128x128xf32, #tpu.memory_space<vmem_shared>>) offsets(%dma_start3A_118 : memref<128xi32, #tpu.memory_space<vmem>>) semaphore(%run_scoped3A_115 : memref<!tpu.dma_semaphore, #tpu.memory_space<semaphore_mem>>) {add = true}
      %dma_wait3A_122 = arith.constant 0 : i32
      %dma_wait3A_123 = tpu.memref_slice %arg7[%run_scoped3A_104, %dma_wait3A_122] : memref<40x128xi32, #tpu.memory_space<vmem>> -> memref<1x128xi32, #tpu.memory_space<vmem>>
      %dma_wait3A_124 = tpu.memref_squeeze %dma_wait3A_123 : memref<1x128xi32, #tpu.memory_space<vmem>> -> memref<128xi32, #tpu.memory_space<vmem>>
      %dma_wait3A_125 = arith.constant 0 : i32
      %dma_wait3A_126 = arith.constant 0 : i32
      %dma_wait3A_127 = tpu.memref_slice %arg10[%dma_wait3A_125, %dma_wait3A_126] : memref<10128x128xf32, #tpu.memory_space<vmem_shared>> -> memref<10128x128xf32, #tpu.memory_space<vmem_shared>>
      tpu.wait_indirect_dma semaphore(%run_scoped3A_115 : memref<!tpu.dma_semaphore, #tpu.memory_space<semaphore_mem>>) src(%arg9 : memref<128x128xf32, #tpu.memory_space<vmem>>) dst(%dma_wait3A_127 : memref<10128x128xf32, #tpu.memory_space<vmem_shared>>)
      tpu.yield
    }) : () -> ()
    "tpu.trace_stop"() : () -> ()
    %barrier3A_105 = arith.constant 0 : index
    tpu.barrier barrier_id(%barrier3A_105)
    "tpu.trace_start"() <{level = 10 : i32, message = "agg_writeback"}> : () -> ()
    %mul3A_106 = arith.constant 624 : i32
    %mul3A_107 = arith.muli %arg1, %mul3A_106 : i32
    %mul3A_108 = arith.constant 624 : i32
    %mul3A_109 = arith.muli %arg1, %mul3A_108 : i32
    "tpu.region"() ({
      %run_scoped3A_115 = tpu.sem_alloc : memref<!tpu.dma_semaphore, #tpu.memory_space<semaphore_mem>>
      %dma_start3A_116 = arith.constant 0 : i32
      %dma_start3A_117 = tpu.memref_slice %arg5[%arg0, %mul3A_109, %dma_start3A_116] : memref<2x10000x128xf32, #tpu.memory_space<hbm>> -> memref<1x624x128xf32, #tpu.memory_space<hbm>>
      %dma_start3A_118 = tpu.memref_squeeze %dma_start3A_117 : memref<1x624x128xf32, #tpu.memory_space<hbm>> -> memref<624x128xf32, #tpu.memory_space<hbm>>
      %dma_start3A_119 = arith.constant 0 : i32
      %dma_start3A_120 = tpu.memref_slice %arg10[%mul3A_107, %dma_start3A_119] : memref<10128x128xf32, #tpu.memory_space<vmem_shared>> -> memref<624x128xf32, #tpu.memory_space<vmem_shared>>
      tpu.enqueue_dma source(%dma_start3A_120 : memref<624x128xf32, #tpu.memory_space<vmem_shared>>) target(%dma_start3A_118 : memref<624x128xf32, #tpu.memory_space<hbm>>) target_semaphore(%run_scoped3A_115 : memref<!tpu.dma_semaphore, #tpu.memory_space<semaphore_mem>>)
      %dma_wait3A_121 = arith.constant 0 : i32
      %dma_wait3A_122 = tpu.memref_slice %arg5[%arg0, %mul3A_109, %dma_wait3A_121] : memref<2x10000x128xf32, #tpu.memory_space<hbm>> -> memref<1x624x128xf32, #tpu.memory_space<hbm>>
      %dma_wait3A_123 = tpu.memref_squeeze %dma_wait3A_122 : memref<1x624x128xf32, #tpu.memory_space<hbm>> -> memref<624x128xf32, #tpu.memory_space<hbm>>
      %dma_wait3A_124 = arith.constant 0 : i32
      %dma_wait3A_125 = tpu.memref_slice %arg10[%mul3A_107, %dma_wait3A_124] : memref<10128x128xf32, #tpu.memory_space<vmem_shared>> -> memref<624x128xf32, #tpu.memory_space<vmem_shared>>
      tpu.wait_dma2 semaphore(%run_scoped3A_115 : memref<!tpu.dma_semaphore, #tpu.memory_space<semaphore_mem>>) src(%dma_wait3A_125 : memref<624x128xf32, #tpu.memory_space<vmem_shared>>) dst(%dma_wait3A_123 : memref<624x128xf32, #tpu.memory_space<hbm>>)
      tpu.yield
    }) : () -> ()
    %eq3A_110 = arith.constant 0 : i32
    %eq3A_111 = arith.cmpi eq, %arg1, %eq3A_110 : i32
    %convert_element_type3A_112 = arith.extui %eq3A_111 : i1 to i32
    %cond3A_113 = arith.constant 0 : i32
    %cond3A_114 = arith.cmpi ne, %convert_element_type3A_112, %cond3A_113 : i32
    scf.if %cond3A_114 {
      "tpu.region"() ({
        %run_scoped3A_115 = tpu.sem_alloc : memref<!tpu.dma_semaphore, #tpu.memory_space<semaphore_mem>>
        %dma_start3A_116 = arith.constant 9984 : i32
        %dma_start3A_117 = arith.constant 0 : i32
        %dma_start3A_118 = tpu.memref_slice %arg5[%arg0, %dma_start3A_116, %dma_start3A_117] : memref<2x10000x128xf32, #tpu.memory_space<hbm>> -> memref<1x16x128xf32, #tpu.memory_space<hbm>>
        %dma_start3A_119 = tpu.memref_squeeze %dma_start3A_118 : memref<1x16x128xf32, #tpu.memory_space<hbm>> -> memref<16x128xf32, #tpu.memory_space<hbm>>
        %dma_start3A_120 = arith.constant 9984 : i32
        %dma_start3A_121 = arith.constant 0 : i32
        %dma_start3A_122 = tpu.memref_slice %arg10[%dma_start3A_120, %dma_start3A_121] : memref<10128x128xf32, #tpu.memory_space<vmem_shared>> -> memref<16x128xf32, #tpu.memory_space<vmem_shared>>
        tpu.enqueue_dma source(%dma_start3A_122 : memref<16x128xf32, #tpu.memory_space<vmem_shared>>) target(%dma_start3A_119 : memref<16x128xf32, #tpu.memory_space<hbm>>) target_semaphore(%run_scoped3A_115 : memref<!tpu.dma_semaphore, #tpu.memory_space<semaphore_mem>>)
        %dma_wait3A_123 = arith.constant 9984 : i32
        %dma_wait3A_124 = arith.constant 0 : i32
        %dma_wait3A_125 = tpu.memref_slice %arg5[%arg0, %dma_wait3A_123, %dma_wait3A_124] : memref<2x10000x128xf32, #tpu.memory_space<hbm>> -> memref<1x16x128xf32, #tpu.memory_space<hbm>>
        %dma_wait3A_126 = tpu.memref_squeeze %dma_wait3A_125 : memref<1x16x128xf32, #tpu.memory_space<hbm>> -> memref<16x128xf32, #tpu.memory_space<hbm>>
        %dma_wait3A_127 = arith.constant 9984 : i32
        %dma_wait3A_128 = arith.constant 0 : i32
        %dma_wait3A_129 = tpu.memref_slice %arg10[%dma_wait3A_127, %dma_wait3A_128] : memref<10128x128xf32, #tpu.memory_space<vmem_shared>> -> memref<16x128xf32, #tpu.memory_space<vmem_shared>>
        tpu.wait_dma2 semaphore(%run_scoped3A_115 : memref<!tpu.dma_semaphore, #tpu.memory_space<semaphore_mem>>) src(%dma_wait3A_129 : memref<16x128xf32, #tpu.memory_space<vmem_shared>>) dst(%dma_wait3A_126 : memref<16x128xf32, #tpu.memory_space<hbm>>)
        tpu.yield
      }) : () -> ()
    } else {
    }
    "tpu.trace_stop"() : () -> ()
    return
  }
}

#map = affine_map<(d0, d1) -> (0, 0)>
#map1 = affine_map<(d0, d1) -> (0, 0, 0)>
module attributes {stable_mosaic.version = 14 : i64} {
  func.func @_sc_degrees(%arg0: i32, %arg1: i32, %arg2: memref<2560x128xi32, #tpu.memory_space<hbm>>, %arg3: memref<2560x128xi32, #tpu.memory_space<hbm>>, %arg4: memref<2x1x10128xf32, #tpu.memory_space<hbm>>, %arg5: memref<2x1x10128xf32, #tpu.memory_space<hbm>>, %arg6: memref<80x128xi32, #tpu.memory_space<vmem>>, %arg7: memref<80x128xi32, #tpu.memory_space<vmem>>, %arg8: memref<128xf32, #tpu.memory_space<vmem>>, %arg9: memref<10128xf32, #tpu.memory_space<vmem>>, %arg10: memref<10128xf32, #tpu.memory_space<vmem_shared>>, %arg11: memref<10128xf32, #tpu.memory_space<vmem_shared>>) attributes {dimension_semantics = [#tpu.dimension_semantics<core_parallel>, #tpu.dimension_semantics<subcore_parallel>], iteration_bounds = array<i64: 2, 16>, scalar_prefetch = 0 : i64, scratch_operands = 6 : i64, tpu.core_type = #tpu.core_type<sc_vector_subcore>, window_params = [{transform_indices = #map}, {transform_indices = #map}, {transform_indices = #map1}, {transform_indices = #map1}]} {
    %mul3A = arith.constant 2 : i32
    %mul3A_0 = arith.muli %arg1, %mul3A : i32
    %add3A = arith.addi %mul3A_0, %arg0 : i32
    %mul3A_1 = arith.constant 80 : i32
    %mul3A_2 = arith.muli %add3A, %mul3A_1 : i32
    "tpu.region"() ({
      %run_scoped3A = tpu.sem_alloc : memref<!tpu.dma_semaphore, #tpu.memory_space<semaphore_mem>>
      %dma_start3A = arith.constant 0 : i32
      %dma_start3A_64 = tpu.memref_slice %arg2[%mul3A_2, %dma_start3A] : memref<2560x128xi32, #tpu.memory_space<hbm>> -> memref<80x128xi32, #tpu.memory_space<hbm>>
      %dma_start3A_65 = arith.constant 0 : i32
      %dma_start3A_66 = tpu.memref_slice %arg2[%mul3A_2, %dma_start3A_65] : memref<2560x128xi32, #tpu.memory_space<hbm>> -> memref<80x128xi32, #tpu.memory_space<hbm>>
      tpu.enqueue_dma source(%dma_start3A_66 : memref<80x128xi32, #tpu.memory_space<hbm>>) target(%arg6 : memref<80x128xi32, #tpu.memory_space<vmem>>) target_semaphore(%run_scoped3A : memref<!tpu.dma_semaphore, #tpu.memory_space<semaphore_mem>>)
      %dma_wait3A = arith.constant 0 : i32
      %dma_wait3A_67 = tpu.memref_slice %arg2[%mul3A_2, %dma_wait3A] : memref<2560x128xi32, #tpu.memory_space<hbm>> -> memref<80x128xi32, #tpu.memory_space<hbm>>
      %dma_wait3A_68 = arith.constant 0 : i32
      %dma_wait3A_69 = tpu.memref_slice %arg2[%mul3A_2, %dma_wait3A_68] : memref<2560x128xi32, #tpu.memory_space<hbm>> -> memref<80x128xi32, #tpu.memory_space<hbm>>
      tpu.wait_dma2 semaphore(%run_scoped3A : memref<!tpu.dma_semaphore, #tpu.memory_space<semaphore_mem>>) src(%dma_wait3A_69 : memref<80x128xi32, #tpu.memory_space<hbm>>) dst(%arg6 : memref<80x128xi32, #tpu.memory_space<vmem>>)
      tpu.yield
    }) : () -> ()
    %mul3A_3 = arith.constant 80 : i32
    %mul3A_4 = arith.muli %add3A, %mul3A_3 : i32
    "tpu.region"() ({
      %run_scoped3A = tpu.sem_alloc : memref<!tpu.dma_semaphore, #tpu.memory_space<semaphore_mem>>
      %dma_start3A = arith.constant 0 : i32
      %dma_start3A_64 = tpu.memref_slice %arg3[%mul3A_4, %dma_start3A] : memref<2560x128xi32, #tpu.memory_space<hbm>> -> memref<80x128xi32, #tpu.memory_space<hbm>>
      %dma_start3A_65 = arith.constant 0 : i32
      %dma_start3A_66 = tpu.memref_slice %arg3[%mul3A_4, %dma_start3A_65] : memref<2560x128xi32, #tpu.memory_space<hbm>> -> memref<80x128xi32, #tpu.memory_space<hbm>>
      tpu.enqueue_dma source(%dma_start3A_66 : memref<80x128xi32, #tpu.memory_space<hbm>>) target(%arg7 : memref<80x128xi32, #tpu.memory_space<vmem>>) target_semaphore(%run_scoped3A : memref<!tpu.dma_semaphore, #tpu.memory_space<semaphore_mem>>)
      %dma_wait3A = arith.constant 0 : i32
      %dma_wait3A_67 = tpu.memref_slice %arg3[%mul3A_4, %dma_wait3A] : memref<2560x128xi32, #tpu.memory_space<hbm>> -> memref<80x128xi32, #tpu.memory_space<hbm>>
      %dma_wait3A_68 = arith.constant 0 : i32
      %dma_wait3A_69 = tpu.memref_slice %arg3[%mul3A_4, %dma_wait3A_68] : memref<2560x128xi32, #tpu.memory_space<hbm>> -> memref<80x128xi32, #tpu.memory_space<hbm>>
      tpu.wait_dma2 semaphore(%run_scoped3A : memref<!tpu.dma_semaphore, #tpu.memory_space<semaphore_mem>>) src(%dma_wait3A_69 : memref<80x128xi32, #tpu.memory_space<hbm>>) dst(%arg7 : memref<80x128xi32, #tpu.memory_space<vmem>>)
      tpu.yield
    }) : () -> ()
    %broadcast_in_dim3A = arith.constant 1.000000e+00 : f32
    %broadcast_in_dim3A_5 = vector.broadcast %broadcast_in_dim3A : f32 to vector<16xf32>
    %swap3A = arith.constant 0 : index
    %swap3A_6 = tpu.vector_load %arg8[%swap3A] {strides = array<i32>} : memref<128xf32, #tpu.memory_space<vmem>>, vector<16xf32>,
    %swap3A_7 = vector.shape_cast %swap3A_6 : vector<16xf32> to vector<16xf32>
    %swap3A_8 = vector.shape_cast %broadcast_in_dim3A_5 : vector<16xf32> to vector<16xf32>
    tpu.vector_store %arg8[%swap3A], %swap3A_8 {strides = array<i32>} : memref<128xf32, #tpu.memory_space<vmem>>, vector<16xf32>,
    %broadcast_in_dim3A_9 = arith.constant 1.000000e+00 : f32
    %broadcast_in_dim3A_10 = vector.broadcast %broadcast_in_dim3A_9 : f32 to vector<16xf32>
    %swap3A_11 = arith.constant 16 : index
    %swap3A_12 = tpu.vector_load %arg8[%swap3A_11] {strides = array<i32>} : memref<128xf32, #tpu.memory_space<vmem>>, vector<16xf32>,
    %swap3A_13 = vector.shape_cast %swap3A_12 : vector<16xf32> to vector<16xf32>
    %swap3A_14 = vector.shape_cast %broadcast_in_dim3A_10 : vector<16xf32> to vector<16xf32>
    tpu.vector_store %arg8[%swap3A_11], %swap3A_14 {strides = array<i32>} : memref<128xf32, #tpu.memory_space<vmem>>, vector<16xf32>,
    %broadcast_in_dim3A_15 = arith.constant 1.000000e+00 : f32
    %broadcast_in_dim3A_16 = vector.broadcast %broadcast_in_dim3A_15 : f32 to vector<16xf32>
    %swap3A_17 = arith.constant 32 : index
    %swap3A_18 = tpu.vector_load %arg8[%swap3A_17] {strides = array<i32>} : memref<128xf32, #tpu.memory_space<vmem>>, vector<16xf32>,
    %swap3A_19 = vector.shape_cast %swap3A_18 : vector<16xf32> to vector<16xf32>
    %swap3A_20 = vector.shape_cast %broadcast_in_dim3A_16 : vector<16xf32> to vector<16xf32>
    tpu.vector_store %arg8[%swap3A_17], %swap3A_20 {strides = array<i32>} : memref<128xf32, #tpu.memory_space<vmem>>, vector<16xf32>,
    %broadcast_in_dim3A_21 = arith.constant 1.000000e+00 : f32
    %broadcast_in_dim3A_22 = vector.broadcast %broadcast_in_dim3A_21 : f32 to vector<16xf32>
    %swap3A_23 = arith.constant 48 : index
    %swap3A_24 = tpu.vector_load %arg8[%swap3A_23] {strides = array<i32>} : memref<128xf32, #tpu.memory_space<vmem>>, vector<16xf32>,
    %swap3A_25 = vector.shape_cast %swap3A_24 : vector<16xf32> to vector<16xf32>
    %swap3A_26 = vector.shape_cast %broadcast_in_dim3A_22 : vector<16xf32> to vector<16xf32>
    tpu.vector_store %arg8[%swap3A_23], %swap3A_26 {strides = array<i32>} : memref<128xf32, #tpu.memory_space<vmem>>, vector<16xf32>,
    %broadcast_in_dim3A_27 = arith.constant 1.000000e+00 : f32
    %broadcast_in_dim3A_28 = vector.broadcast %broadcast_in_dim3A_27 : f32 to vector<16xf32>
    %swap3A_29 = arith.constant 64 : index
    %swap3A_30 = tpu.vector_load %arg8[%swap3A_29] {strides = array<i32>} : memref<128xf32, #tpu.memory_space<vmem>>, vector<16xf32>,
    %swap3A_31 = vector.shape_cast %swap3A_30 : vector<16xf32> to vector<16xf32>
    %swap3A_32 = vector.shape_cast %broadcast_in_dim3A_28 : vector<16xf32> to vector<16xf32>
    tpu.vector_store %arg8[%swap3A_29], %swap3A_32 {strides = array<i32>} : memref<128xf32, #tpu.memory_space<vmem>>, vector<16xf32>,
    %broadcast_in_dim3A_33 = arith.constant 1.000000e+00 : f32
    %broadcast_in_dim3A_34 = vector.broadcast %broadcast_in_dim3A_33 : f32 to vector<16xf32>
    %swap3A_35 = arith.constant 80 : index
    %swap3A_36 = tpu.vector_load %arg8[%swap3A_35] {strides = array<i32>} : memref<128xf32, #tpu.memory_space<vmem>>, vector<16xf32>,
    %swap3A_37 = vector.shape_cast %swap3A_36 : vector<16xf32> to vector<16xf32>
    %swap3A_38 = vector.shape_cast %broadcast_in_dim3A_34 : vector<16xf32> to vector<16xf32>
    tpu.vector_store %arg8[%swap3A_35], %swap3A_38 {strides = array<i32>} : memref<128xf32, #tpu.memory_space<vmem>>, vector<16xf32>,
    %broadcast_in_dim3A_39 = arith.constant 1.000000e+00 : f32
    %broadcast_in_dim3A_40 = vector.broadcast %broadcast_in_dim3A_39 : f32 to vector<16xf32>
    %swap3A_41 = arith.constant 96 : index
    %swap3A_42 = tpu.vector_load %arg8[%swap3A_41] {strides = array<i32>} : memref<128xf32, #tpu.memory_space<vmem>>, vector<16xf32>,
    %swap3A_43 = vector.shape_cast %swap3A_42 : vector<16xf32> to vector<16xf32>
    %swap3A_44 = vector.shape_cast %broadcast_in_dim3A_40 : vector<16xf32> to vector<16xf32>
    tpu.vector_store %arg8[%swap3A_41], %swap3A_44 {strides = array<i32>} : memref<128xf32, #tpu.memory_space<vmem>>, vector<16xf32>,
    %broadcast_in_dim3A_45 = arith.constant 1.000000e+00 : f32
    %broadcast_in_dim3A_46 = vector.broadcast %broadcast_in_dim3A_45 : f32 to vector<16xf32>
    %swap3A_47 = arith.constant 112 : index
    %swap3A_48 = tpu.vector_load %arg8[%swap3A_47] {strides = array<i32>} : memref<128xf32, #tpu.memory_space<vmem>>, vector<16xf32>,
    %swap3A_49 = vector.shape_cast %swap3A_48 : vector<16xf32> to vector<16xf32>
    %swap3A_50 = vector.shape_cast %broadcast_in_dim3A_46 : vector<16xf32> to vector<16xf32>
    tpu.vector_store %arg8[%swap3A_47], %swap3A_50 {strides = array<i32>} : memref<128xf32, #tpu.memory_space<vmem>>, vector<16xf32>,
    %eq3A = arith.constant 0 : i32
    %eq3A_51 = arith.cmpi eq, %arg1, %eq3A : i32
    %convert_element_type3A = arith.extui %eq3A_51 : i1 to i32
    %cond3A = arith.constant 0 : i32
    %cond3A_52 = arith.cmpi ne, %convert_element_type3A, %cond3A : i32
    scf.if %cond3A_52 {
      %scan3A_64 = arith.constant 0 : i32
      %scan3A_65 = arith.constant 0 : i32
      %scan3A_66 = arith.constant 633 : i32
      %scan3A_67 = arith.addi %scan3A_65, %scan3A_66 : i32
      %scan3A_68 = arith.constant 1 : i32
      scf.for %scan3A_70 = %scan3A_65 to %scan3A_67 step %scan3A_68  : i32 {
        %broadcast_in_dim3A_71 = arith.constant 0.000000e+00 : f32
        %broadcast_in_dim3A_72 = vector.broadcast %broadcast_in_dim3A_71 : f32 to vector<16xf32>
        %mul3A_73 = arith.constant 16 : i32
        %mul3A_74 = arith.muli %scan3A_70, %mul3A_73 : i32
        %swap3A_75 = arith.index_cast %mul3A_74 : i32 to index
        %swap3A_76 = tpu.vector_load %arg9[%swap3A_75] {strides = array<i32>} : memref<10128xf32, #tpu.memory_space<vmem>>, vector<16xf32>,
        %swap3A_77 = vector.shape_cast %swap3A_76 : vector<16xf32> to vector<16xf32>
        %swap3A_78 = vector.shape_cast %broadcast_in_dim3A_72 : vector<16xf32> to vector<16xf32>
        tpu.vector_store %arg9[%swap3A_75], %swap3A_78 {strides = array<i32>} : memref<10128xf32, #tpu.memory_space<vmem>>, vector<16xf32>,
      }
      %scan3A_69 = arith.constant 633 : i32
      "tpu.region"() ({
        %run_scoped3A = tpu.sem_alloc : memref<!tpu.dma_semaphore, #tpu.memory_space<semaphore_mem>>
        tpu.enqueue_dma source(%arg9 : memref<10128xf32, #tpu.memory_space<vmem>>) target(%arg10 : memref<10128xf32, #tpu.memory_space<vmem_shared>>) target_semaphore(%run_scoped3A : memref<!tpu.dma_semaphore, #tpu.memory_space<semaphore_mem>>)
        tpu.wait_dma2 semaphore(%run_scoped3A : memref<!tpu.dma_semaphore, #tpu.memory_space<semaphore_mem>>) src(%arg9 : memref<10128xf32, #tpu.memory_space<vmem>>) dst(%arg10 : memref<10128xf32, #tpu.memory_space<vmem_shared>>)
        tpu.yield
      }) : () -> ()
      "tpu.region"() ({
        %run_scoped3A = tpu.sem_alloc : memref<!tpu.dma_semaphore, #tpu.memory_space<semaphore_mem>>
        tpu.enqueue_dma source(%arg9 : memref<10128xf32, #tpu.memory_space<vmem>>) target(%arg11 : memref<10128xf32, #tpu.memory_space<vmem_shared>>) target_semaphore(%run_scoped3A : memref<!tpu.dma_semaphore, #tpu.memory_space<semaphore_mem>>)
        tpu.wait_dma2 semaphore(%run_scoped3A : memref<!tpu.dma_semaphore, #tpu.memory_space<semaphore_mem>>) src(%arg9 : memref<10128xf32, #tpu.memory_space<vmem>>) dst(%arg11 : memref<10128xf32, #tpu.memory_space<vmem_shared>>)
        tpu.yield
      }) : () -> ()
    } else {
    }
    %barrier3A = arith.constant 0 : index
    tpu.barrier barrier_id(%barrier3A)
    %scan3A = arith.constant 0 : i32
    %scan3A_53 = arith.constant 0 : i32
    %scan3A_54 = arith.constant 80 : i32
    %scan3A_55 = arith.addi %scan3A_53, %scan3A_54 : i32
    %scan3A_56 = arith.constant 1 : i32
    scf.for %scan3A_64 = %scan3A_53 to %scan3A_55 step %scan3A_56  : i32 {
      "tpu.region"() ({
        %run_scoped3A = tpu.sem_alloc : memref<!tpu.dma_semaphore, #tpu.memory_space<semaphore_mem>>
        %dma_start3A = arith.constant 0 : i32
        %dma_start3A_65 = tpu.memref_slice %arg6[%scan3A_64, %dma_start3A] : memref<80x128xi32, #tpu.memory_space<vmem>> -> memref<1x128xi32, #tpu.memory_space<vmem>>
        %dma_start3A_66 = tpu.memref_squeeze %dma_start3A_65 : memref<1x128xi32, #tpu.memory_space<vmem>> -> memref<128xi32, #tpu.memory_space<vmem>>
        %dma_start3A_67 = arith.constant 0 : i32
        %dma_start3A_68 = tpu.memref_slice %arg10[%dma_start3A_67] : memref<10128xf32, #tpu.memory_space<vmem_shared>> -> memref<10128xf32, #tpu.memory_space<vmem_shared>>
        tpu.enqueue_indirect_dma source(%arg8 : memref<128xf32, #tpu.memory_space<vmem>>) target(%dma_start3A_68 : memref<10128xf32, #tpu.memory_space<vmem_shared>>) offsets(%dma_start3A_66 : memref<128xi32, #tpu.memory_space<vmem>>) semaphore(%run_scoped3A : memref<!tpu.dma_semaphore, #tpu.memory_space<semaphore_mem>>) {add = true}
        %dma_wait3A = arith.constant 0 : i32
        %dma_wait3A_69 = tpu.memref_slice %arg6[%scan3A_64, %dma_wait3A] : memref<80x128xi32, #tpu.memory_space<vmem>> -> memref<1x128xi32, #tpu.memory_space<vmem>>
        %dma_wait3A_70 = tpu.memref_squeeze %dma_wait3A_69 : memref<1x128xi32, #tpu.memory_space<vmem>> -> memref<128xi32, #tpu.memory_space<vmem>>
        %dma_wait3A_71 = arith.constant 0 : i32
        %dma_wait3A_72 = tpu.memref_slice %arg10[%dma_wait3A_71] : memref<10128xf32, #tpu.memory_space<vmem_shared>> -> memref<10128xf32, #tpu.memory_space<vmem_shared>>
        tpu.wait_indirect_dma semaphore(%run_scoped3A : memref<!tpu.dma_semaphore, #tpu.memory_space<semaphore_mem>>) src(%arg8 : memref<128xf32, #tpu.memory_space<vmem>>) dst(%dma_wait3A_72 : memref<10128xf32, #tpu.memory_space<vmem_shared>>)
        tpu.yield
      }) : () -> ()
      "tpu.region"() ({
        %run_scoped3A = tpu.sem_alloc : memref<!tpu.dma_semaphore, #tpu.memory_space<semaphore_mem>>
        %dma_start3A = arith.constant 0 : i32
        %dma_start3A_65 = tpu.memref_slice %arg7[%scan3A_64, %dma_start3A] : memref<80x128xi32, #tpu.memory_space<vmem>> -> memref<1x128xi32, #tpu.memory_space<vmem>>
        %dma_start3A_66 = tpu.memref_squeeze %dma_start3A_65 : memref<1x128xi32, #tpu.memory_space<vmem>> -> memref<128xi32, #tpu.memory_space<vmem>>
        %dma_start3A_67 = arith.constant 0 : i32
        %dma_start3A_68 = tpu.memref_slice %arg11[%dma_start3A_67] : memref<10128xf32, #tpu.memory_space<vmem_shared>> -> memref<10128xf32, #tpu.memory_space<vmem_shared>>
        tpu.enqueue_indirect_dma source(%arg8 : memref<128xf32, #tpu.memory_space<vmem>>) target(%dma_start3A_68 : memref<10128xf32, #tpu.memory_space<vmem_shared>>) offsets(%dma_start3A_66 : memref<128xi32, #tpu.memory_space<vmem>>) semaphore(%run_scoped3A : memref<!tpu.dma_semaphore, #tpu.memory_space<semaphore_mem>>) {add = true}
        %dma_wait3A = arith.constant 0 : i32
        %dma_wait3A_69 = tpu.memref_slice %arg7[%scan3A_64, %dma_wait3A] : memref<80x128xi32, #tpu.memory_space<vmem>> -> memref<1x128xi32, #tpu.memory_space<vmem>>
        %dma_wait3A_70 = tpu.memref_squeeze %dma_wait3A_69 : memref<1x128xi32, #tpu.memory_space<vmem>> -> memref<128xi32, #tpu.memory_space<vmem>>
        %dma_wait3A_71 = arith.constant 0 : i32
        %dma_wait3A_72 = tpu.memref_slice %arg11[%dma_wait3A_71] : memref<10128xf32, #tpu.memory_space<vmem_shared>> -> memref<10128xf32, #tpu.memory_space<vmem_shared>>
        tpu.wait_indirect_dma semaphore(%run_scoped3A : memref<!tpu.dma_semaphore, #tpu.memory_space<semaphore_mem>>) src(%arg8 : memref<128xf32, #tpu.memory_space<vmem>>) dst(%dma_wait3A_72 : memref<10128xf32, #tpu.memory_space<vmem_shared>>)
        tpu.yield
      }) : () -> ()
    }
    %scan3A_57 = arith.constant 80 : i32
    %barrier3A_58 = arith.constant 0 : index
    tpu.barrier barrier_id(%barrier3A_58)
    %eq3A_59 = arith.constant 0 : i32
    %eq3A_60 = arith.cmpi eq, %arg1, %eq3A_59 : i32
    %convert_element_type3A_61 = arith.extui %eq3A_60 : i1 to i32
    %cond3A_62 = arith.constant 0 : i32
    %cond3A_63 = arith.cmpi ne, %convert_element_type3A_61, %cond3A_62 : i32
    scf.if %cond3A_63 {
      %run_scoped3A = arith.constant 0 : i32
      "tpu.region"() ({
        %run_scoped3A_65 = tpu.sem_alloc : memref<!tpu.dma_semaphore, #tpu.memory_space<semaphore_mem>>
        %dma_start3A = arith.constant 0 : i32
        %dma_start3A_66 = tpu.memref_slice %arg4[%arg0, %run_scoped3A, %dma_start3A] : memref<2x1x10128xf32, #tpu.memory_space<hbm>> -> memref<1x1x10128xf32, #tpu.memory_space<hbm>>
        %dma_start3A_67 = tpu.memref_squeeze %dma_start3A_66 : memref<1x1x10128xf32, #tpu.memory_space<hbm>> -> memref<10128xf32, #tpu.memory_space<hbm>>
        tpu.enqueue_dma source(%arg10 : memref<10128xf32, #tpu.memory_space<vmem_shared>>) target(%dma_start3A_67 : memref<10128xf32, #tpu.memory_space<hbm>>) target_semaphore(%run_scoped3A_65 : memref<!tpu.dma_semaphore, #tpu.memory_space<semaphore_mem>>)
        %dma_wait3A = arith.constant 0 : i32
        %dma_wait3A_68 = tpu.memref_slice %arg4[%arg0, %run_scoped3A, %dma_wait3A] : memref<2x1x10128xf32, #tpu.memory_space<hbm>> -> memref<1x1x10128xf32, #tpu.memory_space<hbm>>
        %dma_wait3A_69 = tpu.memref_squeeze %dma_wait3A_68 : memref<1x1x10128xf32, #tpu.memory_space<hbm>> -> memref<10128xf32, #tpu.memory_space<hbm>>
        tpu.wait_dma2 semaphore(%run_scoped3A_65 : memref<!tpu.dma_semaphore, #tpu.memory_space<semaphore_mem>>) src(%arg10 : memref<10128xf32, #tpu.memory_space<vmem_shared>>) dst(%dma_wait3A_69 : memref<10128xf32, #tpu.memory_space<hbm>>)
        tpu.yield
      }) : () -> ()
      %run_scoped3A_64 = arith.constant 0 : i32
      "tpu.region"() ({
        %run_scoped3A_65 = tpu.sem_alloc : memref<!tpu.dma_semaphore, #tpu.memory_space<semaphore_mem>>
        %dma_start3A = arith.constant 0 : i32
        %dma_start3A_66 = tpu.memref_slice %arg5[%arg0, %run_scoped3A_64, %dma_start3A] : memref<2x1x10128xf32, #tpu.memory_space<hbm>> -> memref<1x1x10128xf32, #tpu.memory_space<hbm>>
        %dma_start3A_67 = tpu.memref_squeeze %dma_start3A_66 : memref<1x1x10128xf32, #tpu.memory_space<hbm>> -> memref<10128xf32, #tpu.memory_space<hbm>>
        tpu.enqueue_dma source(%arg11 : memref<10128xf32, #tpu.memory_space<vmem_shared>>) target(%dma_start3A_67 : memref<10128xf32, #tpu.memory_space<hbm>>) target_semaphore(%run_scoped3A_65 : memref<!tpu.dma_semaphore, #tpu.memory_space<semaphore_mem>>)
        %dma_wait3A = arith.constant 0 : i32
        %dma_wait3A_68 = tpu.memref_slice %arg5[%arg0, %run_scoped3A_64, %dma_wait3A] : memref<2x1x10128xf32, #tpu.memory_space<hbm>> -> memref<1x1x10128xf32, #tpu.memory_space<hbm>>
        %dma_wait3A_69 = tpu.memref_squeeze %dma_wait3A_68 : memref<1x1x10128xf32, #tpu.memory_space<hbm>> -> memref<10128xf32, #tpu.memory_space<hbm>>
        tpu.wait_dma2 semaphore(%run_scoped3A_65 : memref<!tpu.dma_semaphore, #tpu.memory_space<semaphore_mem>>) src(%arg11 : memref<10128xf32, #tpu.memory_space<vmem_shared>>) dst(%dma_wait3A_69 : memref<10128xf32, #tpu.memory_space<hbm>>)
        tpu.yield
      }) : () -> ()
    } else {
    }
    return
  }
}

#map = affine_map<(d0, d1) -> (0, 0)>
#map1 = affine_map<(d0, d1) -> (0, 0, 0)>
module attributes {stable_mosaic.version = 14 : i64} {
  func.func @_sc_scatter(%arg0: i32, %arg1: i32, %arg2: memref<10128x128xf32, #tpu.memory_space<hbm>>, %arg3: memref<2560x128xi32, #tpu.memory_space<hbm>>, %arg4: memref<2560x128xi32, #tpu.memory_space<hbm>>, %arg5: memref<2x10000x128xf32, #tpu.memory_space<hbm>>, %arg6: memref<40x128xi32, #tpu.memory_space<vmem>>, %arg7: memref<40x128xi32, #tpu.memory_space<vmem>>, %arg8: memref<128x128xf32, #tpu.memory_space<vmem>>, %arg9: memref<128x128xf32, #tpu.memory_space<vmem>>, %arg10: memref<10128x128xf32, #tpu.memory_space<vmem_shared>>, %arg11: memref<!tpu.dma_semaphore, #tpu.memory_space<semaphore_mem>>, %arg12: memref<!tpu.dma_semaphore, #tpu.memory_space<semaphore_mem>>) attributes {dimension_semantics = [#tpu.dimension_semantics<core_parallel>, #tpu.dimension_semantics<subcore_parallel>], iteration_bounds = array<i64: 2, 16>, scalar_prefetch = 0 : i64, scratch_operands = 7 : i64, tpu.core_type = #tpu.core_type<sc_vector_subcore>, window_params = [{transform_indices = #map}, {transform_indices = #map}, {transform_indices = #map}, {transform_indices = #map1}]} {
    %mul3A = arith.constant 2 : i32
    %mul3A_0 = arith.muli %arg1, %mul3A : i32
    %add3A = arith.addi %mul3A_0, %arg0 : i32
    %scan3A = arith.constant 0 : i32
    %scan3A_1 = arith.constant 0 : i32
    %scan3A_2 = arith.constant 128 : i32
    %scan3A_3 = arith.addi %scan3A_1, %scan3A_2 : i32
    %scan3A_4 = arith.constant 1 : i32
    scf.for %scan3A_115 = %scan3A_1 to %scan3A_3 step %scan3A_4  : i32 {
      %broadcast_in_dim3A = arith.constant 0.000000e+00 : f32
      %broadcast_in_dim3A_116 = vector.broadcast %broadcast_in_dim3A : f32 to vector<16xf32>
      %swap3A = arith.index_cast %scan3A_115 : i32 to index
      %swap3A_117 = arith.constant 0 : index
      %swap3A_118 = tpu.vector_load %arg8[%swap3A, %swap3A_117] {strides = array<i32>} : memref<128x128xf32, #tpu.memory_space<vmem>>, vector<1x16xf32>,
      %swap3A_119 = vector.shape_cast %swap3A_118 : vector<1x16xf32> to vector<16xf32>
      %swap3A_120 = vector.shape_cast %broadcast_in_dim3A_116 : vector<16xf32> to vector<1x16xf32>
      tpu.vector_store %arg8[%swap3A, %swap3A_117], %swap3A_120 {strides = array<i32>} : memref<128x128xf32, #tpu.memory_space<vmem>>, vector<1x16xf32>,
      %broadcast_in_dim3A_121 = arith.constant 0.000000e+00 : f32
      %broadcast_in_dim3A_122 = vector.broadcast %broadcast_in_dim3A_121 : f32 to vector<16xf32>
      %swap3A_123 = arith.index_cast %scan3A_115 : i32 to index
      %swap3A_124 = arith.constant 16 : index
      %swap3A_125 = tpu.vector_load %arg8[%swap3A_123, %swap3A_124] {strides = array<i32>} : memref<128x128xf32, #tpu.memory_space<vmem>>, vector<1x16xf32>,
      %swap3A_126 = vector.shape_cast %swap3A_125 : vector<1x16xf32> to vector<16xf32>
      %swap3A_127 = vector.shape_cast %broadcast_in_dim3A_122 : vector<16xf32> to vector<1x16xf32>
      tpu.vector_store %arg8[%swap3A_123, %swap3A_124], %swap3A_127 {strides = array<i32>} : memref<128x128xf32, #tpu.memory_space<vmem>>, vector<1x16xf32>,
      %broadcast_in_dim3A_128 = arith.constant 0.000000e+00 : f32
      %broadcast_in_dim3A_129 = vector.broadcast %broadcast_in_dim3A_128 : f32 to vector<16xf32>
      %swap3A_130 = arith.index_cast %scan3A_115 : i32 to index
      %swap3A_131 = arith.constant 32 : index
      %swap3A_132 = tpu.vector_load %arg8[%swap3A_130, %swap3A_131] {strides = array<i32>} : memref<128x128xf32, #tpu.memory_space<vmem>>, vector<1x16xf32>,
      %swap3A_133 = vector.shape_cast %swap3A_132 : vector<1x16xf32> to vector<16xf32>
      %swap3A_134 = vector.shape_cast %broadcast_in_dim3A_129 : vector<16xf32> to vector<1x16xf32>
      tpu.vector_store %arg8[%swap3A_130, %swap3A_131], %swap3A_134 {strides = array<i32>} : memref<128x128xf32, #tpu.memory_space<vmem>>, vector<1x16xf32>,
      %broadcast_in_dim3A_135 = arith.constant 0.000000e+00 : f32
      %broadcast_in_dim3A_136 = vector.broadcast %broadcast_in_dim3A_135 : f32 to vector<16xf32>
      %swap3A_137 = arith.index_cast %scan3A_115 : i32 to index
      %swap3A_138 = arith.constant 48 : index
      %swap3A_139 = tpu.vector_load %arg8[%swap3A_137, %swap3A_138] {strides = array<i32>} : memref<128x128xf32, #tpu.memory_space<vmem>>, vector<1x16xf32>,
      %swap3A_140 = vector.shape_cast %swap3A_139 : vector<1x16xf32> to vector<16xf32>
      %swap3A_141 = vector.shape_cast %broadcast_in_dim3A_136 : vector<16xf32> to vector<1x16xf32>
      tpu.vector_store %arg8[%swap3A_137, %swap3A_138], %swap3A_141 {strides = array<i32>} : memref<128x128xf32, #tpu.memory_space<vmem>>, vector<1x16xf32>,
      %broadcast_in_dim3A_142 = arith.constant 0.000000e+00 : f32
      %broadcast_in_dim3A_143 = vector.broadcast %broadcast_in_dim3A_142 : f32 to vector<16xf32>
      %swap3A_144 = arith.index_cast %scan3A_115 : i32 to index
      %swap3A_145 = arith.constant 64 : index
      %swap3A_146 = tpu.vector_load %arg8[%swap3A_144, %swap3A_145] {strides = array<i32>} : memref<128x128xf32, #tpu.memory_space<vmem>>, vector<1x16xf32>,
      %swap3A_147 = vector.shape_cast %swap3A_146 : vector<1x16xf32> to vector<16xf32>
      %swap3A_148 = vector.shape_cast %broadcast_in_dim3A_143 : vector<16xf32> to vector<1x16xf32>
      tpu.vector_store %arg8[%swap3A_144, %swap3A_145], %swap3A_148 {strides = array<i32>} : memref<128x128xf32, #tpu.memory_space<vmem>>, vector<1x16xf32>,
      %broadcast_in_dim3A_149 = arith.constant 0.000000e+00 : f32
      %broadcast_in_dim3A_150 = vector.broadcast %broadcast_in_dim3A_149 : f32 to vector<16xf32>
      %swap3A_151 = arith.index_cast %scan3A_115 : i32 to index
      %swap3A_152 = arith.constant 80 : index
      %swap3A_153 = tpu.vector_load %arg8[%swap3A_151, %swap3A_152] {strides = array<i32>} : memref<128x128xf32, #tpu.memory_space<vmem>>, vector<1x16xf32>,
      %swap3A_154 = vector.shape_cast %swap3A_153 : vector<1x16xf32> to vector<16xf32>
      %swap3A_155 = vector.shape_cast %broadcast_in_dim3A_150 : vector<16xf32> to vector<1x16xf32>
      tpu.vector_store %arg8[%swap3A_151, %swap3A_152], %swap3A_155 {strides = array<i32>} : memref<128x128xf32, #tpu.memory_space<vmem>>, vector<1x16xf32>,
      %broadcast_in_dim3A_156 = arith.constant 0.000000e+00 : f32
      %broadcast_in_dim3A_157 = vector.broadcast %broadcast_in_dim3A_156 : f32 to vector<16xf32>
      %swap3A_158 = arith.index_cast %scan3A_115 : i32 to index
      %swap3A_159 = arith.constant 96 : index
      %swap3A_160 = tpu.vector_load %arg8[%swap3A_158, %swap3A_159] {strides = array<i32>} : memref<128x128xf32, #tpu.memory_space<vmem>>, vector<1x16xf32>,
      %swap3A_161 = vector.shape_cast %swap3A_160 : vector<1x16xf32> to vector<16xf32>
      %swap3A_162 = vector.shape_cast %broadcast_in_dim3A_157 : vector<16xf32> to vector<1x16xf32>
      tpu.vector_store %arg8[%swap3A_158, %swap3A_159], %swap3A_162 {strides = array<i32>} : memref<128x128xf32, #tpu.memory_space<vmem>>, vector<1x16xf32>,
      %broadcast_in_dim3A_163 = arith.constant 0.000000e+00 : f32
      %broadcast_in_dim3A_164 = vector.broadcast %broadcast_in_dim3A_163 : f32 to vector<16xf32>
      %swap3A_165 = arith.index_cast %scan3A_115 : i32 to index
      %swap3A_166 = arith.constant 112 : index
      %swap3A_167 = tpu.vector_load %arg8[%swap3A_165, %swap3A_166] {strides = array<i32>} : memref<128x128xf32, #tpu.memory_space<vmem>>, vector<1x16xf32>,
      %swap3A_168 = vector.shape_cast %swap3A_167 : vector<1x16xf32> to vector<16xf32>
      %swap3A_169 = vector.shape_cast %broadcast_in_dim3A_164 : vector<16xf32> to vector<1x16xf32>
      tpu.vector_store %arg8[%swap3A_165, %swap3A_166], %swap3A_169 {strides = array<i32>} : memref<128x128xf32, #tpu.memory_space<vmem>>, vector<1x16xf32>,
    }
    %scan3A_5 = arith.constant 128 : i32
    %mul3A_6 = arith.constant 624 : i32
    %mul3A_7 = arith.muli %arg1, %mul3A_6 : i32
    %add3A_8 = arith.constant 0 : i32
    %add3A_9 = arith.addi %mul3A_7, %add3A_8 : i32
    "tpu.region"() ({
      %run_scoped3A_115 = tpu.sem_alloc : memref<!tpu.dma_semaphore, #tpu.memory_space<semaphore_mem>>
      %dma_start3A_116 = arith.constant 0 : i32
      %dma_start3A_117 = arith.constant 0 : i32
      %dma_start3A_118 = tpu.memref_slice %arg8[%dma_start3A_116, %dma_start3A_117] : memref<128x128xf32, #tpu.memory_space<vmem>> -> memref<128x128xf32, #tpu.memory_space<vmem>>
      %dma_start3A_119 = arith.constant 0 : i32
      %dma_start3A_120 = tpu.memref_slice %arg10[%add3A_9, %dma_start3A_119] : memref<10128x128xf32, #tpu.memory_space<vmem_shared>> -> memref<128x128xf32, #tpu.memory_space<vmem_shared>>
      %dma_start3A_121 = arith.constant 0 : i32
      %dma_start3A_122 = tpu.memref_slice %arg10[%add3A_9, %dma_start3A_121] : memref<10128x128xf32, #tpu.memory_space<vmem_shared>> -> memref<128x128xf32, #tpu.memory_space<vmem_shared>>
      %dma_start3A_123 = arith.constant 0 : i32
      %dma_start3A_124 = arith.constant 0 : i32
      %dma_start3A_125 = tpu.memref_slice %arg8[%dma_start3A_123, %dma_start3A_124] : memref<128x128xf32, #tpu.memory_space<vmem>> -> memref<128x128xf32, #tpu.memory_space<vmem>>
      tpu.enqueue_dma source(%dma_start3A_125 : memref<128x128xf32, #tpu.memory_space<vmem>>) target(%dma_start3A_122 : memref<128x128xf32, #tpu.memory_space<vmem_shared>>) target_semaphore(%run_scoped3A_115 : memref<!tpu.dma_semaphore, #tpu.memory_space<semaphore_mem>>)
      %dma_wait3A_126 = arith.constant 0 : i32
      %dma_wait3A_127 = arith.constant 0 : i32
      %dma_wait3A_128 = tpu.memref_slice %arg8[%dma_wait3A_126, %dma_wait3A_127] : memref<128x128xf32, #tpu.memory_space<vmem>> -> memref<128x128xf32, #tpu.memory_space<vmem>>
      %dma_wait3A_129 = arith.constant 0 : i32
      %dma_wait3A_130 = tpu.memref_slice %arg10[%add3A_9, %dma_wait3A_129] : memref<10128x128xf32, #tpu.memory_space<vmem_shared>> -> memref<128x128xf32, #tpu.memory_space<vmem_shared>>
      %dma_wait3A_131 = arith.constant 0 : i32
      %dma_wait3A_132 = tpu.memref_slice %arg10[%add3A_9, %dma_wait3A_131] : memref<10128x128xf32, #tpu.memory_space<vmem_shared>> -> memref<128x128xf32, #tpu.memory_space<vmem_shared>>
      %dma_wait3A_133 = arith.constant 0 : i32
      %dma_wait3A_134 = arith.constant 0 : i32
      %dma_wait3A_135 = tpu.memref_slice %arg8[%dma_wait3A_133, %dma_wait3A_134] : memref<128x128xf32, #tpu.memory_space<vmem>> -> memref<128x128xf32, #tpu.memory_space<vmem>>
      tpu.wait_dma2 semaphore(%run_scoped3A_115 : memref<!tpu.dma_semaphore, #tpu.memory_space<semaphore_mem>>) src(%dma_wait3A_135 : memref<128x128xf32, #tpu.memory_space<vmem>>) dst(%dma_wait3A_132 : memref<128x128xf32, #tpu.memory_space<vmem_shared>>)
      tpu.yield
    }) : () -> ()
    %mul3A_10 = arith.constant 624 : i32
    %mul3A_11 = arith.muli %arg1, %mul3A_10 : i32
    %add3A_12 = arith.constant 128 : i32
    %add3A_13 = arith.addi %mul3A_11, %add3A_12 : i32
    "tpu.region"() ({
      %run_scoped3A_115 = tpu.sem_alloc : memref<!tpu.dma_semaphore, #tpu.memory_space<semaphore_mem>>
      %dma_start3A_116 = arith.constant 0 : i32
      %dma_start3A_117 = arith.constant 0 : i32
      %dma_start3A_118 = tpu.memref_slice %arg8[%dma_start3A_116, %dma_start3A_117] : memref<128x128xf32, #tpu.memory_space<vmem>> -> memref<128x128xf32, #tpu.memory_space<vmem>>
      %dma_start3A_119 = arith.constant 0 : i32
      %dma_start3A_120 = tpu.memref_slice %arg10[%add3A_13, %dma_start3A_119] : memref<10128x128xf32, #tpu.memory_space<vmem_shared>> -> memref<128x128xf32, #tpu.memory_space<vmem_shared>>
      %dma_start3A_121 = arith.constant 0 : i32
      %dma_start3A_122 = tpu.memref_slice %arg10[%add3A_13, %dma_start3A_121] : memref<10128x128xf32, #tpu.memory_space<vmem_shared>> -> memref<128x128xf32, #tpu.memory_space<vmem_shared>>
      %dma_start3A_123 = arith.constant 0 : i32
      %dma_start3A_124 = arith.constant 0 : i32
      %dma_start3A_125 = tpu.memref_slice %arg8[%dma_start3A_123, %dma_start3A_124] : memref<128x128xf32, #tpu.memory_space<vmem>> -> memref<128x128xf32, #tpu.memory_space<vmem>>
      tpu.enqueue_dma source(%dma_start3A_125 : memref<128x128xf32, #tpu.memory_space<vmem>>) target(%dma_start3A_122 : memref<128x128xf32, #tpu.memory_space<vmem_shared>>) target_semaphore(%run_scoped3A_115 : memref<!tpu.dma_semaphore, #tpu.memory_space<semaphore_mem>>)
      %dma_wait3A_126 = arith.constant 0 : i32
      %dma_wait3A_127 = arith.constant 0 : i32
      %dma_wait3A_128 = tpu.memref_slice %arg8[%dma_wait3A_126, %dma_wait3A_127] : memref<128x128xf32, #tpu.memory_space<vmem>> -> memref<128x128xf32, #tpu.memory_space<vmem>>
      %dma_wait3A_129 = arith.constant 0 : i32
      %dma_wait3A_130 = tpu.memref_slice %arg10[%add3A_13, %dma_wait3A_129] : memref<10128x128xf32, #tpu.memory_space<vmem_shared>> -> memref<128x128xf32, #tpu.memory_space<vmem_shared>>
      %dma_wait3A_131 = arith.constant 0 : i32
      %dma_wait3A_132 = tpu.memref_slice %arg10[%add3A_13, %dma_wait3A_131] : memref<10128x128xf32, #tpu.memory_space<vmem_shared>> -> memref<128x128xf32, #tpu.memory_space<vmem_shared>>
      %dma_wait3A_133 = arith.constant 0 : i32
      %dma_wait3A_134 = arith.constant 0 : i32
      %dma_wait3A_135 = tpu.memref_slice %arg8[%dma_wait3A_133, %dma_wait3A_134] : memref<128x128xf32, #tpu.memory_space<vmem>> -> memref<128x128xf32, #tpu.memory_space<vmem>>
      tpu.wait_dma2 semaphore(%run_scoped3A_115 : memref<!tpu.dma_semaphore, #tpu.memory_space<semaphore_mem>>) src(%dma_wait3A_135 : memref<128x128xf32, #tpu.memory_space<vmem>>) dst(%dma_wait3A_132 : memref<128x128xf32, #tpu.memory_space<vmem_shared>>)
      tpu.yield
    }) : () -> ()
    %mul3A_14 = arith.constant 624 : i32
    %mul3A_15 = arith.muli %arg1, %mul3A_14 : i32
    %add3A_16 = arith.constant 256 : i32
    %add3A_17 = arith.addi %mul3A_15, %add3A_16 : i32
    "tpu.region"() ({
      %run_scoped3A_115 = tpu.sem_alloc : memref<!tpu.dma_semaphore, #tpu.memory_space<semaphore_mem>>
      %dma_start3A_116 = arith.constant 0 : i32
      %dma_start3A_117 = arith.constant 0 : i32
      %dma_start3A_118 = tpu.memref_slice %arg8[%dma_start3A_116, %dma_start3A_117] : memref<128x128xf32, #tpu.memory_space<vmem>> -> memref<128x128xf32, #tpu.memory_space<vmem>>
      %dma_start3A_119 = arith.constant 0 : i32
      %dma_start3A_120 = tpu.memref_slice %arg10[%add3A_17, %dma_start3A_119] : memref<10128x128xf32, #tpu.memory_space<vmem_shared>> -> memref<128x128xf32, #tpu.memory_space<vmem_shared>>
      %dma_start3A_121 = arith.constant 0 : i32
      %dma_start3A_122 = tpu.memref_slice %arg10[%add3A_17, %dma_start3A_121] : memref<10128x128xf32, #tpu.memory_space<vmem_shared>> -> memref<128x128xf32, #tpu.memory_space<vmem_shared>>
      %dma_start3A_123 = arith.constant 0 : i32
      %dma_start3A_124 = arith.constant 0 : i32
      %dma_start3A_125 = tpu.memref_slice %arg8[%dma_start3A_123, %dma_start3A_124] : memref<128x128xf32, #tpu.memory_space<vmem>> -> memref<128x128xf32, #tpu.memory_space<vmem>>
      tpu.enqueue_dma source(%dma_start3A_125 : memref<128x128xf32, #tpu.memory_space<vmem>>) target(%dma_start3A_122 : memref<128x128xf32, #tpu.memory_space<vmem_shared>>) target_semaphore(%run_scoped3A_115 : memref<!tpu.dma_semaphore, #tpu.memory_space<semaphore_mem>>)
      %dma_wait3A_126 = arith.constant 0 : i32
      %dma_wait3A_127 = arith.constant 0 : i32
      %dma_wait3A_128 = tpu.memref_slice %arg8[%dma_wait3A_126, %dma_wait3A_127] : memref<128x128xf32, #tpu.memory_space<vmem>> -> memref<128x128xf32, #tpu.memory_space<vmem>>
      %dma_wait3A_129 = arith.constant 0 : i32
      %dma_wait3A_130 = tpu.memref_slice %arg10[%add3A_17, %dma_wait3A_129] : memref<10128x128xf32, #tpu.memory_space<vmem_shared>> -> memref<128x128xf32, #tpu.memory_space<vmem_shared>>
      %dma_wait3A_131 = arith.constant 0 : i32
      %dma_wait3A_132 = tpu.memref_slice %arg10[%add3A_17, %dma_wait3A_131] : memref<10128x128xf32, #tpu.memory_space<vmem_shared>> -> memref<128x128xf32, #tpu.memory_space<vmem_shared>>
      %dma_wait3A_133 = arith.constant 0 : i32
      %dma_wait3A_134 = arith.constant 0 : i32
      %dma_wait3A_135 = tpu.memref_slice %arg8[%dma_wait3A_133, %dma_wait3A_134] : memref<128x128xf32, #tpu.memory_space<vmem>> -> memref<128x128xf32, #tpu.memory_space<vmem>>
      tpu.wait_dma2 semaphore(%run_scoped3A_115 : memref<!tpu.dma_semaphore, #tpu.memory_space<semaphore_mem>>) src(%dma_wait3A_135 : memref<128x128xf32, #tpu.memory_space<vmem>>) dst(%dma_wait3A_132 : memref<128x128xf32, #tpu.memory_space<vmem_shared>>)
      tpu.yield
    }) : () -> ()
    %mul3A_18 = arith.constant 624 : i32
    %mul3A_19 = arith.muli %arg1, %mul3A_18 : i32
    %add3A_20 = arith.constant 384 : i32
    %add3A_21 = arith.addi %mul3A_19, %add3A_20 : i32
    "tpu.region"() ({
      %run_scoped3A_115 = tpu.sem_alloc : memref<!tpu.dma_semaphore, #tpu.memory_space<semaphore_mem>>
      %dma_start3A_116 = arith.constant 0 : i32
      %dma_start3A_117 = arith.constant 0 : i32
      %dma_start3A_118 = tpu.memref_slice %arg8[%dma_start3A_116, %dma_start3A_117] : memref<128x128xf32, #tpu.memory_space<vmem>> -> memref<128x128xf32, #tpu.memory_space<vmem>>
      %dma_start3A_119 = arith.constant 0 : i32
      %dma_start3A_120 = tpu.memref_slice %arg10[%add3A_21, %dma_start3A_119] : memref<10128x128xf32, #tpu.memory_space<vmem_shared>> -> memref<128x128xf32, #tpu.memory_space<vmem_shared>>
      %dma_start3A_121 = arith.constant 0 : i32
      %dma_start3A_122 = tpu.memref_slice %arg10[%add3A_21, %dma_start3A_121] : memref<10128x128xf32, #tpu.memory_space<vmem_shared>> -> memref<128x128xf32, #tpu.memory_space<vmem_shared>>
      %dma_start3A_123 = arith.constant 0 : i32
      %dma_start3A_124 = arith.constant 0 : i32
      %dma_start3A_125 = tpu.memref_slice %arg8[%dma_start3A_123, %dma_start3A_124] : memref<128x128xf32, #tpu.memory_space<vmem>> -> memref<128x128xf32, #tpu.memory_space<vmem>>
      tpu.enqueue_dma source(%dma_start3A_125 : memref<128x128xf32, #tpu.memory_space<vmem>>) target(%dma_start3A_122 : memref<128x128xf32, #tpu.memory_space<vmem_shared>>) target_semaphore(%run_scoped3A_115 : memref<!tpu.dma_semaphore, #tpu.memory_space<semaphore_mem>>)
      %dma_wait3A_126 = arith.constant 0 : i32
      %dma_wait3A_127 = arith.constant 0 : i32
      %dma_wait3A_128 = tpu.memref_slice %arg8[%dma_wait3A_126, %dma_wait3A_127] : memref<128x128xf32, #tpu.memory_space<vmem>> -> memref<128x128xf32, #tpu.memory_space<vmem>>
      %dma_wait3A_129 = arith.constant 0 : i32
      %dma_wait3A_130 = tpu.memref_slice %arg10[%add3A_21, %dma_wait3A_129] : memref<10128x128xf32, #tpu.memory_space<vmem_shared>> -> memref<128x128xf32, #tpu.memory_space<vmem_shared>>
      %dma_wait3A_131 = arith.constant 0 : i32
      %dma_wait3A_132 = tpu.memref_slice %arg10[%add3A_21, %dma_wait3A_131] : memref<10128x128xf32, #tpu.memory_space<vmem_shared>> -> memref<128x128xf32, #tpu.memory_space<vmem_shared>>
      %dma_wait3A_133 = arith.constant 0 : i32
      %dma_wait3A_134 = arith.constant 0 : i32
      %dma_wait3A_135 = tpu.memref_slice %arg8[%dma_wait3A_133, %dma_wait3A_134] : memref<128x128xf32, #tpu.memory_space<vmem>> -> memref<128x128xf32, #tpu.memory_space<vmem>>
      tpu.wait_dma2 semaphore(%run_scoped3A_115 : memref<!tpu.dma_semaphore, #tpu.memory_space<semaphore_mem>>) src(%dma_wait3A_135 : memref<128x128xf32, #tpu.memory_space<vmem>>) dst(%dma_wait3A_132 : memref<128x128xf32, #tpu.memory_space<vmem_shared>>)
      tpu.yield
    }) : () -> ()
    %mul3A_22 = arith.constant 624 : i32
    %mul3A_23 = arith.muli %arg1, %mul3A_22 : i32
    %add3A_24 = arith.constant 512 : i32
    %add3A_25 = arith.addi %mul3A_23, %add3A_24 : i32
    "tpu.region"() ({
      %run_scoped3A_115 = tpu.sem_alloc : memref<!tpu.dma_semaphore, #tpu.memory_space<semaphore_mem>>
      %dma_start3A_116 = arith.constant 0 : i32
      %dma_start3A_117 = arith.constant 0 : i32
      %dma_start3A_118 = tpu.memref_slice %arg8[%dma_start3A_116, %dma_start3A_117] : memref<128x128xf32, #tpu.memory_space<vmem>> -> memref<112x128xf32, #tpu.memory_space<vmem>>
      %dma_start3A_119 = arith.constant 0 : i32
      %dma_start3A_120 = tpu.memref_slice %arg10[%add3A_25, %dma_start3A_119] : memref<10128x128xf32, #tpu.memory_space<vmem_shared>> -> memref<112x128xf32, #tpu.memory_space<vmem_shared>>
      %dma_start3A_121 = arith.constant 0 : i32
      %dma_start3A_122 = tpu.memref_slice %arg10[%add3A_25, %dma_start3A_121] : memref<10128x128xf32, #tpu.memory_space<vmem_shared>> -> memref<112x128xf32, #tpu.memory_space<vmem_shared>>
      %dma_start3A_123 = arith.constant 0 : i32
      %dma_start3A_124 = arith.constant 0 : i32
      %dma_start3A_125 = tpu.memref_slice %arg8[%dma_start3A_123, %dma_start3A_124] : memref<128x128xf32, #tpu.memory_space<vmem>> -> memref<112x128xf32, #tpu.memory_space<vmem>>
      tpu.enqueue_dma source(%dma_start3A_125 : memref<112x128xf32, #tpu.memory_space<vmem>>) target(%dma_start3A_122 : memref<112x128xf32, #tpu.memory_space<vmem_shared>>) target_semaphore(%run_scoped3A_115 : memref<!tpu.dma_semaphore, #tpu.memory_space<semaphore_mem>>)
      %dma_wait3A_126 = arith.constant 0 : i32
      %dma_wait3A_127 = arith.constant 0 : i32
      %dma_wait3A_128 = tpu.memref_slice %arg8[%dma_wait3A_126, %dma_wait3A_127] : memref<128x128xf32, #tpu.memory_space<vmem>> -> memref<112x128xf32, #tpu.memory_space<vmem>>
      %dma_wait3A_129 = arith.constant 0 : i32
      %dma_wait3A_130 = tpu.memref_slice %arg10[%add3A_25, %dma_wait3A_129] : memref<10128x128xf32, #tpu.memory_space<vmem_shared>> -> memref<112x128xf32, #tpu.memory_space<vmem_shared>>
      %dma_wait3A_131 = arith.constant 0 : i32
      %dma_wait3A_132 = tpu.memref_slice %arg10[%add3A_25, %dma_wait3A_131] : memref<10128x128xf32, #tpu.memory_space<vmem_shared>> -> memref<112x128xf32, #tpu.memory_space<vmem_shared>>
      %dma_wait3A_133 = arith.constant 0 : i32
      %dma_wait3A_134 = arith.constant 0 : i32
      %dma_wait3A_135 = tpu.memref_slice %arg8[%dma_wait3A_133, %dma_wait3A_134] : memref<128x128xf32, #tpu.memory_space<vmem>> -> memref<112x128xf32, #tpu.memory_space<vmem>>
      tpu.wait_dma2 semaphore(%run_scoped3A_115 : memref<!tpu.dma_semaphore, #tpu.memory_space<semaphore_mem>>) src(%dma_wait3A_135 : memref<112x128xf32, #tpu.memory_space<vmem>>) dst(%dma_wait3A_132 : memref<112x128xf32, #tpu.memory_space<vmem_shared>>)
      tpu.yield
    }) : () -> ()
    %eq3A = arith.constant 0 : i32
    %eq3A_26 = arith.cmpi eq, %arg1, %eq3A : i32
    %convert_element_type3A = arith.extui %eq3A_26 : i1 to i32
    %cond3A = arith.constant 0 : i32
    %cond3A_27 = arith.cmpi ne, %convert_element_type3A, %cond3A : i32
    scf.if %cond3A_27 {
      "tpu.region"() ({
        %run_scoped3A_115 = tpu.sem_alloc : memref<!tpu.dma_semaphore, #tpu.memory_space<semaphore_mem>>
        %dma_start3A_116 = arith.constant 0 : i32
        %dma_start3A_117 = arith.constant 0 : i32
        %dma_start3A_118 = tpu.memref_slice %arg8[%dma_start3A_116, %dma_start3A_117] : memref<128x128xf32, #tpu.memory_space<vmem>> -> memref<16x128xf32, #tpu.memory_space<vmem>>
        %dma_start3A_119 = arith.constant 9984 : i32
        %dma_start3A_120 = arith.constant 0 : i32
        %dma_start3A_121 = tpu.memref_slice %arg10[%dma_start3A_119, %dma_start3A_120] : memref<10128x128xf32, #tpu.memory_space<vmem_shared>> -> memref<16x128xf32, #tpu.memory_space<vmem_shared>>
        %dma_start3A_122 = arith.constant 9984 : i32
        %dma_start3A_123 = arith.constant 0 : i32
        %dma_start3A_124 = tpu.memref_slice %arg10[%dma_start3A_122, %dma_start3A_123] : memref<10128x128xf32, #tpu.memory_space<vmem_shared>> -> memref<16x128xf32, #tpu.memory_space<vmem_shared>>
        %dma_start3A_125 = arith.constant 0 : i32
        %dma_start3A_126 = arith.constant 0 : i32
        %dma_start3A_127 = tpu.memref_slice %arg8[%dma_start3A_125, %dma_start3A_126] : memref<128x128xf32, #tpu.memory_space<vmem>> -> memref<16x128xf32, #tpu.memory_space<vmem>>
        tpu.enqueue_dma source(%dma_start3A_127 : memref<16x128xf32, #tpu.memory_space<vmem>>) target(%dma_start3A_124 : memref<16x128xf32, #tpu.memory_space<vmem_shared>>) target_semaphore(%run_scoped3A_115 : memref<!tpu.dma_semaphore, #tpu.memory_space<semaphore_mem>>)
        %dma_wait3A_128 = arith.constant 0 : i32
        %dma_wait3A_129 = arith.constant 0 : i32
        %dma_wait3A_130 = tpu.memref_slice %arg8[%dma_wait3A_128, %dma_wait3A_129] : memref<128x128xf32, #tpu.memory_space<vmem>> -> memref<16x128xf32, #tpu.memory_space<vmem>>
        %dma_wait3A_131 = arith.constant 9984 : i32
        %dma_wait3A_132 = arith.constant 0 : i32
        %dma_wait3A_133 = tpu.memref_slice %arg10[%dma_wait3A_131, %dma_wait3A_132] : memref<10128x128xf32, #tpu.memory_space<vmem_shared>> -> memref<16x128xf32, #tpu.memory_space<vmem_shared>>
        %dma_wait3A_134 = arith.constant 9984 : i32
        %dma_wait3A_135 = arith.constant 0 : i32
        %dma_wait3A_136 = tpu.memref_slice %arg10[%dma_wait3A_134, %dma_wait3A_135] : memref<10128x128xf32, #tpu.memory_space<vmem_shared>> -> memref<16x128xf32, #tpu.memory_space<vmem_shared>>
        %dma_wait3A_137 = arith.constant 0 : i32
        %dma_wait3A_138 = arith.constant 0 : i32
        %dma_wait3A_139 = tpu.memref_slice %arg8[%dma_wait3A_137, %dma_wait3A_138] : memref<128x128xf32, #tpu.memory_space<vmem>> -> memref<16x128xf32, #tpu.memory_space<vmem>>
        tpu.wait_dma2 semaphore(%run_scoped3A_115 : memref<!tpu.dma_semaphore, #tpu.memory_space<semaphore_mem>>) src(%dma_wait3A_139 : memref<16x128xf32, #tpu.memory_space<vmem>>) dst(%dma_wait3A_136 : memref<16x128xf32, #tpu.memory_space<vmem_shared>>)
        tpu.yield
      }) : () -> ()
    } else {
    }
    %barrier3A = arith.constant 0 : index
    tpu.barrier barrier_id(%barrier3A)
    "tpu.trace_start"() <{level = 10 : i32, message = "edge_phase_0"}> : () -> ()
    %mul3A_28 = arith.constant 80 : i32
    %mul3A_29 = arith.muli %add3A, %mul3A_28 : i32
    %add3A_30 = arith.constant 0 : i32
    %add3A_31 = arith.addi %mul3A_29, %add3A_30 : i32
    "tpu.region"() ({
      %run_scoped3A_115 = tpu.sem_alloc : memref<!tpu.dma_semaphore, #tpu.memory_space<semaphore_mem>>
      %dma_start3A_116 = arith.constant 0 : i32
      %dma_start3A_117 = arith.constant 0 : i32
      %dma_start3A_118 = tpu.memref_slice %arg6[%dma_start3A_116, %dma_start3A_117] : memref<40x128xi32, #tpu.memory_space<vmem>> -> memref<40x128xi32, #tpu.memory_space<vmem>>
      %dma_start3A_119 = arith.constant 0 : i32
      %dma_start3A_120 = tpu.memref_slice %arg3[%add3A_31, %dma_start3A_119] : memref<2560x128xi32, #tpu.memory_space<hbm>> -> memref<40x128xi32, #tpu.memory_space<hbm>>
      %dma_start3A_121 = arith.constant 0 : i32
      %dma_start3A_122 = arith.constant 0 : i32
      %dma_start3A_123 = tpu.memref_slice %arg6[%dma_start3A_121, %dma_start3A_122] : memref<40x128xi32, #tpu.memory_space<vmem>> -> memref<40x128xi32, #tpu.memory_space<vmem>>
      %dma_start3A_124 = arith.constant 0 : i32
      %dma_start3A_125 = tpu.memref_slice %arg3[%add3A_31, %dma_start3A_124] : memref<2560x128xi32, #tpu.memory_space<hbm>> -> memref<40x128xi32, #tpu.memory_space<hbm>>
      tpu.enqueue_dma source(%dma_start3A_125 : memref<40x128xi32, #tpu.memory_space<hbm>>) target(%dma_start3A_123 : memref<40x128xi32, #tpu.memory_space<vmem>>) target_semaphore(%run_scoped3A_115 : memref<!tpu.dma_semaphore, #tpu.memory_space<semaphore_mem>>)
      %dma_wait3A_126 = arith.constant 0 : i32
      %dma_wait3A_127 = arith.constant 0 : i32
      %dma_wait3A_128 = tpu.memref_slice %arg6[%dma_wait3A_126, %dma_wait3A_127] : memref<40x128xi32, #tpu.memory_space<vmem>> -> memref<40x128xi32, #tpu.memory_space<vmem>>
      %dma_wait3A_129 = arith.constant 0 : i32
      %dma_wait3A_130 = tpu.memref_slice %arg3[%add3A_31, %dma_wait3A_129] : memref<2560x128xi32, #tpu.memory_space<hbm>> -> memref<40x128xi32, #tpu.memory_space<hbm>>
      %dma_wait3A_131 = arith.constant 0 : i32
      %dma_wait3A_132 = arith.constant 0 : i32
      %dma_wait3A_133 = tpu.memref_slice %arg6[%dma_wait3A_131, %dma_wait3A_132] : memref<40x128xi32, #tpu.memory_space<vmem>> -> memref<40x128xi32, #tpu.memory_space<vmem>>
      %dma_wait3A_134 = arith.constant 0 : i32
      %dma_wait3A_135 = tpu.memref_slice %arg3[%add3A_31, %dma_wait3A_134] : memref<2560x128xi32, #tpu.memory_space<hbm>> -> memref<40x128xi32, #tpu.memory_space<hbm>>
      tpu.wait_dma2 semaphore(%run_scoped3A_115 : memref<!tpu.dma_semaphore, #tpu.memory_space<semaphore_mem>>) src(%dma_wait3A_135 : memref<40x128xi32, #tpu.memory_space<hbm>>) dst(%dma_wait3A_133 : memref<40x128xi32, #tpu.memory_space<vmem>>)
      tpu.yield
    }) : () -> ()
    "tpu.region"() ({
      %run_scoped3A_115 = tpu.sem_alloc : memref<!tpu.dma_semaphore, #tpu.memory_space<semaphore_mem>>
      %dma_start3A_116 = arith.constant 0 : i32
      %dma_start3A_117 = arith.constant 0 : i32
      %dma_start3A_118 = tpu.memref_slice %arg7[%dma_start3A_116, %dma_start3A_117] : memref<40x128xi32, #tpu.memory_space<vmem>> -> memref<40x128xi32, #tpu.memory_space<vmem>>
      %dma_start3A_119 = arith.constant 0 : i32
      %dma_start3A_120 = tpu.memref_slice %arg4[%add3A_31, %dma_start3A_119] : memref<2560x128xi32, #tpu.memory_space<hbm>> -> memref<40x128xi32, #tpu.memory_space<hbm>>
      %dma_start3A_121 = arith.constant 0 : i32
      %dma_start3A_122 = arith.constant 0 : i32
      %dma_start3A_123 = tpu.memref_slice %arg7[%dma_start3A_121, %dma_start3A_122] : memref<40x128xi32, #tpu.memory_space<vmem>> -> memref<40x128xi32, #tpu.memory_space<vmem>>
      %dma_start3A_124 = arith.constant 0 : i32
      %dma_start3A_125 = tpu.memref_slice %arg4[%add3A_31, %dma_start3A_124] : memref<2560x128xi32, #tpu.memory_space<hbm>> -> memref<40x128xi32, #tpu.memory_space<hbm>>
      tpu.enqueue_dma source(%dma_start3A_125 : memref<40x128xi32, #tpu.memory_space<hbm>>) target(%dma_start3A_123 : memref<40x128xi32, #tpu.memory_space<vmem>>) target_semaphore(%run_scoped3A_115 : memref<!tpu.dma_semaphore, #tpu.memory_space<semaphore_mem>>)
      %dma_wait3A_126 = arith.constant 0 : i32
      %dma_wait3A_127 = arith.constant 0 : i32
      %dma_wait3A_128 = tpu.memref_slice %arg7[%dma_wait3A_126, %dma_wait3A_127] : memref<40x128xi32, #tpu.memory_space<vmem>> -> memref<40x128xi32, #tpu.memory_space<vmem>>
      %dma_wait3A_129 = arith.constant 0 : i32
      %dma_wait3A_130 = tpu.memref_slice %arg4[%add3A_31, %dma_wait3A_129] : memref<2560x128xi32, #tpu.memory_space<hbm>> -> memref<40x128xi32, #tpu.memory_space<hbm>>
      %dma_wait3A_131 = arith.constant 0 : i32
      %dma_wait3A_132 = arith.constant 0 : i32
      %dma_wait3A_133 = tpu.memref_slice %arg7[%dma_wait3A_131, %dma_wait3A_132] : memref<40x128xi32, #tpu.memory_space<vmem>> -> memref<40x128xi32, #tpu.memory_space<vmem>>
      %dma_wait3A_134 = arith.constant 0 : i32
      %dma_wait3A_135 = tpu.memref_slice %arg4[%add3A_31, %dma_wait3A_134] : memref<2560x128xi32, #tpu.memory_space<hbm>> -> memref<40x128xi32, #tpu.memory_space<hbm>>
      tpu.wait_dma2 semaphore(%run_scoped3A_115 : memref<!tpu.dma_semaphore, #tpu.memory_space<semaphore_mem>>) src(%dma_wait3A_135 : memref<40x128xi32, #tpu.memory_space<hbm>>) dst(%dma_wait3A_133 : memref<40x128xi32, #tpu.memory_space<vmem>>)
      tpu.yield
    }) : () -> ()
    %dma_start3A = arith.constant 0 : i32
    %dma_start3A_32 = arith.constant 0 : i32
    %dma_start3A_33 = tpu.memref_slice %arg6[%dma_start3A, %dma_start3A_32] : memref<40x128xi32, #tpu.memory_space<vmem>> -> memref<1x128xi32, #tpu.memory_space<vmem>>
    %dma_start3A_34 = tpu.memref_squeeze %dma_start3A_33 : memref<1x128xi32, #tpu.memory_space<vmem>> -> memref<128xi32, #tpu.memory_space<vmem>>
    %dma_start3A_35 = arith.constant 0 : i32
    %dma_start3A_36 = arith.constant 0 : i32
    %dma_start3A_37 = tpu.memref_slice %arg2[%dma_start3A_35, %dma_start3A_36] : memref<10128x128xf32, #tpu.memory_space<hbm>> -> memref<10128x128xf32, #tpu.memory_space<hbm>>
    tpu.enqueue_indirect_dma source(%dma_start3A_37 : memref<10128x128xf32, #tpu.memory_space<hbm>>) target(%arg8 : memref<128x128xf32, #tpu.memory_space<vmem>>) offsets(%dma_start3A_34 : memref<128xi32, #tpu.memory_space<vmem>>) semaphore(%arg11 : memref<!tpu.dma_semaphore, #tpu.memory_space<semaphore_mem>>)
    %scan3A_38 = arith.constant 0 : i32
    %scan3A_39 = arith.constant 0 : i32
    %scan3A_40 = arith.constant 19 : i32
    %scan3A_41 = arith.addi %scan3A_39, %scan3A_40 : i32
    %scan3A_42 = arith.constant 1 : i32
    scf.for %scan3A_115 = %scan3A_39 to %scan3A_41 step %scan3A_42  : i32 {
      %mul3A_116 = arith.constant 2 : i32
      %mul3A_117 = arith.muli %mul3A_116, %scan3A_115 : i32
      %add3A_118 = arith.constant 1 : i32
      %add3A_119 = arith.addi %mul3A_117, %add3A_118 : i32
      %dma_start3A_120 = arith.constant 0 : i32
      %dma_start3A_121 = tpu.memref_slice %arg6[%add3A_119, %dma_start3A_120] : memref<40x128xi32, #tpu.memory_space<vmem>> -> memref<1x128xi32, #tpu.memory_space<vmem>>
      %dma_start3A_122 = tpu.memref_squeeze %dma_start3A_121 : memref<1x128xi32, #tpu.memory_space<vmem>> -> memref<128xi32, #tpu.memory_space<vmem>>
      %dma_start3A_123 = arith.constant 0 : i32
      %dma_start3A_124 = arith.constant 0 : i32
      %dma_start3A_125 = tpu.memref_slice %arg2[%dma_start3A_123, %dma_start3A_124] : memref<10128x128xf32, #tpu.memory_space<hbm>> -> memref<10128x128xf32, #tpu.memory_space<hbm>>
      tpu.enqueue_indirect_dma source(%dma_start3A_125 : memref<10128x128xf32, #tpu.memory_space<hbm>>) target(%arg9 : memref<128x128xf32, #tpu.memory_space<vmem>>) offsets(%dma_start3A_122 : memref<128xi32, #tpu.memory_space<vmem>>) semaphore(%arg12 : memref<!tpu.dma_semaphore, #tpu.memory_space<semaphore_mem>>)
      %dma_wait3A_126 = arith.constant 0 : i32
      %dma_wait3A_127 = tpu.memref_slice %arg6[%mul3A_117, %dma_wait3A_126] : memref<40x128xi32, #tpu.memory_space<vmem>> -> memref<1x128xi32, #tpu.memory_space<vmem>>
      %dma_wait3A_128 = tpu.memref_squeeze %dma_wait3A_127 : memref<1x128xi32, #tpu.memory_space<vmem>> -> memref<128xi32, #tpu.memory_space<vmem>>
      %dma_wait3A_129 = arith.constant 0 : i32
      %dma_wait3A_130 = arith.constant 0 : i32
      %dma_wait3A_131 = tpu.memref_slice %arg2[%dma_wait3A_129, %dma_wait3A_130] : memref<10128x128xf32, #tpu.memory_space<hbm>> -> memref<10128x128xf32, #tpu.memory_space<hbm>>
      tpu.wait_indirect_dma semaphore(%arg11 : memref<!tpu.dma_semaphore, #tpu.memory_space<semaphore_mem>>) src(%dma_wait3A_131 : memref<10128x128xf32, #tpu.memory_space<hbm>>) dst(%arg8 : memref<128x128xf32, #tpu.memory_space<vmem>>)
      "tpu.region"() ({
        %run_scoped3A_150 = tpu.sem_alloc : memref<!tpu.dma_semaphore, #tpu.memory_space<semaphore_mem>>
        %dma_start3A_151 = arith.constant 0 : i32
        %dma_start3A_152 = tpu.memref_slice %arg7[%mul3A_117, %dma_start3A_151] : memref<40x128xi32, #tpu.memory_space<vmem>> -> memref<1x128xi32, #tpu.memory_space<vmem>>
        %dma_start3A_153 = tpu.memref_squeeze %dma_start3A_152 : memref<1x128xi32, #tpu.memory_space<vmem>> -> memref<128xi32, #tpu.memory_space<vmem>>
        %dma_start3A_154 = arith.constant 0 : i32
        %dma_start3A_155 = arith.constant 0 : i32
        %dma_start3A_156 = tpu.memref_slice %arg10[%dma_start3A_154, %dma_start3A_155] : memref<10128x128xf32, #tpu.memory_space<vmem_shared>> -> memref<10128x128xf32, #tpu.memory_space<vmem_shared>>
        tpu.enqueue_indirect_dma source(%arg8 : memref<128x128xf32, #tpu.memory_space<vmem>>) target(%dma_start3A_156 : memref<10128x128xf32, #tpu.memory_space<vmem_shared>>) offsets(%dma_start3A_153 : memref<128xi32, #tpu.memory_space<vmem>>) semaphore(%run_scoped3A_150 : memref<!tpu.dma_semaphore, #tpu.memory_space<semaphore_mem>>) {add = true}
        %dma_wait3A_157 = arith.constant 0 : i32
        %dma_wait3A_158 = tpu.memref_slice %arg7[%mul3A_117, %dma_wait3A_157] : memref<40x128xi32, #tpu.memory_space<vmem>> -> memref<1x128xi32, #tpu.memory_space<vmem>>
        %dma_wait3A_159 = tpu.memref_squeeze %dma_wait3A_158 : memref<1x128xi32, #tpu.memory_space<vmem>> -> memref<128xi32, #tpu.memory_space<vmem>>
        %dma_wait3A_160 = arith.constant 0 : i32
        %dma_wait3A_161 = arith.constant 0 : i32
        %dma_wait3A_162 = tpu.memref_slice %arg10[%dma_wait3A_160, %dma_wait3A_161] : memref<10128x128xf32, #tpu.memory_space<vmem_shared>> -> memref<10128x128xf32, #tpu.memory_space<vmem_shared>>
        tpu.wait_indirect_dma semaphore(%run_scoped3A_150 : memref<!tpu.dma_semaphore, #tpu.memory_space<semaphore_mem>>) src(%arg8 : memref<128x128xf32, #tpu.memory_space<vmem>>) dst(%dma_wait3A_162 : memref<10128x128xf32, #tpu.memory_space<vmem_shared>>)
        tpu.yield
      }) : () -> ()
      %add3A_132 = arith.constant 2 : i32
      %add3A_133 = arith.addi %mul3A_117, %add3A_132 : i32
      %dma_start3A_134 = arith.constant 0 : i32
      %dma_start3A_135 = tpu.memref_slice %arg6[%add3A_133, %dma_start3A_134] : memref<40x128xi32, #tpu.memory_space<vmem>> -> memref<1x128xi32, #tpu.memory_space<vmem>>
      %dma_start3A_136 = tpu.memref_squeeze %dma_start3A_135 : memref<1x128xi32, #tpu.memory_space<vmem>> -> memref<128xi32, #tpu.memory_space<vmem>>
      %dma_start3A_137 = arith.constant 0 : i32
      %dma_start3A_138 = arith.constant 0 : i32
      %dma_start3A_139 = tpu.memref_slice %arg2[%dma_start3A_137, %dma_start3A_138] : memref<10128x128xf32, #tpu.memory_space<hbm>> -> memref<10128x128xf32, #tpu.memory_space<hbm>>
      tpu.enqueue_indirect_dma source(%dma_start3A_139 : memref<10128x128xf32, #tpu.memory_space<hbm>>) target(%arg8 : memref<128x128xf32, #tpu.memory_space<vmem>>) offsets(%dma_start3A_136 : memref<128xi32, #tpu.memory_space<vmem>>) semaphore(%arg11 : memref<!tpu.dma_semaphore, #tpu.memory_space<semaphore_mem>>)
      %add3A_140 = arith.constant 1 : i32
      %add3A_141 = arith.addi %mul3A_117, %add3A_140 : i32
      %dma_wait3A_142 = arith.constant 0 : i32
      %dma_wait3A_143 = tpu.memref_slice %arg6[%add3A_141, %dma_wait3A_142] : memref<40x128xi32, #tpu.memory_space<vmem>> -> memref<1x128xi32, #tpu.memory_space<vmem>>
      %dma_wait3A_144 = tpu.memref_squeeze %dma_wait3A_143 : memref<1x128xi32, #tpu.memory_space<vmem>> -> memref<128xi32, #tpu.memory_space<vmem>>
      %dma_wait3A_145 = arith.constant 0 : i32
      %dma_wait3A_146 = arith.constant 0 : i32
      %dma_wait3A_147 = tpu.memref_slice %arg2[%dma_wait3A_145, %dma_wait3A_146] : memref<10128x128xf32, #tpu.memory_space<hbm>> -> memref<10128x128xf32, #tpu.memory_space<hbm>>
      tpu.wait_indirect_dma semaphore(%arg12 : memref<!tpu.dma_semaphore, #tpu.memory_space<semaphore_mem>>) src(%dma_wait3A_147 : memref<10128x128xf32, #tpu.memory_space<hbm>>) dst(%arg9 : memref<128x128xf32, #tpu.memory_space<vmem>>)
      %add3A_148 = arith.constant 1 : i32
      %add3A_149 = arith.addi %mul3A_117, %add3A_148 : i32
      "tpu.region"() ({
        %run_scoped3A_150 = tpu.sem_alloc : memref<!tpu.dma_semaphore, #tpu.memory_space<semaphore_mem>>
        %dma_start3A_151 = arith.constant 0 : i32
        %dma_start3A_152 = tpu.memref_slice %arg7[%add3A_149, %dma_start3A_151] : memref<40x128xi32, #tpu.memory_space<vmem>> -> memref<1x128xi32, #tpu.memory_space<vmem>>
        %dma_start3A_153 = tpu.memref_squeeze %dma_start3A_152 : memref<1x128xi32, #tpu.memory_space<vmem>> -> memref<128xi32, #tpu.memory_space<vmem>>
        %dma_start3A_154 = arith.constant 0 : i32
        %dma_start3A_155 = arith.constant 0 : i32
        %dma_start3A_156 = tpu.memref_slice %arg10[%dma_start3A_154, %dma_start3A_155] : memref<10128x128xf32, #tpu.memory_space<vmem_shared>> -> memref<10128x128xf32, #tpu.memory_space<vmem_shared>>
        tpu.enqueue_indirect_dma source(%arg9 : memref<128x128xf32, #tpu.memory_space<vmem>>) target(%dma_start3A_156 : memref<10128x128xf32, #tpu.memory_space<vmem_shared>>) offsets(%dma_start3A_153 : memref<128xi32, #tpu.memory_space<vmem>>) semaphore(%run_scoped3A_150 : memref<!tpu.dma_semaphore, #tpu.memory_space<semaphore_mem>>) {add = true}
        %dma_wait3A_157 = arith.constant 0 : i32
        %dma_wait3A_158 = tpu.memref_slice %arg7[%add3A_149, %dma_wait3A_157] : memref<40x128xi32, #tpu.memory_space<vmem>> -> memref<1x128xi32, #tpu.memory_space<vmem>>
        %dma_wait3A_159 = tpu.memref_squeeze %dma_wait3A_158 : memref<1x128xi32, #tpu.memory_space<vmem>> -> memref<128xi32, #tpu.memory_space<vmem>>
        %dma_wait3A_160 = arith.constant 0 : i32
        %dma_wait3A_161 = arith.constant 0 : i32
        %dma_wait3A_162 = tpu.memref_slice %arg10[%dma_wait3A_160, %dma_wait3A_161] : memref<10128x128xf32, #tpu.memory_space<vmem_shared>> -> memref<10128x128xf32, #tpu.memory_space<vmem_shared>>
        tpu.wait_indirect_dma semaphore(%run_scoped3A_150 : memref<!tpu.dma_semaphore, #tpu.memory_space<semaphore_mem>>) src(%arg9 : memref<128x128xf32, #tpu.memory_space<vmem>>) dst(%dma_wait3A_162 : memref<10128x128xf32, #tpu.memory_space<vmem_shared>>)
        tpu.yield
      }) : () -> ()
    }
    %scan3A_43 = arith.constant 19 : i32
    %dma_start3A_44 = arith.constant 39 : i32
    %dma_start3A_45 = arith.constant 0 : i32
    %dma_start3A_46 = tpu.memref_slice %arg6[%dma_start3A_44, %dma_start3A_45] : memref<40x128xi32, #tpu.memory_space<vmem>> -> memref<1x128xi32, #tpu.memory_space<vmem>>
    %dma_start3A_47 = tpu.memref_squeeze %dma_start3A_46 : memref<1x128xi32, #tpu.memory_space<vmem>> -> memref<128xi32, #tpu.memory_space<vmem>>
    %dma_start3A_48 = arith.constant 0 : i32
    %dma_start3A_49 = arith.constant 0 : i32
    %dma_start3A_50 = tpu.memref_slice %arg2[%dma_start3A_48, %dma_start3A_49] : memref<10128x128xf32, #tpu.memory_space<hbm>> -> memref<10128x128xf32, #tpu.memory_space<hbm>>
    tpu.enqueue_indirect_dma source(%dma_start3A_50 : memref<10128x128xf32, #tpu.memory_space<hbm>>) target(%arg9 : memref<128x128xf32, #tpu.memory_space<vmem>>) offsets(%dma_start3A_47 : memref<128xi32, #tpu.memory_space<vmem>>) semaphore(%arg12 : memref<!tpu.dma_semaphore, #tpu.memory_space<semaphore_mem>>)
    %dma_wait3A = arith.constant 38 : i32
    %dma_wait3A_51 = arith.constant 0 : i32
    %dma_wait3A_52 = tpu.memref_slice %arg6[%dma_wait3A, %dma_wait3A_51] : memref<40x128xi32, #tpu.memory_space<vmem>> -> memref<1x128xi32, #tpu.memory_space<vmem>>
    %dma_wait3A_53 = tpu.memref_squeeze %dma_wait3A_52 : memref<1x128xi32, #tpu.memory_space<vmem>> -> memref<128xi32, #tpu.memory_space<vmem>>
    %dma_wait3A_54 = arith.constant 0 : i32
    %dma_wait3A_55 = arith.constant 0 : i32
    %dma_wait3A_56 = tpu.memref_slice %arg2[%dma_wait3A_54, %dma_wait3A_55] : memref<10128x128xf32, #tpu.memory_space<hbm>> -> memref<10128x128xf32, #tpu.memory_space<hbm>>
    tpu.wait_indirect_dma semaphore(%arg11 : memref<!tpu.dma_semaphore, #tpu.memory_space<semaphore_mem>>) src(%dma_wait3A_56 : memref<10128x128xf32, #tpu.memory_space<hbm>>) dst(%arg8 : memref<128x128xf32, #tpu.memory_space<vmem>>)
    %run_scoped3A = arith.constant 38 : i32
    "tpu.region"() ({
      %run_scoped3A_115 = tpu.sem_alloc : memref<!tpu.dma_semaphore, #tpu.memory_space<semaphore_mem>>
      %dma_start3A_116 = arith.constant 0 : i32
      %dma_start3A_117 = tpu.memref_slice %arg7[%run_scoped3A, %dma_start3A_116] : memref<40x128xi32, #tpu.memory_space<vmem>> -> memref<1x128xi32, #tpu.memory_space<vmem>>
      %dma_start3A_118 = tpu.memref_squeeze %dma_start3A_117 : memref<1x128xi32, #tpu.memory_space<vmem>> -> memref<128xi32, #tpu.memory_space<vmem>>
      %dma_start3A_119 = arith.constant 0 : i32
      %dma_start3A_120 = arith.constant 0 : i32
      %dma_start3A_121 = tpu.memref_slice %arg10[%dma_start3A_119, %dma_start3A_120] : memref<10128x128xf32, #tpu.memory_space<vmem_shared>> -> memref<10128x128xf32, #tpu.memory_space<vmem_shared>>
      tpu.enqueue_indirect_dma source(%arg8 : memref<128x128xf32, #tpu.memory_space<vmem>>) target(%dma_start3A_121 : memref<10128x128xf32, #tpu.memory_space<vmem_shared>>) offsets(%dma_start3A_118 : memref<128xi32, #tpu.memory_space<vmem>>) semaphore(%run_scoped3A_115 : memref<!tpu.dma_semaphore, #tpu.memory_space<semaphore_mem>>) {add = true}
      %dma_wait3A_122 = arith.constant 0 : i32
      %dma_wait3A_123 = tpu.memref_slice %arg7[%run_scoped3A, %dma_wait3A_122] : memref<40x128xi32, #tpu.memory_space<vmem>> -> memref<1x128xi32, #tpu.memory_space<vmem>>
      %dma_wait3A_124 = tpu.memref_squeeze %dma_wait3A_123 : memref<1x128xi32, #tpu.memory_space<vmem>> -> memref<128xi32, #tpu.memory_space<vmem>>
      %dma_wait3A_125 = arith.constant 0 : i32
      %dma_wait3A_126 = arith.constant 0 : i32
      %dma_wait3A_127 = tpu.memref_slice %arg10[%dma_wait3A_125, %dma_wait3A_126] : memref<10128x128xf32, #tpu.memory_space<vmem_shared>> -> memref<10128x128xf32, #tpu.memory_space<vmem_shared>>
      tpu.wait_indirect_dma semaphore(%run_scoped3A_115 : memref<!tpu.dma_semaphore, #tpu.memory_space<semaphore_mem>>) src(%arg8 : memref<128x128xf32, #tpu.memory_space<vmem>>) dst(%dma_wait3A_127 : memref<10128x128xf32, #tpu.memory_space<vmem_shared>>)
      tpu.yield
    }) : () -> ()
    %dma_wait3A_57 = arith.constant 39 : i32
    %dma_wait3A_58 = arith.constant 0 : i32
    %dma_wait3A_59 = tpu.memref_slice %arg6[%dma_wait3A_57, %dma_wait3A_58] : memref<40x128xi32, #tpu.memory_space<vmem>> -> memref<1x128xi32, #tpu.memory_space<vmem>>
    %dma_wait3A_60 = tpu.memref_squeeze %dma_wait3A_59 : memref<1x128xi32, #tpu.memory_space<vmem>> -> memref<128xi32, #tpu.memory_space<vmem>>
    %dma_wait3A_61 = arith.constant 0 : i32
    %dma_wait3A_62 = arith.constant 0 : i32
    %dma_wait3A_63 = tpu.memref_slice %arg2[%dma_wait3A_61, %dma_wait3A_62] : memref<10128x128xf32, #tpu.memory_space<hbm>> -> memref<10128x128xf32, #tpu.memory_space<hbm>>
    tpu.wait_indirect_dma semaphore(%arg12 : memref<!tpu.dma_semaphore, #tpu.memory_space<semaphore_mem>>) src(%dma_wait3A_63 : memref<10128x128xf32, #tpu.memory_space<hbm>>) dst(%arg9 : memref<128x128xf32, #tpu.memory_space<vmem>>)
    %run_scoped3A_64 = arith.constant 39 : i32
    "tpu.region"() ({
      %run_scoped3A_115 = tpu.sem_alloc : memref<!tpu.dma_semaphore, #tpu.memory_space<semaphore_mem>>
      %dma_start3A_116 = arith.constant 0 : i32
      %dma_start3A_117 = tpu.memref_slice %arg7[%run_scoped3A_64, %dma_start3A_116] : memref<40x128xi32, #tpu.memory_space<vmem>> -> memref<1x128xi32, #tpu.memory_space<vmem>>
      %dma_start3A_118 = tpu.memref_squeeze %dma_start3A_117 : memref<1x128xi32, #tpu.memory_space<vmem>> -> memref<128xi32, #tpu.memory_space<vmem>>
      %dma_start3A_119 = arith.constant 0 : i32
      %dma_start3A_120 = arith.constant 0 : i32
      %dma_start3A_121 = tpu.memref_slice %arg10[%dma_start3A_119, %dma_start3A_120] : memref<10128x128xf32, #tpu.memory_space<vmem_shared>> -> memref<10128x128xf32, #tpu.memory_space<vmem_shared>>
      tpu.enqueue_indirect_dma source(%arg9 : memref<128x128xf32, #tpu.memory_space<vmem>>) target(%dma_start3A_121 : memref<10128x128xf32, #tpu.memory_space<vmem_shared>>) offsets(%dma_start3A_118 : memref<128xi32, #tpu.memory_space<vmem>>) semaphore(%run_scoped3A_115 : memref<!tpu.dma_semaphore, #tpu.memory_space<semaphore_mem>>) {add = true}
      %dma_wait3A_122 = arith.constant 0 : i32
      %dma_wait3A_123 = tpu.memref_slice %arg7[%run_scoped3A_64, %dma_wait3A_122] : memref<40x128xi32, #tpu.memory_space<vmem>> -> memref<1x128xi32, #tpu.memory_space<vmem>>
      %dma_wait3A_124 = tpu.memref_squeeze %dma_wait3A_123 : memref<1x128xi32, #tpu.memory_space<vmem>> -> memref<128xi32, #tpu.memory_space<vmem>>
      %dma_wait3A_125 = arith.constant 0 : i32
      %dma_wait3A_126 = arith.constant 0 : i32
      %dma_wait3A_127 = tpu.memref_slice %arg10[%dma_wait3A_125, %dma_wait3A_126] : memref<10128x128xf32, #tpu.memory_space<vmem_shared>> -> memref<10128x128xf32, #tpu.memory_space<vmem_shared>>
      tpu.wait_indirect_dma semaphore(%run_scoped3A_115 : memref<!tpu.dma_semaphore, #tpu.memory_space<semaphore_mem>>) src(%arg9 : memref<128x128xf32, #tpu.memory_space<vmem>>) dst(%dma_wait3A_127 : memref<10128x128xf32, #tpu.memory_space<vmem_shared>>)
      tpu.yield
    }) : () -> ()
    "tpu.trace_stop"() : () -> ()
    "tpu.trace_start"() <{level = 10 : i32, message = "edge_phase_1"}> : () -> ()
    %mul3A_65 = arith.constant 80 : i32
    %mul3A_66 = arith.muli %add3A, %mul3A_65 : i32
    %add3A_67 = arith.constant 40 : i32
    %add3A_68 = arith.addi %mul3A_66, %add3A_67 : i32
    "tpu.region"() ({
      %run_scoped3A_115 = tpu.sem_alloc : memref<!tpu.dma_semaphore, #tpu.memory_space<semaphore_mem>>
      %dma_start3A_116 = arith.constant 0 : i32
      %dma_start3A_117 = arith.constant 0 : i32
      %dma_start3A_118 = tpu.memref_slice %arg6[%dma_start3A_116, %dma_start3A_117] : memref<40x128xi32, #tpu.memory_space<vmem>> -> memref<40x128xi32, #tpu.memory_space<vmem>>
      %dma_start3A_119 = arith.constant 0 : i32
      %dma_start3A_120 = tpu.memref_slice %arg3[%add3A_68, %dma_start3A_119] : memref<2560x128xi32, #tpu.memory_space<hbm>> -> memref<40x128xi32, #tpu.memory_space<hbm>>
      %dma_start3A_121 = arith.constant 0 : i32
      %dma_start3A_122 = arith.constant 0 : i32
      %dma_start3A_123 = tpu.memref_slice %arg6[%dma_start3A_121, %dma_start3A_122] : memref<40x128xi32, #tpu.memory_space<vmem>> -> memref<40x128xi32, #tpu.memory_space<vmem>>
      %dma_start3A_124 = arith.constant 0 : i32
      %dma_start3A_125 = tpu.memref_slice %arg3[%add3A_68, %dma_start3A_124] : memref<2560x128xi32, #tpu.memory_space<hbm>> -> memref<40x128xi32, #tpu.memory_space<hbm>>
      tpu.enqueue_dma source(%dma_start3A_125 : memref<40x128xi32, #tpu.memory_space<hbm>>) target(%dma_start3A_123 : memref<40x128xi32, #tpu.memory_space<vmem>>) target_semaphore(%run_scoped3A_115 : memref<!tpu.dma_semaphore, #tpu.memory_space<semaphore_mem>>)
      %dma_wait3A_126 = arith.constant 0 : i32
      %dma_wait3A_127 = arith.constant 0 : i32
      %dma_wait3A_128 = tpu.memref_slice %arg6[%dma_wait3A_126, %dma_wait3A_127] : memref<40x128xi32, #tpu.memory_space<vmem>> -> memref<40x128xi32, #tpu.memory_space<vmem>>
      %dma_wait3A_129 = arith.constant 0 : i32
      %dma_wait3A_130 = tpu.memref_slice %arg3[%add3A_68, %dma_wait3A_129] : memref<2560x128xi32, #tpu.memory_space<hbm>> -> memref<40x128xi32, #tpu.memory_space<hbm>>
      %dma_wait3A_131 = arith.constant 0 : i32
      %dma_wait3A_132 = arith.constant 0 : i32
      %dma_wait3A_133 = tpu.memref_slice %arg6[%dma_wait3A_131, %dma_wait3A_132] : memref<40x128xi32, #tpu.memory_space<vmem>> -> memref<40x128xi32, #tpu.memory_space<vmem>>
      %dma_wait3A_134 = arith.constant 0 : i32
      %dma_wait3A_135 = tpu.memref_slice %arg3[%add3A_68, %dma_wait3A_134] : memref<2560x128xi32, #tpu.memory_space<hbm>> -> memref<40x128xi32, #tpu.memory_space<hbm>>
      tpu.wait_dma2 semaphore(%run_scoped3A_115 : memref<!tpu.dma_semaphore, #tpu.memory_space<semaphore_mem>>) src(%dma_wait3A_135 : memref<40x128xi32, #tpu.memory_space<hbm>>) dst(%dma_wait3A_133 : memref<40x128xi32, #tpu.memory_space<vmem>>)
      tpu.yield
    }) : () -> ()
    "tpu.region"() ({
      %run_scoped3A_115 = tpu.sem_alloc : memref<!tpu.dma_semaphore, #tpu.memory_space<semaphore_mem>>
      %dma_start3A_116 = arith.constant 0 : i32
      %dma_start3A_117 = arith.constant 0 : i32
      %dma_start3A_118 = tpu.memref_slice %arg7[%dma_start3A_116, %dma_start3A_117] : memref<40x128xi32, #tpu.memory_space<vmem>> -> memref<40x128xi32, #tpu.memory_space<vmem>>
      %dma_start3A_119 = arith.constant 0 : i32
      %dma_start3A_120 = tpu.memref_slice %arg4[%add3A_68, %dma_start3A_119] : memref<2560x128xi32, #tpu.memory_space<hbm>> -> memref<40x128xi32, #tpu.memory_space<hbm>>
      %dma_start3A_121 = arith.constant 0 : i32
      %dma_start3A_122 = arith.constant 0 : i32
      %dma_start3A_123 = tpu.memref_slice %arg7[%dma_start3A_121, %dma_start3A_122] : memref<40x128xi32, #tpu.memory_space<vmem>> -> memref<40x128xi32, #tpu.memory_space<vmem>>
      %dma_start3A_124 = arith.constant 0 : i32
      %dma_start3A_125 = tpu.memref_slice %arg4[%add3A_68, %dma_start3A_124] : memref<2560x128xi32, #tpu.memory_space<hbm>> -> memref<40x128xi32, #tpu.memory_space<hbm>>
      tpu.enqueue_dma source(%dma_start3A_125 : memref<40x128xi32, #tpu.memory_space<hbm>>) target(%dma_start3A_123 : memref<40x128xi32, #tpu.memory_space<vmem>>) target_semaphore(%run_scoped3A_115 : memref<!tpu.dma_semaphore, #tpu.memory_space<semaphore_mem>>)
      %dma_wait3A_126 = arith.constant 0 : i32
      %dma_wait3A_127 = arith.constant 0 : i32
      %dma_wait3A_128 = tpu.memref_slice %arg7[%dma_wait3A_126, %dma_wait3A_127] : memref<40x128xi32, #tpu.memory_space<vmem>> -> memref<40x128xi32, #tpu.memory_space<vmem>>
      %dma_wait3A_129 = arith.constant 0 : i32
      %dma_wait3A_130 = tpu.memref_slice %arg4[%add3A_68, %dma_wait3A_129] : memref<2560x128xi32, #tpu.memory_space<hbm>> -> memref<40x128xi32, #tpu.memory_space<hbm>>
      %dma_wait3A_131 = arith.constant 0 : i32
      %dma_wait3A_132 = arith.constant 0 : i32
      %dma_wait3A_133 = tpu.memref_slice %arg7[%dma_wait3A_131, %dma_wait3A_132] : memref<40x128xi32, #tpu.memory_space<vmem>> -> memref<40x128xi32, #tpu.memory_space<vmem>>
      %dma_wait3A_134 = arith.constant 0 : i32
      %dma_wait3A_135 = tpu.memref_slice %arg4[%add3A_68, %dma_wait3A_134] : memref<2560x128xi32, #tpu.memory_space<hbm>> -> memref<40x128xi32, #tpu.memory_space<hbm>>
      tpu.wait_dma2 semaphore(%run_scoped3A_115 : memref<!tpu.dma_semaphore, #tpu.memory_space<semaphore_mem>>) src(%dma_wait3A_135 : memref<40x128xi32, #tpu.memory_space<hbm>>) dst(%dma_wait3A_133 : memref<40x128xi32, #tpu.memory_space<vmem>>)
      tpu.yield
    }) : () -> ()
    %dma_start3A_69 = arith.constant 0 : i32
    %dma_start3A_70 = arith.constant 0 : i32
    %dma_start3A_71 = tpu.memref_slice %arg6[%dma_start3A_69, %dma_start3A_70] : memref<40x128xi32, #tpu.memory_space<vmem>> -> memref<1x128xi32, #tpu.memory_space<vmem>>
    %dma_start3A_72 = tpu.memref_squeeze %dma_start3A_71 : memref<1x128xi32, #tpu.memory_space<vmem>> -> memref<128xi32, #tpu.memory_space<vmem>>
    %dma_start3A_73 = arith.constant 0 : i32
    %dma_start3A_74 = arith.constant 0 : i32
    %dma_start3A_75 = tpu.memref_slice %arg2[%dma_start3A_73, %dma_start3A_74] : memref<10128x128xf32, #tpu.memory_space<hbm>> -> memref<10128x128xf32, #tpu.memory_space<hbm>>
    tpu.enqueue_indirect_dma source(%dma_start3A_75 : memref<10128x128xf32, #tpu.memory_space<hbm>>) target(%arg8 : memref<128x128xf32, #tpu.memory_space<vmem>>) offsets(%dma_start3A_72 : memref<128xi32, #tpu.memory_space<vmem>>) semaphore(%arg11 : memref<!tpu.dma_semaphore, #tpu.memory_space<semaphore_mem>>)
    %scan3A_76 = arith.constant 0 : i32
    %scan3A_77 = arith.constant 0 : i32
    %scan3A_78 = arith.constant 19 : i32
    %scan3A_79 = arith.addi %scan3A_77, %scan3A_78 : i32
    %scan3A_80 = arith.constant 1 : i32
    scf.for %scan3A_115 = %scan3A_77 to %scan3A_79 step %scan3A_80  : i32 {
      %mul3A_116 = arith.constant 2 : i32
      %mul3A_117 = arith.muli %mul3A_116, %scan3A_115 : i32
      %add3A_118 = arith.constant 1 : i32
      %add3A_119 = arith.addi %mul3A_117, %add3A_118 : i32
      %dma_start3A_120 = arith.constant 0 : i32
      %dma_start3A_121 = tpu.memref_slice %arg6[%add3A_119, %dma_start3A_120] : memref<40x128xi32, #tpu.memory_space<vmem>> -> memref<1x128xi32, #tpu.memory_space<vmem>>
      %dma_start3A_122 = tpu.memref_squeeze %dma_start3A_121 : memref<1x128xi32, #tpu.memory_space<vmem>> -> memref<128xi32, #tpu.memory_space<vmem>>
      %dma_start3A_123 = arith.constant 0 : i32
      %dma_start3A_124 = arith.constant 0 : i32
      %dma_start3A_125 = tpu.memref_slice %arg2[%dma_start3A_123, %dma_start3A_124] : memref<10128x128xf32, #tpu.memory_space<hbm>> -> memref<10128x128xf32, #tpu.memory_space<hbm>>
      tpu.enqueue_indirect_dma source(%dma_start3A_125 : memref<10128x128xf32, #tpu.memory_space<hbm>>) target(%arg9 : memref<128x128xf32, #tpu.memory_space<vmem>>) offsets(%dma_start3A_122 : memref<128xi32, #tpu.memory_space<vmem>>) semaphore(%arg12 : memref<!tpu.dma_semaphore, #tpu.memory_space<semaphore_mem>>)
      %dma_wait3A_126 = arith.constant 0 : i32
      %dma_wait3A_127 = tpu.memref_slice %arg6[%mul3A_117, %dma_wait3A_126] : memref<40x128xi32, #tpu.memory_space<vmem>> -> memref<1x128xi32, #tpu.memory_space<vmem>>
      %dma_wait3A_128 = tpu.memref_squeeze %dma_wait3A_127 : memref<1x128xi32, #tpu.memory_space<vmem>> -> memref<128xi32, #tpu.memory_space<vmem>>
      %dma_wait3A_129 = arith.constant 0 : i32
      %dma_wait3A_130 = arith.constant 0 : i32
      %dma_wait3A_131 = tpu.memref_slice %arg2[%dma_wait3A_129, %dma_wait3A_130] : memref<10128x128xf32, #tpu.memory_space<hbm>> -> memref<10128x128xf32, #tpu.memory_space<hbm>>
      tpu.wait_indirect_dma semaphore(%arg11 : memref<!tpu.dma_semaphore, #tpu.memory_space<semaphore_mem>>) src(%dma_wait3A_131 : memref<10128x128xf32, #tpu.memory_space<hbm>>) dst(%arg8 : memref<128x128xf32, #tpu.memory_space<vmem>>)
      "tpu.region"() ({
        %run_scoped3A_150 = tpu.sem_alloc : memref<!tpu.dma_semaphore, #tpu.memory_space<semaphore_mem>>
        %dma_start3A_151 = arith.constant 0 : i32
        %dma_start3A_152 = tpu.memref_slice %arg7[%mul3A_117, %dma_start3A_151] : memref<40x128xi32, #tpu.memory_space<vmem>> -> memref<1x128xi32, #tpu.memory_space<vmem>>
        %dma_start3A_153 = tpu.memref_squeeze %dma_start3A_152 : memref<1x128xi32, #tpu.memory_space<vmem>> -> memref<128xi32, #tpu.memory_space<vmem>>
        %dma_start3A_154 = arith.constant 0 : i32
        %dma_start3A_155 = arith.constant 0 : i32
        %dma_start3A_156 = tpu.memref_slice %arg10[%dma_start3A_154, %dma_start3A_155] : memref<10128x128xf32, #tpu.memory_space<vmem_shared>> -> memref<10128x128xf32, #tpu.memory_space<vmem_shared>>
        tpu.enqueue_indirect_dma source(%arg8 : memref<128x128xf32, #tpu.memory_space<vmem>>) target(%dma_start3A_156 : memref<10128x128xf32, #tpu.memory_space<vmem_shared>>) offsets(%dma_start3A_153 : memref<128xi32, #tpu.memory_space<vmem>>) semaphore(%run_scoped3A_150 : memref<!tpu.dma_semaphore, #tpu.memory_space<semaphore_mem>>) {add = true}
        %dma_wait3A_157 = arith.constant 0 : i32
        %dma_wait3A_158 = tpu.memref_slice %arg7[%mul3A_117, %dma_wait3A_157] : memref<40x128xi32, #tpu.memory_space<vmem>> -> memref<1x128xi32, #tpu.memory_space<vmem>>
        %dma_wait3A_159 = tpu.memref_squeeze %dma_wait3A_158 : memref<1x128xi32, #tpu.memory_space<vmem>> -> memref<128xi32, #tpu.memory_space<vmem>>
        %dma_wait3A_160 = arith.constant 0 : i32
        %dma_wait3A_161 = arith.constant 0 : i32
        %dma_wait3A_162 = tpu.memref_slice %arg10[%dma_wait3A_160, %dma_wait3A_161] : memref<10128x128xf32, #tpu.memory_space<vmem_shared>> -> memref<10128x128xf32, #tpu.memory_space<vmem_shared>>
        tpu.wait_indirect_dma semaphore(%run_scoped3A_150 : memref<!tpu.dma_semaphore, #tpu.memory_space<semaphore_mem>>) src(%arg8 : memref<128x128xf32, #tpu.memory_space<vmem>>) dst(%dma_wait3A_162 : memref<10128x128xf32, #tpu.memory_space<vmem_shared>>)
        tpu.yield
      }) : () -> ()
      %add3A_132 = arith.constant 2 : i32
      %add3A_133 = arith.addi %mul3A_117, %add3A_132 : i32
      %dma_start3A_134 = arith.constant 0 : i32
      %dma_start3A_135 = tpu.memref_slice %arg6[%add3A_133, %dma_start3A_134] : memref<40x128xi32, #tpu.memory_space<vmem>> -> memref<1x128xi32, #tpu.memory_space<vmem>>
      %dma_start3A_136 = tpu.memref_squeeze %dma_start3A_135 : memref<1x128xi32, #tpu.memory_space<vmem>> -> memref<128xi32, #tpu.memory_space<vmem>>
      %dma_start3A_137 = arith.constant 0 : i32
      %dma_start3A_138 = arith.constant 0 : i32
      %dma_start3A_139 = tpu.memref_slice %arg2[%dma_start3A_137, %dma_start3A_138] : memref<10128x128xf32, #tpu.memory_space<hbm>> -> memref<10128x128xf32, #tpu.memory_space<hbm>>
      tpu.enqueue_indirect_dma source(%dma_start3A_139 : memref<10128x128xf32, #tpu.memory_space<hbm>>) target(%arg8 : memref<128x128xf32, #tpu.memory_space<vmem>>) offsets(%dma_start3A_136 : memref<128xi32, #tpu.memory_space<vmem>>) semaphore(%arg11 : memref<!tpu.dma_semaphore, #tpu.memory_space<semaphore_mem>>)
      %add3A_140 = arith.constant 1 : i32
      %add3A_141 = arith.addi %mul3A_117, %add3A_140 : i32
      %dma_wait3A_142 = arith.constant 0 : i32
      %dma_wait3A_143 = tpu.memref_slice %arg6[%add3A_141, %dma_wait3A_142] : memref<40x128xi32, #tpu.memory_space<vmem>> -> memref<1x128xi32, #tpu.memory_space<vmem>>
      %dma_wait3A_144 = tpu.memref_squeeze %dma_wait3A_143 : memref<1x128xi32, #tpu.memory_space<vmem>> -> memref<128xi32, #tpu.memory_space<vmem>>
      %dma_wait3A_145 = arith.constant 0 : i32
      %dma_wait3A_146 = arith.constant 0 : i32
      %dma_wait3A_147 = tpu.memref_slice %arg2[%dma_wait3A_145, %dma_wait3A_146] : memref<10128x128xf32, #tpu.memory_space<hbm>> -> memref<10128x128xf32, #tpu.memory_space<hbm>>
      tpu.wait_indirect_dma semaphore(%arg12 : memref<!tpu.dma_semaphore, #tpu.memory_space<semaphore_mem>>) src(%dma_wait3A_147 : memref<10128x128xf32, #tpu.memory_space<hbm>>) dst(%arg9 : memref<128x128xf32, #tpu.memory_space<vmem>>)
      %add3A_148 = arith.constant 1 : i32
      %add3A_149 = arith.addi %mul3A_117, %add3A_148 : i32
      "tpu.region"() ({
        %run_scoped3A_150 = tpu.sem_alloc : memref<!tpu.dma_semaphore, #tpu.memory_space<semaphore_mem>>
        %dma_start3A_151 = arith.constant 0 : i32
        %dma_start3A_152 = tpu.memref_slice %arg7[%add3A_149, %dma_start3A_151] : memref<40x128xi32, #tpu.memory_space<vmem>> -> memref<1x128xi32, #tpu.memory_space<vmem>>
        %dma_start3A_153 = tpu.memref_squeeze %dma_start3A_152 : memref<1x128xi32, #tpu.memory_space<vmem>> -> memref<128xi32, #tpu.memory_space<vmem>>
        %dma_start3A_154 = arith.constant 0 : i32
        %dma_start3A_155 = arith.constant 0 : i32
        %dma_start3A_156 = tpu.memref_slice %arg10[%dma_start3A_154, %dma_start3A_155] : memref<10128x128xf32, #tpu.memory_space<vmem_shared>> -> memref<10128x128xf32, #tpu.memory_space<vmem_shared>>
        tpu.enqueue_indirect_dma source(%arg9 : memref<128x128xf32, #tpu.memory_space<vmem>>) target(%dma_start3A_156 : memref<10128x128xf32, #tpu.memory_space<vmem_shared>>) offsets(%dma_start3A_153 : memref<128xi32, #tpu.memory_space<vmem>>) semaphore(%run_scoped3A_150 : memref<!tpu.dma_semaphore, #tpu.memory_space<semaphore_mem>>) {add = true}
        %dma_wait3A_157 = arith.constant 0 : i32
        %dma_wait3A_158 = tpu.memref_slice %arg7[%add3A_149, %dma_wait3A_157] : memref<40x128xi32, #tpu.memory_space<vmem>> -> memref<1x128xi32, #tpu.memory_space<vmem>>
        %dma_wait3A_159 = tpu.memref_squeeze %dma_wait3A_158 : memref<1x128xi32, #tpu.memory_space<vmem>> -> memref<128xi32, #tpu.memory_space<vmem>>
        %dma_wait3A_160 = arith.constant 0 : i32
        %dma_wait3A_161 = arith.constant 0 : i32
        %dma_wait3A_162 = tpu.memref_slice %arg10[%dma_wait3A_160, %dma_wait3A_161] : memref<10128x128xf32, #tpu.memory_space<vmem_shared>> -> memref<10128x128xf32, #tpu.memory_space<vmem_shared>>
        tpu.wait_indirect_dma semaphore(%run_scoped3A_150 : memref<!tpu.dma_semaphore, #tpu.memory_space<semaphore_mem>>) src(%arg9 : memref<128x128xf32, #tpu.memory_space<vmem>>) dst(%dma_wait3A_162 : memref<10128x128xf32, #tpu.memory_space<vmem_shared>>)
        tpu.yield
      }) : () -> ()
    }
    %scan3A_81 = arith.constant 19 : i32
    %dma_start3A_82 = arith.constant 39 : i32
    %dma_start3A_83 = arith.constant 0 : i32
    %dma_start3A_84 = tpu.memref_slice %arg6[%dma_start3A_82, %dma_start3A_83] : memref<40x128xi32, #tpu.memory_space<vmem>> -> memref<1x128xi32, #tpu.memory_space<vmem>>
    %dma_start3A_85 = tpu.memref_squeeze %dma_start3A_84 : memref<1x128xi32, #tpu.memory_space<vmem>> -> memref<128xi32, #tpu.memory_space<vmem>>
    %dma_start3A_86 = arith.constant 0 : i32
    %dma_start3A_87 = arith.constant 0 : i32
    %dma_start3A_88 = tpu.memref_slice %arg2[%dma_start3A_86, %dma_start3A_87] : memref<10128x128xf32, #tpu.memory_space<hbm>> -> memref<10128x128xf32, #tpu.memory_space<hbm>>
    tpu.enqueue_indirect_dma source(%dma_start3A_88 : memref<10128x128xf32, #tpu.memory_space<hbm>>) target(%arg9 : memref<128x128xf32, #tpu.memory_space<vmem>>) offsets(%dma_start3A_85 : memref<128xi32, #tpu.memory_space<vmem>>) semaphore(%arg12 : memref<!tpu.dma_semaphore, #tpu.memory_space<semaphore_mem>>)
    %dma_wait3A_89 = arith.constant 38 : i32
    %dma_wait3A_90 = arith.constant 0 : i32
    %dma_wait3A_91 = tpu.memref_slice %arg6[%dma_wait3A_89, %dma_wait3A_90] : memref<40x128xi32, #tpu.memory_space<vmem>> -> memref<1x128xi32, #tpu.memory_space<vmem>>
    %dma_wait3A_92 = tpu.memref_squeeze %dma_wait3A_91 : memref<1x128xi32, #tpu.memory_space<vmem>> -> memref<128xi32, #tpu.memory_space<vmem>>
    %dma_wait3A_93 = arith.constant 0 : i32
    %dma_wait3A_94 = arith.constant 0 : i32
    %dma_wait3A_95 = tpu.memref_slice %arg2[%dma_wait3A_93, %dma_wait3A_94] : memref<10128x128xf32, #tpu.memory_space<hbm>> -> memref<10128x128xf32, #tpu.memory_space<hbm>>
    tpu.wait_indirect_dma semaphore(%arg11 : memref<!tpu.dma_semaphore, #tpu.memory_space<semaphore_mem>>) src(%dma_wait3A_95 : memref<10128x128xf32, #tpu.memory_space<hbm>>) dst(%arg8 : memref<128x128xf32, #tpu.memory_space<vmem>>)
    %run_scoped3A_96 = arith.constant 38 : i32
    "tpu.region"() ({
      %run_scoped3A_115 = tpu.sem_alloc : memref<!tpu.dma_semaphore, #tpu.memory_space<semaphore_mem>>
      %dma_start3A_116 = arith.constant 0 : i32
      %dma_start3A_117 = tpu.memref_slice %arg7[%run_scoped3A_96, %dma_start3A_116] : memref<40x128xi32, #tpu.memory_space<vmem>> -> memref<1x128xi32, #tpu.memory_space<vmem>>
      %dma_start3A_118 = tpu.memref_squeeze %dma_start3A_117 : memref<1x128xi32, #tpu.memory_space<vmem>> -> memref<128xi32, #tpu.memory_space<vmem>>
      %dma_start3A_119 = arith.constant 0 : i32
      %dma_start3A_120 = arith.constant 0 : i32
      %dma_start3A_121 = tpu.memref_slice %arg10[%dma_start3A_119, %dma_start3A_120] : memref<10128x128xf32, #tpu.memory_space<vmem_shared>> -> memref<10128x128xf32, #tpu.memory_space<vmem_shared>>
      tpu.enqueue_indirect_dma source(%arg8 : memref<128x128xf32, #tpu.memory_space<vmem>>) target(%dma_start3A_121 : memref<10128x128xf32, #tpu.memory_space<vmem_shared>>) offsets(%dma_start3A_118 : memref<128xi32, #tpu.memory_space<vmem>>) semaphore(%run_scoped3A_115 : memref<!tpu.dma_semaphore, #tpu.memory_space<semaphore_mem>>) {add = true}
      %dma_wait3A_122 = arith.constant 0 : i32
      %dma_wait3A_123 = tpu.memref_slice %arg7[%run_scoped3A_96, %dma_wait3A_122] : memref<40x128xi32, #tpu.memory_space<vmem>> -> memref<1x128xi32, #tpu.memory_space<vmem>>
      %dma_wait3A_124 = tpu.memref_squeeze %dma_wait3A_123 : memref<1x128xi32, #tpu.memory_space<vmem>> -> memref<128xi32, #tpu.memory_space<vmem>>
      %dma_wait3A_125 = arith.constant 0 : i32
      %dma_wait3A_126 = arith.constant 0 : i32
      %dma_wait3A_127 = tpu.memref_slice %arg10[%dma_wait3A_125, %dma_wait3A_126] : memref<10128x128xf32, #tpu.memory_space<vmem_shared>> -> memref<10128x128xf32, #tpu.memory_space<vmem_shared>>
      tpu.wait_indirect_dma semaphore(%run_scoped3A_115 : memref<!tpu.dma_semaphore, #tpu.memory_space<semaphore_mem>>) src(%arg8 : memref<128x128xf32, #tpu.memory_space<vmem>>) dst(%dma_wait3A_127 : memref<10128x128xf32, #tpu.memory_space<vmem_shared>>)
      tpu.yield
    }) : () -> ()
    %dma_wait3A_97 = arith.constant 39 : i32
    %dma_wait3A_98 = arith.constant 0 : i32
    %dma_wait3A_99 = tpu.memref_slice %arg6[%dma_wait3A_97, %dma_wait3A_98] : memref<40x128xi32, #tpu.memory_space<vmem>> -> memref<1x128xi32, #tpu.memory_space<vmem>>
    %dma_wait3A_100 = tpu.memref_squeeze %dma_wait3A_99 : memref<1x128xi32, #tpu.memory_space<vmem>> -> memref<128xi32, #tpu.memory_space<vmem>>
    %dma_wait3A_101 = arith.constant 0 : i32
    %dma_wait3A_102 = arith.constant 0 : i32
    %dma_wait3A_103 = tpu.memref_slice %arg2[%dma_wait3A_101, %dma_wait3A_102] : memref<10128x128xf32, #tpu.memory_space<hbm>> -> memref<10128x128xf32, #tpu.memory_space<hbm>>
    tpu.wait_indirect_dma semaphore(%arg12 : memref<!tpu.dma_semaphore, #tpu.memory_space<semaphore_mem>>) src(%dma_wait3A_103 : memref<10128x128xf32, #tpu.memory_space<hbm>>) dst(%arg9 : memref<128x128xf32, #tpu.memory_space<vmem>>)
    %run_scoped3A_104 = arith.constant 39 : i32
    "tpu.region"() ({
      %run_scoped3A_115 = tpu.sem_alloc : memref<!tpu.dma_semaphore, #tpu.memory_space<semaphore_mem>>
      %dma_start3A_116 = arith.constant 0 : i32
      %dma_start3A_117 = tpu.memref_slice %arg7[%run_scoped3A_104, %dma_start3A_116] : memref<40x128xi32, #tpu.memory_space<vmem>> -> memref<1x128xi32, #tpu.memory_space<vmem>>
      %dma_start3A_118 = tpu.memref_squeeze %dma_start3A_117 : memref<1x128xi32, #tpu.memory_space<vmem>> -> memref<128xi32, #tpu.memory_space<vmem>>
      %dma_start3A_119 = arith.constant 0 : i32
      %dma_start3A_120 = arith.constant 0 : i32
      %dma_start3A_121 = tpu.memref_slice %arg10[%dma_start3A_119, %dma_start3A_120] : memref<10128x128xf32, #tpu.memory_space<vmem_shared>> -> memref<10128x128xf32, #tpu.memory_space<vmem_shared>>
      tpu.enqueue_indirect_dma source(%arg9 : memref<128x128xf32, #tpu.memory_space<vmem>>) target(%dma_start3A_121 : memref<10128x128xf32, #tpu.memory_space<vmem_shared>>) offsets(%dma_start3A_118 : memref<128xi32, #tpu.memory_space<vmem>>) semaphore(%run_scoped3A_115 : memref<!tpu.dma_semaphore, #tpu.memory_space<semaphore_mem>>) {add = true}
      %dma_wait3A_122 = arith.constant 0 : i32
      %dma_wait3A_123 = tpu.memref_slice %arg7[%run_scoped3A_104, %dma_wait3A_122] : memref<40x128xi32, #tpu.memory_space<vmem>> -> memref<1x128xi32, #tpu.memory_space<vmem>>
      %dma_wait3A_124 = tpu.memref_squeeze %dma_wait3A_123 : memref<1x128xi32, #tpu.memory_space<vmem>> -> memref<128xi32, #tpu.memory_space<vmem>>
      %dma_wait3A_125 = arith.constant 0 : i32
      %dma_wait3A_126 = arith.constant 0 : i32
      %dma_wait3A_127 = tpu.memref_slice %arg10[%dma_wait3A_125, %dma_wait3A_126] : memref<10128x128xf32, #tpu.memory_space<vmem_shared>> -> memref<10128x128xf32, #tpu.memory_space<vmem_shared>>
      tpu.wait_indirect_dma semaphore(%run_scoped3A_115 : memref<!tpu.dma_semaphore, #tpu.memory_space<semaphore_mem>>) src(%arg9 : memref<128x128xf32, #tpu.memory_space<vmem>>) dst(%dma_wait3A_127 : memref<10128x128xf32, #tpu.memory_space<vmem_shared>>)
      tpu.yield
    }) : () -> ()
    "tpu.trace_stop"() : () -> ()
    %barrier3A_105 = arith.constant 0 : index
    tpu.barrier barrier_id(%barrier3A_105)
    "tpu.trace_start"() <{level = 10 : i32, message = "agg_writeback"}> : () -> ()
    %mul3A_106 = arith.constant 624 : i32
    %mul3A_107 = arith.muli %arg1, %mul3A_106 : i32
    %mul3A_108 = arith.constant 624 : i32
    %mul3A_109 = arith.muli %arg1, %mul3A_108 : i32
    "tpu.region"() ({
      %run_scoped3A_115 = tpu.sem_alloc : memref<!tpu.dma_semaphore, #tpu.memory_space<semaphore_mem>>
      %dma_start3A_116 = arith.constant 0 : i32
      %dma_start3A_117 = tpu.memref_slice %arg5[%arg0, %mul3A_109, %dma_start3A_116] : memref<2x10000x128xf32, #tpu.memory_space<hbm>> -> memref<1x624x128xf32, #tpu.memory_space<hbm>>
      %dma_start3A_118 = tpu.memref_squeeze %dma_start3A_117 : memref<1x624x128xf32, #tpu.memory_space<hbm>> -> memref<624x128xf32, #tpu.memory_space<hbm>>
      %dma_start3A_119 = arith.constant 0 : i32
      %dma_start3A_120 = tpu.memref_slice %arg10[%mul3A_107, %dma_start3A_119] : memref<10128x128xf32, #tpu.memory_space<vmem_shared>> -> memref<624x128xf32, #tpu.memory_space<vmem_shared>>
      tpu.enqueue_dma source(%dma_start3A_120 : memref<624x128xf32, #tpu.memory_space<vmem_shared>>) target(%dma_start3A_118 : memref<624x128xf32, #tpu.memory_space<hbm>>) target_semaphore(%run_scoped3A_115 : memref<!tpu.dma_semaphore, #tpu.memory_space<semaphore_mem>>)
      %dma_wait3A_121 = arith.constant 0 : i32
      %dma_wait3A_122 = tpu.memref_slice %arg5[%arg0, %mul3A_109, %dma_wait3A_121] : memref<2x10000x128xf32, #tpu.memory_space<hbm>> -> memref<1x624x128xf32, #tpu.memory_space<hbm>>
      %dma_wait3A_123 = tpu.memref_squeeze %dma_wait3A_122 : memref<1x624x128xf32, #tpu.memory_space<hbm>> -> memref<624x128xf32, #tpu.memory_space<hbm>>
      %dma_wait3A_124 = arith.constant 0 : i32
      %dma_wait3A_125 = tpu.memref_slice %arg10[%mul3A_107, %dma_wait3A_124] : memref<10128x128xf32, #tpu.memory_space<vmem_shared>> -> memref<624x128xf32, #tpu.memory_space<vmem_shared>>
      tpu.wait_dma2 semaphore(%run_scoped3A_115 : memref<!tpu.dma_semaphore, #tpu.memory_space<semaphore_mem>>) src(%dma_wait3A_125 : memref<624x128xf32, #tpu.memory_space<vmem_shared>>) dst(%dma_wait3A_123 : memref<624x128xf32, #tpu.memory_space<hbm>>)
      tpu.yield
    }) : () -> ()
    %eq3A_110 = arith.constant 0 : i32
    %eq3A_111 = arith.cmpi eq, %arg1, %eq3A_110 : i32
    %convert_element_type3A_112 = arith.extui %eq3A_111 : i1 to i32
    %cond3A_113 = arith.constant 0 : i32
    %cond3A_114 = arith.cmpi ne, %convert_element_type3A_112, %cond3A_113 : i32
    scf.if %cond3A_114 {
      "tpu.region"() ({
        %run_scoped3A_115 = tpu.sem_alloc : memref<!tpu.dma_semaphore, #tpu.memory_space<semaphore_mem>>
        %dma_start3A_116 = arith.constant 9984 : i32
        %dma_start3A_117 = arith.constant 0 : i32
        %dma_start3A_118 = tpu.memref_slice %arg5[%arg0, %dma_start3A_116, %dma_start3A_117] : memref<2x10000x128xf32, #tpu.memory_space<hbm>> -> memref<1x16x128xf32, #tpu.memory_space<hbm>>
        %dma_start3A_119 = tpu.memref_squeeze %dma_start3A_118 : memref<1x16x128xf32, #tpu.memory_space<hbm>> -> memref<16x128xf32, #tpu.memory_space<hbm>>
        %dma_start3A_120 = arith.constant 9984 : i32
        %dma_start3A_121 = arith.constant 0 : i32
        %dma_start3A_122 = tpu.memref_slice %arg10[%dma_start3A_120, %dma_start3A_121] : memref<10128x128xf32, #tpu.memory_space<vmem_shared>> -> memref<16x128xf32, #tpu.memory_space<vmem_shared>>
        tpu.enqueue_dma source(%dma_start3A_122 : memref<16x128xf32, #tpu.memory_space<vmem_shared>>) target(%dma_start3A_119 : memref<16x128xf32, #tpu.memory_space<hbm>>) target_semaphore(%run_scoped3A_115 : memref<!tpu.dma_semaphore, #tpu.memory_space<semaphore_mem>>)
        %dma_wait3A_123 = arith.constant 9984 : i32
        %dma_wait3A_124 = arith.constant 0 : i32
        %dma_wait3A_125 = tpu.memref_slice %arg5[%arg0, %dma_wait3A_123, %dma_wait3A_124] : memref<2x10000x128xf32, #tpu.memory_space<hbm>> -> memref<1x16x128xf32, #tpu.memory_space<hbm>>
        %dma_wait3A_126 = tpu.memref_squeeze %dma_wait3A_125 : memref<1x16x128xf32, #tpu.memory_space<hbm>> -> memref<16x128xf32, #tpu.memory_space<hbm>>
        %dma_wait3A_127 = arith.constant 9984 : i32
        %dma_wait3A_128 = arith.constant 0 : i32
        %dma_wait3A_129 = tpu.memref_slice %arg10[%dma_wait3A_127, %dma_wait3A_128] : memref<10128x128xf32, #tpu.memory_space<vmem_shared>> -> memref<16x128xf32, #tpu.memory_space<vmem_shared>>
        tpu.wait_dma2 semaphore(%run_scoped3A_115 : memref<!tpu.dma_semaphore, #tpu.memory_space<semaphore_mem>>) src(%dma_wait3A_129 : memref<16x128xf32, #tpu.memory_space<vmem_shared>>) dst(%dma_wait3A_126 : memref<16x128xf32, #tpu.memory_space<hbm>>)
        tpu.yield
      }) : () -> ()
    } else {
    }
    "tpu.trace_stop"() : () -> ()
    return
  }
}

module attributes {stable_mosaic.version = 14 : i64} {
  func.func @_tc1_body(%arg0: memref<2x1x10128xf32, #tpu.memory_space<vmem>>, %arg1: memref<2x1x10128xf32, #tpu.memory_space<vmem>>, %arg2: memref<10000x128xf32, #tpu.memory_space<vmem>>, %arg3: memref<10128x128xf32, #tpu.memory_space<vmem>>) attributes {dimension_semantics = [], scalar_prefetch = 0 : i64, scratch_operands = 0 : i64, tpu.core_type = #tpu.core_type<tc>} {
    %get3A = arith.constant 0 : index
    %get3A_0 = arith.constant 0 : index
    %get3A_1 = arith.constant 0 : index
    %get3A_2 = vector.load %arg0[%get3A, %get3A_0, %get3A_1] : memref<2x1x10128xf32, #tpu.memory_space<vmem>>, vector<1x1x10000xf32>
    %get3A_3 = vector.shape_cast %get3A_2 : vector<1x1x10000xf32> to vector<10000xf32>
    %get3A_4 = arith.constant 1 : index
    %get3A_5 = arith.constant 0 : index
    %get3A_6 = arith.constant 0 : index
    %get3A_7 = vector.load %arg0[%get3A_4, %get3A_5, %get3A_6] : memref<2x1x10128xf32, #tpu.memory_space<vmem>>, vector<1x1x10000xf32>
    %get3A_8 = vector.shape_cast %get3A_7 : vector<1x1x10000xf32> to vector<10000xf32>
    %add3A = arith.addf %get3A_3, %get3A_8 : vector<10000xf32>
    %max3A = arith.constant 1.000000e+00 : f32
    %max3A_9 = vector.broadcast %max3A : f32 to vector<10000xf32>
    %max3A_10 = arith.maximumf %add3A, %max3A_9 : vector<10000xf32>
    %rsqrt3A = math.rsqrt %max3A_10 : vector<10000xf32>
    %mul3A = arith.constant 5.000000e-01 : f32
    %mul3A_11 = vector.broadcast %mul3A : f32 to vector<10000xf32>
    %mul3A_12 = arith.mulf %mul3A_11, %max3A_10 : vector<10000xf32>
    %mul3A_13 = arith.mulf %mul3A_12, %rsqrt3A : vector<10000xf32>
    %mul3A_14 = arith.mulf %mul3A_13, %rsqrt3A : vector<10000xf32>
    %sub3A = arith.constant 1.500000e+00 : f32
    %sub3A_15 = vector.broadcast %sub3A : f32 to vector<10000xf32>
    %sub3A_16 = arith.subf %sub3A_15, %mul3A_14 : vector<10000xf32>
    %mul3A_17 = arith.mulf %rsqrt3A, %sub3A_16 : vector<10000xf32>
    %get3A_18 = arith.constant 0 : index
    %get3A_19 = arith.constant 0 : index
    %get3A_20 = vector.load %arg2[%get3A_18, %get3A_19] : memref<10000x128xf32, #tpu.memory_space<vmem>>, vector<10000x128xf32>
    %broadcast_in_dim3A = vector.shape_cast %mul3A_17 : vector<10000xf32> to vector<10000x1xf32>
    %mul3A_21 = vector.broadcast %broadcast_in_dim3A : vector<10000x1xf32> to vector<10000x128xf32>
    %mul3A_22 = arith.mulf %get3A_20, %mul3A_21 : vector<10000x128xf32>
    %swap3A = arith.constant 0 : index
    %swap3A_23 = arith.constant 0 : index
    %swap3A_24 = vector.load %arg3[%swap3A, %swap3A_23] : memref<10128x128xf32, #tpu.memory_space<vmem>>, vector<10000x128xf32>
    tpu.vector_store %arg3[%swap3A, %swap3A_23], %mul3A_22 {strides = array<i32>} : memref<10128x128xf32, #tpu.memory_space<vmem>>, vector<10000x128xf32>,
    %broadcast_in_dim3A_25 = arith.constant 0.000000e+00 : f32
    %broadcast_in_dim3A_26 = vector.broadcast %broadcast_in_dim3A_25 : f32 to vector<128x128xf32>
    %swap3A_27 = arith.constant 10000 : index
    %swap3A_28 = arith.constant 0 : index
    %swap3A_29 = vector.load %arg3[%swap3A_27, %swap3A_28] : memref<10128x128xf32, #tpu.memory_space<vmem>>, vector<128x128xf32>
    tpu.vector_store %arg3[%swap3A_27, %swap3A_28], %broadcast_in_dim3A_26 {strides = array<i32>} : memref<10128x128xf32, #tpu.memory_space<vmem>>, vector<128x128xf32>,
    return
  }
}

module attributes {stable_mosaic.version = 14 : i64} {
  func.func @_tc2_body(%arg0: memref<2x1x10128xf32, #tpu.memory_space<vmem>>, %arg1: memref<2x1x10128xf32, #tpu.memory_space<vmem>>, %arg2: memref<2x10000x128xf32, #tpu.memory_space<vmem>>, %arg3: memref<128x128xf32, #tpu.memory_space<vmem>>, %arg4: memref<128xf32, #tpu.memory_space<vmem>>, %arg5: memref<128xf32, #tpu.memory_space<vmem>>, %arg6: memref<10128x128xf32, #tpu.memory_space<vmem>>) attributes {dimension_semantics = [], scalar_prefetch = 0 : i64, scratch_operands = 0 : i64, tpu.core_type = #tpu.core_type<tc>} {
    %get3A = arith.constant 0 : index
    %get3A_0 = arith.constant 0 : index
    %get3A_1 = arith.constant 0 : index
    %get3A_2 = vector.load %arg0[%get3A, %get3A_0, %get3A_1] : memref<2x1x10128xf32, #tpu.memory_space<vmem>>, vector<1x1x10000xf32>
    %get3A_3 = vector.shape_cast %get3A_2 : vector<1x1x10000xf32> to vector<10000xf32>
    %get3A_4 = arith.constant 1 : index
    %get3A_5 = arith.constant 0 : index
    %get3A_6 = arith.constant 0 : index
    %get3A_7 = vector.load %arg0[%get3A_4, %get3A_5, %get3A_6] : memref<2x1x10128xf32, #tpu.memory_space<vmem>>, vector<1x1x10000xf32>
    %get3A_8 = vector.shape_cast %get3A_7 : vector<1x1x10000xf32> to vector<10000xf32>
    %add3A = arith.addf %get3A_3, %get3A_8 : vector<10000xf32>
    %get3A_9 = arith.constant 0 : index
    %get3A_10 = arith.constant 0 : index
    %get3A_11 = arith.constant 0 : index
    %get3A_12 = vector.load %arg1[%get3A_9, %get3A_10, %get3A_11] : memref<2x1x10128xf32, #tpu.memory_space<vmem>>, vector<1x1x10000xf32>
    %get3A_13 = vector.shape_cast %get3A_12 : vector<1x1x10000xf32> to vector<10000xf32>
    %get3A_14 = arith.constant 1 : index
    %get3A_15 = arith.constant 0 : index
    %get3A_16 = arith.constant 0 : index
    %get3A_17 = vector.load %arg1[%get3A_14, %get3A_15, %get3A_16] : memref<2x1x10128xf32, #tpu.memory_space<vmem>>, vector<1x1x10000xf32>
    %get3A_18 = vector.shape_cast %get3A_17 : vector<1x1x10000xf32> to vector<10000xf32>
    %add3A_19 = arith.addf %get3A_13, %get3A_18 : vector<10000xf32>
    %max3A = arith.constant 1.000000e+00 : f32
    %max3A_20 = vector.broadcast %max3A : f32 to vector<10000xf32>
    %max3A_21 = arith.maximumf %add3A, %max3A_20 : vector<10000xf32>
    %rsqrt3A = math.rsqrt %max3A_21 : vector<10000xf32>
    %mul3A = arith.constant 5.000000e-01 : f32
    %mul3A_22 = vector.broadcast %mul3A : f32 to vector<10000xf32>
    %mul3A_23 = arith.mulf %mul3A_22, %max3A_21 : vector<10000xf32>
    %mul3A_24 = arith.mulf %mul3A_23, %rsqrt3A : vector<10000xf32>
    %mul3A_25 = arith.mulf %mul3A_24, %rsqrt3A : vector<10000xf32>
    %sub3A = arith.constant 1.500000e+00 : f32
    %sub3A_26 = vector.broadcast %sub3A : f32 to vector<10000xf32>
    %sub3A_27 = arith.subf %sub3A_26, %mul3A_25 : vector<10000xf32>
    %mul3A_28 = arith.mulf %rsqrt3A, %sub3A_27 : vector<10000xf32>
    %max3A_29 = arith.constant 1.000000e+00 : f32
    %max3A_30 = vector.broadcast %max3A_29 : f32 to vector<10000xf32>
    %max3A_31 = arith.maximumf %add3A_19, %max3A_30 : vector<10000xf32>
    %rsqrt3A_32 = math.rsqrt %max3A_31 : vector<10000xf32>
    %mul3A_33 = arith.constant 5.000000e-01 : f32
    %mul3A_34 = vector.broadcast %mul3A_33 : f32 to vector<10000xf32>
    %mul3A_35 = arith.mulf %mul3A_34, %max3A_31 : vector<10000xf32>
    %mul3A_36 = arith.mulf %mul3A_35, %rsqrt3A_32 : vector<10000xf32>
    %mul3A_37 = arith.mulf %mul3A_36, %rsqrt3A_32 : vector<10000xf32>
    %sub3A_38 = arith.constant 1.500000e+00 : f32
    %sub3A_39 = vector.broadcast %sub3A_38 : f32 to vector<10000xf32>
    %sub3A_40 = arith.subf %sub3A_39, %mul3A_37 : vector<10000xf32>
    %mul3A_41 = arith.mulf %rsqrt3A_32, %sub3A_40 : vector<10000xf32>
    %get3A_42 = arith.constant 0 : index
    %get3A_43 = arith.constant 0 : index
    %get3A_44 = arith.constant 0 : index
    %get3A_45 = vector.load %arg2[%get3A_42, %get3A_43, %get3A_44] : memref<2x10000x128xf32, #tpu.memory_space<vmem>>, vector<1x10000x128xf32>
    %get3A_46 = vector.shape_cast %get3A_45 : vector<1x10000x128xf32> to vector<10000x128xf32>
    %get3A_47 = arith.constant 1 : index
    %get3A_48 = arith.constant 0 : index
    %get3A_49 = arith.constant 0 : index
    %get3A_50 = vector.load %arg2[%get3A_47, %get3A_48, %get3A_49] : memref<2x10000x128xf32, #tpu.memory_space<vmem>>, vector<1x10000x128xf32>
    %get3A_51 = vector.shape_cast %get3A_50 : vector<1x10000x128xf32> to vector<10000x128xf32>
    %add3A_52 = arith.addf %get3A_46, %get3A_51 : vector<10000x128xf32>
    %broadcast_in_dim3A = vector.shape_cast %mul3A_41 : vector<10000xf32> to vector<10000x1xf32>
    %mul3A_53 = vector.broadcast %broadcast_in_dim3A : vector<10000x1xf32> to vector<10000x128xf32>
    %mul3A_54 = arith.mulf %add3A_52, %mul3A_53 : vector<10000x128xf32>
    %get3A_55 = arith.constant 0 : index
    %get3A_56 = arith.constant 0 : index
    %get3A_57 = vector.load %arg3[%get3A_55, %get3A_56] : memref<128x128xf32, #tpu.memory_space<vmem>>, vector<128x128xf32>
    %dot_general3A = arith.constant dense<0.000000e+00> : vector<10000x128xf32>
    %dot_general3A_58 = tpu.matmul %mul3A_54, %get3A_57, %dot_general3A {dimension_numbers = #tpu.dot_dimension_numbers<[1], [0], [0], [1], [0, 0, 1, 1], [], []>, transpose_lhs_hint = false} : vector<10000x128xf32>, vector<128x128xf32>, vector<10000x128xf32> -> vector<10000x128xf32>
    %get3A_59 = arith.constant 0 : index
    %get3A_60 = vector.load %arg4[%get3A_59] : memref<128xf32, #tpu.memory_space<vmem>>, vector<128xf32>
    %get3A_61 = arith.constant 0 : index
    %get3A_62 = vector.load %arg5[%get3A_61] : memref<128xf32, #tpu.memory_space<vmem>>, vector<128xf32>
    %reduce_sum3A = arith.constant dense<0.000000e+00> : vector<128xf32>
    %reduce_sum3A_63 = vector.multi_reduction <add>, %dot_general3A_58, %reduce_sum3A [0] : vector<10000x128xf32> to vector<128xf32>
    %div3A = arith.constant 1.000000e+04 : f32
    %div3A_64 = vector.broadcast %div3A : f32 to vector<128xf32>
    %div3A_65 = arith.divf %reduce_sum3A_63, %div3A_64 : vector<128xf32>
    %broadcast_in_dim3A_66 = vector.shape_cast %div3A_65 : vector<128xf32> to vector<1x128xf32>
    %sub3A_67 = vector.broadcast %broadcast_in_dim3A_66 : vector<1x128xf32> to vector<10000x128xf32>
    %sub3A_68 = arith.subf %dot_general3A_58, %sub3A_67 : vector<10000x128xf32>
    %square3A = arith.mulf %sub3A_68, %sub3A_68 : vector<10000x128xf32>
    %reduce_sum3A_69 = arith.constant dense<0.000000e+00> : vector<128xf32>
    %reduce_sum3A_70 = vector.multi_reduction <add>, %square3A, %reduce_sum3A_69 [0] : vector<10000x128xf32> to vector<128xf32>
    %div3A_71 = arith.constant 1.000000e+04 : f32
    %div3A_72 = vector.broadcast %div3A_71 : f32 to vector<128xf32>
    %div3A_73 = arith.divf %reduce_sum3A_70, %div3A_72 : vector<128xf32>
    %broadcast_in_dim3A_74 = vector.shape_cast %div3A_65 : vector<128xf32> to vector<1x128xf32>
    %sub3A_75 = vector.broadcast %broadcast_in_dim3A_74 : vector<1x128xf32> to vector<10000x128xf32>
    %sub3A_76 = arith.subf %dot_general3A_58, %sub3A_75 : vector<10000x128xf32>
    %add3A_77 = arith.constant 9.99999974E-6 : f32
    %add3A_78 = vector.broadcast %add3A_77 : f32 to vector<128xf32>
    %add3A_79 = arith.addf %div3A_73, %add3A_78 : vector<128xf32>
    %rsqrt3A_80 = math.rsqrt %add3A_79 : vector<128xf32>
    %mul3A_81 = arith.constant 5.000000e-01 : f32
    %mul3A_82 = vector.broadcast %mul3A_81 : f32 to vector<128xf32>
    %mul3A_83 = arith.mulf %mul3A_82, %add3A_79 : vector<128xf32>
    %mul3A_84 = arith.mulf %mul3A_83, %rsqrt3A_80 : vector<128xf32>
    %mul3A_85 = arith.mulf %mul3A_84, %rsqrt3A_80 : vector<128xf32>
    %sub3A_86 = arith.constant 1.500000e+00 : f32
    %sub3A_87 = vector.broadcast %sub3A_86 : f32 to vector<128xf32>
    %sub3A_88 = arith.subf %sub3A_87, %mul3A_85 : vector<128xf32>
    %mul3A_89 = arith.mulf %rsqrt3A_80, %sub3A_88 : vector<128xf32>
    %broadcast_in_dim3A_90 = vector.shape_cast %mul3A_89 : vector<128xf32> to vector<1x128xf32>
    %mul3A_91 = vector.broadcast %broadcast_in_dim3A_90 : vector<1x128xf32> to vector<10000x128xf32>
    %mul3A_92 = arith.mulf %sub3A_76, %mul3A_91 : vector<10000x128xf32>
    %broadcast_in_dim3A_93 = vector.shape_cast %get3A_60 : vector<128xf32> to vector<1x128xf32>
    %mul3A_94 = vector.broadcast %broadcast_in_dim3A_93 : vector<1x128xf32> to vector<10000x128xf32>
    %mul3A_95 = arith.mulf %mul3A_92, %mul3A_94 : vector<10000x128xf32>
    %broadcast_in_dim3A_96 = vector.shape_cast %get3A_62 : vector<128xf32> to vector<1x128xf32>
    %add3A_97 = vector.broadcast %broadcast_in_dim3A_96 : vector<1x128xf32> to vector<10000x128xf32>
    %add3A_98 = arith.addf %mul3A_95, %add3A_97 : vector<10000x128xf32>
    %max3A_99 = arith.constant 0.000000e+00 : f32
    %max3A_100 = vector.broadcast %max3A_99 : f32 to vector<10000x128xf32>
    %max3A_101 = arith.maximumf %add3A_98, %max3A_100 : vector<10000x128xf32>
    %broadcast_in_dim3A_102 = vector.shape_cast %mul3A_28 : vector<10000xf32> to vector<10000x1xf32>
    %mul3A_103 = vector.broadcast %broadcast_in_dim3A_102 : vector<10000x1xf32> to vector<10000x128xf32>
    %mul3A_104 = arith.mulf %max3A_101, %mul3A_103 : vector<10000x128xf32>
    %swap3A = arith.constant 0 : index
    %swap3A_105 = arith.constant 0 : index
    %swap3A_106 = vector.load %arg6[%swap3A, %swap3A_105] : memref<10128x128xf32, #tpu.memory_space<vmem>>, vector<10000x128xf32>
    tpu.vector_store %arg6[%swap3A, %swap3A_105], %mul3A_104 {strides = array<i32>} : memref<10128x128xf32, #tpu.memory_space<vmem>>, vector<10000x128xf32>,
    %broadcast_in_dim3A_107 = arith.constant 0.000000e+00 : f32
    %broadcast_in_dim3A_108 = vector.broadcast %broadcast_in_dim3A_107 : f32 to vector<128x128xf32>
    %swap3A_109 = arith.constant 10000 : index
    %swap3A_110 = arith.constant 0 : index
    %swap3A_111 = vector.load %arg6[%swap3A_109, %swap3A_110] : memref<10128x128xf32, #tpu.memory_space<vmem>>, vector<128x128xf32>
    tpu.vector_store %arg6[%swap3A_109, %swap3A_110], %broadcast_in_dim3A_108 {strides = array<i32>} : memref<10128x128xf32, #tpu.memory_space<vmem>>, vector<128x128xf32>,
    return
  }
}

module attributes {stable_mosaic.version = 14 : i64} {
  func.func @_tc3_body(%arg0: memref<2x1x10128xf32, #tpu.memory_space<vmem>>, %arg1: memref<2x1x10128xf32, #tpu.memory_space<vmem>>, %arg2: memref<2x10000x128xf32, #tpu.memory_space<vmem>>, %arg3: memref<128x128xf32, #tpu.memory_space<vmem>>, %arg4: memref<128xf32, #tpu.memory_space<vmem>>, %arg5: memref<128xf32, #tpu.memory_space<vmem>>, %arg6: memref<10000x128xf32, #tpu.memory_space<vmem>>) attributes {dimension_semantics = [], scalar_prefetch = 0 : i64, scratch_operands = 0 : i64, tpu.core_type = #tpu.core_type<tc>} {
    %get3A = arith.constant 0 : index
    %get3A_0 = arith.constant 0 : index
    %get3A_1 = arith.constant 0 : index
    %get3A_2 = vector.load %arg1[%get3A, %get3A_0, %get3A_1] : memref<2x1x10128xf32, #tpu.memory_space<vmem>>, vector<1x1x10000xf32>
    %get3A_3 = vector.shape_cast %get3A_2 : vector<1x1x10000xf32> to vector<10000xf32>
    %get3A_4 = arith.constant 1 : index
    %get3A_5 = arith.constant 0 : index
    %get3A_6 = arith.constant 0 : index
    %get3A_7 = vector.load %arg1[%get3A_4, %get3A_5, %get3A_6] : memref<2x1x10128xf32, #tpu.memory_space<vmem>>, vector<1x1x10000xf32>
    %get3A_8 = vector.shape_cast %get3A_7 : vector<1x1x10000xf32> to vector<10000xf32>
    %add3A = arith.addf %get3A_3, %get3A_8 : vector<10000xf32>
    %max3A = arith.constant 1.000000e+00 : f32
    %max3A_9 = vector.broadcast %max3A : f32 to vector<10000xf32>
    %max3A_10 = arith.maximumf %add3A, %max3A_9 : vector<10000xf32>
    %rsqrt3A = math.rsqrt %max3A_10 : vector<10000xf32>
    %mul3A = arith.constant 5.000000e-01 : f32
    %mul3A_11 = vector.broadcast %mul3A : f32 to vector<10000xf32>
    %mul3A_12 = arith.mulf %mul3A_11, %max3A_10 : vector<10000xf32>
    %mul3A_13 = arith.mulf %mul3A_12, %rsqrt3A : vector<10000xf32>
    %mul3A_14 = arith.mulf %mul3A_13, %rsqrt3A : vector<10000xf32>
    %sub3A = arith.constant 1.500000e+00 : f32
    %sub3A_15 = vector.broadcast %sub3A : f32 to vector<10000xf32>
    %sub3A_16 = arith.subf %sub3A_15, %mul3A_14 : vector<10000xf32>
    %mul3A_17 = arith.mulf %rsqrt3A, %sub3A_16 : vector<10000xf32>
    %get3A_18 = arith.constant 0 : index
    %get3A_19 = arith.constant 0 : index
    %get3A_20 = arith.constant 0 : index
    %get3A_21 = vector.load %arg2[%get3A_18, %get3A_19, %get3A_20] : memref<2x10000x128xf32, #tpu.memory_space<vmem>>, vector<1x10000x128xf32>
    %get3A_22 = vector.shape_cast %get3A_21 : vector<1x10000x128xf32> to vector<10000x128xf32>
    %get3A_23 = arith.constant 1 : index
    %get3A_24 = arith.constant 0 : index
    %get3A_25 = arith.constant 0 : index
    %get3A_26 = vector.load %arg2[%get3A_23, %get3A_24, %get3A_25] : memref<2x10000x128xf32, #tpu.memory_space<vmem>>, vector<1x10000x128xf32>
    %get3A_27 = vector.shape_cast %get3A_26 : vector<1x10000x128xf32> to vector<10000x128xf32>
    %add3A_28 = arith.addf %get3A_22, %get3A_27 : vector<10000x128xf32>
    %broadcast_in_dim3A = vector.shape_cast %mul3A_17 : vector<10000xf32> to vector<10000x1xf32>
    %mul3A_29 = vector.broadcast %broadcast_in_dim3A : vector<10000x1xf32> to vector<10000x128xf32>
    %mul3A_30 = arith.mulf %add3A_28, %mul3A_29 : vector<10000x128xf32>
    %get3A_31 = arith.constant 0 : index
    %get3A_32 = arith.constant 0 : index
    %get3A_33 = vector.load %arg3[%get3A_31, %get3A_32] : memref<128x128xf32, #tpu.memory_space<vmem>>, vector<128x128xf32>
    %dot_general3A = arith.constant dense<0.000000e+00> : vector<10000x128xf32>
    %dot_general3A_34 = tpu.matmul %mul3A_30, %get3A_33, %dot_general3A {dimension_numbers = #tpu.dot_dimension_numbers<[1], [0], [0], [1], [0, 0, 1, 1], [], []>, transpose_lhs_hint = false} : vector<10000x128xf32>, vector<128x128xf32>, vector<10000x128xf32> -> vector<10000x128xf32>
    %get3A_35 = arith.constant 0 : index
    %get3A_36 = vector.load %arg4[%get3A_35] : memref<128xf32, #tpu.memory_space<vmem>>, vector<128xf32>
    %get3A_37 = arith.constant 0 : index
    %get3A_38 = vector.load %arg5[%get3A_37] : memref<128xf32, #tpu.memory_space<vmem>>, vector<128xf32>
    %reduce_sum3A = arith.constant dense<0.000000e+00> : vector<128xf32>
    %reduce_sum3A_39 = vector.multi_reduction <add>, %dot_general3A_34, %reduce_sum3A [0] : vector<10000x128xf32> to vector<128xf32>
    %div3A = arith.constant 1.000000e+04 : f32
    %div3A_40 = vector.broadcast %div3A : f32 to vector<128xf32>
    %div3A_41 = arith.divf %reduce_sum3A_39, %div3A_40 : vector<128xf32>
    %broadcast_in_dim3A_42 = vector.shape_cast %div3A_41 : vector<128xf32> to vector<1x128xf32>
    %sub3A_43 = vector.broadcast %broadcast_in_dim3A_42 : vector<1x128xf32> to vector<10000x128xf32>
    %sub3A_44 = arith.subf %dot_general3A_34, %sub3A_43 : vector<10000x128xf32>
    %square3A = arith.mulf %sub3A_44, %sub3A_44 : vector<10000x128xf32>
    %reduce_sum3A_45 = arith.constant dense<0.000000e+00> : vector<128xf32>
    %reduce_sum3A_46 = vector.multi_reduction <add>, %square3A, %reduce_sum3A_45 [0] : vector<10000x128xf32> to vector<128xf32>
    %div3A_47 = arith.constant 1.000000e+04 : f32
    %div3A_48 = vector.broadcast %div3A_47 : f32 to vector<128xf32>
    %div3A_49 = arith.divf %reduce_sum3A_46, %div3A_48 : vector<128xf32>
    %broadcast_in_dim3A_50 = vector.shape_cast %div3A_41 : vector<128xf32> to vector<1x128xf32>
    %sub3A_51 = vector.broadcast %broadcast_in_dim3A_50 : vector<1x128xf32> to vector<10000x128xf32>
    %sub3A_52 = arith.subf %dot_general3A_34, %sub3A_51 : vector<10000x128xf32>
    %add3A_53 = arith.constant 9.99999974E-6 : f32
    %add3A_54 = vector.broadcast %add3A_53 : f32 to vector<128xf32>
    %add3A_55 = arith.addf %div3A_49, %add3A_54 : vector<128xf32>
    %rsqrt3A_56 = math.rsqrt %add3A_55 : vector<128xf32>
    %mul3A_57 = arith.constant 5.000000e-01 : f32
    %mul3A_58 = vector.broadcast %mul3A_57 : f32 to vector<128xf32>
    %mul3A_59 = arith.mulf %mul3A_58, %add3A_55 : vector<128xf32>
    %mul3A_60 = arith.mulf %mul3A_59, %rsqrt3A_56 : vector<128xf32>
    %mul3A_61 = arith.mulf %mul3A_60, %rsqrt3A_56 : vector<128xf32>
    %sub3A_62 = arith.constant 1.500000e+00 : f32
    %sub3A_63 = vector.broadcast %sub3A_62 : f32 to vector<128xf32>
    %sub3A_64 = arith.subf %sub3A_63, %mul3A_61 : vector<128xf32>
    %mul3A_65 = arith.mulf %rsqrt3A_56, %sub3A_64 : vector<128xf32>
    %broadcast_in_dim3A_66 = vector.shape_cast %mul3A_65 : vector<128xf32> to vector<1x128xf32>
    %mul3A_67 = vector.broadcast %broadcast_in_dim3A_66 : vector<1x128xf32> to vector<10000x128xf32>
    %mul3A_68 = arith.mulf %sub3A_52, %mul3A_67 : vector<10000x128xf32>
    %broadcast_in_dim3A_69 = vector.shape_cast %get3A_36 : vector<128xf32> to vector<1x128xf32>
    %mul3A_70 = vector.broadcast %broadcast_in_dim3A_69 : vector<1x128xf32> to vector<10000x128xf32>
    %mul3A_71 = arith.mulf %mul3A_68, %mul3A_70 : vector<10000x128xf32>
    %broadcast_in_dim3A_72 = vector.shape_cast %get3A_38 : vector<128xf32> to vector<1x128xf32>
    %add3A_73 = vector.broadcast %broadcast_in_dim3A_72 : vector<1x128xf32> to vector<10000x128xf32>
    %add3A_74 = arith.addf %mul3A_71, %add3A_73 : vector<10000x128xf32>
    %max3A_75 = arith.constant 0.000000e+00 : f32
    %max3A_76 = vector.broadcast %max3A_75 : f32 to vector<10000x128xf32>
    %max3A_77 = arith.maximumf %add3A_74, %max3A_76 : vector<10000x128xf32>
    %swap3A = arith.constant 0 : index
    %swap3A_78 = arith.constant 0 : index
    %swap3A_79 = vector.load %arg6[%swap3A, %swap3A_78] : memref<10000x128xf32, #tpu.memory_space<vmem>>, vector<10000x128xf32>
    tpu.vector_store %arg6[%swap3A, %swap3A_78], %max3A_77 {strides = array<i32>} : memref<10000x128xf32, #tpu.memory_space<vmem>>, vector<10000x128xf32>,
    return
  }
}

</mosaic_0001>

<sc_bundles>
// kernel: kernel.11.cloned.1.call-start
scs
__scs_entry_jumppad:
0x0: {  	(pc) =	sbr.rel $0x88, $3  }
0x1: {  	(tag) =	ssettag $0x0;
	lr =	simm.s32 $0x1  }
0x2: {  	[smem:$0x3F99] =	sst lr;
	_ =	strace $0xD0000000  }
0x3: {  	_ = 	snop  }
0x4: {  	_ = 	snop  }
0x5: {  	_ = 	snop  }
0x6: {  	_ = 	snop  }
0x7: {  	_ = 	snop  }
__scs_overlays_trampoline_lowered:
0x8: {  	[smem:$0x3FA8] =	sst s0  }
0x9: {  	[smem:$0x3FA9] =	sst s1  }
0xa: {  	[smem:$0x3FAA] =	sst s2  }
0xb: {  	[smem:$0x3FAB] =	sst s3  }
0xc: {  	[smem:$0x3FAC] =	sst s4  }
0xd: {  	[smem:$0x3FAD] =	sst s5  }
0xe: {  	[smem:$0x3FAE] =	sst s6  }
0xf: {  	[smem:$0x3FAF] =	sst s7  }
0x10: {  	[smem:$0x3FB0] =	sst s8  }
0x11: {  	[smem:$0x3FB1] =	sst s9;
	s0 =	simm.s32 @!p0 $0x0  }
0x12: {  	s1 =	sld [smem:$0x3F97];
	s0 =	simm.s32 @p0 $0x1  }
0x13: {  	[smem:$0x3FB2] =	sst s0;
	s0 =	simm.s32 @!p1 $0x0  }
0x14: {  	s2 =	sld [smem:$0x3F96];
	s0 =	simm.s32 @p1 $0x1  }
0x15: {  	[smem:$0x3FB3] =	sst s0;
	s0 =	simm.s32 @!p2 $0x0  }
0x16: {  	s3 =	sld [smem:$0x3FDB];
	s0 =	simm.s32 @p2 $0x1  }
0x17: {  	s4 =	simm.s32 $0x1BF5;
	[smem:$0x3FB5] =	sst s0  }
0x18: {  	s0 =	sld [smem:$0x3F98];
	_ =	swait.ge [sflag:s4], $0x0  }
0x19: {  	s7 =	sld [smem:$0x3F99]  }
0x1a: {  	s8 =	sadd.s32 $0xFFFFE003, lr  }
0x1b: {  	s9 =	sadd.s32 $0xFFFFFEF7, lr;
	s5 =	simm.s32 $0xFFFFFFFF;
	p2 =	slt.u32 s8, $0xFFFFF086  }
0x1c: {  	p1 =	slt.u32 s9, $0xF7A;
	s5 =	simm.s32 @!p2 $0x0  }
0x1d: {  	s5 =	simm.s32 @p1 $0x1;
	p0 =	seq.s32 s7, s2  }
0x1e: {  	s7 =	smul.u32 @!p0 $0xF7A, s2;
	p2 =	seq.s32 @!p0 s5, $0x0  }
0x1f: {  	s9 =	smul.u32 $0xF7A, s1;
	s8 =	simm.s32 @!p0 $0x1BF5;
	p2 =	por !p2, p0  }
0x20: {  	[sflag:s8] =	ssyncset.s32 @!p0 $0xFFFFF086;
	s6 =	sadd.s32 @!p0 s3, s7;
	s7 =	simm.s32 @!p0 $0x108  }
0x21: {  	s3 =	sadd.s32 s3, s9;
	s6 =	sadd.s32 @!p0 $0x88, s6;
	s7 =	simm.s32 @p2 $0x1082  }
0x22: {  	[simem:s7], [sflag:s8] =	dma.local @!p0 [hbm:s6], $0xF7A  }
0x23: {  	s9 =	sor.u32 $0xD0000000, s2;
	s6 =	simm.s32 $0x108;
	_ =	swait.ge @!p0 [sflag:s8], $0x0  }
0x24: {  	s3 =	sadd.s32 $0x88, s3;
	s6 =	simm.s32 @!p1 $0x1082;
	[sflag:s4] =	ssyncset.s32 $0xFFFFF086  }
0x25: {  	[simem:s6], [sflag:s4] =	dma.local [hbm:s3], $0xF7A  }
0x26: {  	[smem:$0x3F99] =	sst s1;
	(tag) =	ssettag s2;
	_ =	strace s9  }
0x27: {  	s1 =	sld [smem:$0x3FA9]  }
0x28: {  	s2 =	sld [smem:$0x3FAA]  }
0x29: {  	s4 =	sld [smem:$0x3FAC]  }
0x2a: {  	p0 =	seq.s32 s5, $0x0;
	s5 =	sld [smem:$0x3FAD]  }
0x2b: {  	s6 =	sld [smem:$0x3FAE]  }
0x2c: {  	s7 =	sld [smem:$0x3FAF]  }
0x2d: {  	s3 =	simm.s32 $0x108;
	s8 =	sld [smem:$0x3FB0]  }
0x2e: {  	s3 =	simm.s32 @!p0 $0x1082;
	s9 =	sld [smem:$0x3FB1]  }
0x2f: {  	lr =	sadd.s32 s0, s3;
	s0 =	sld [smem:$0x3FA8]  }
0x30: {  	s3 =	sld [smem:$0x3FAB]  }
0x31: {  	[smem:$0x3FB4] =	sst s10  }
0x32: {  	s10 =	sld [smem:$0x3FB2];
	_ =	sdelay $0x3  }
0x33: {  	p0 =	seq.s32 s10, $0x1;
	s10 =	sld [smem:$0x3FB4];
	_ =	sdelay $0x3  }
0x34: {  	[smem:$0x3FB4] =	sst s10  }
0x35: {  	s10 =	sld [smem:$0x3FB3];
	_ =	sdelay $0x3  }
0x36: {  	p1 =	seq.s32 s10, $0x1;
	s10 =	sld [smem:$0x3FB4];
	_ =	sdelay $0x3  }
0x37: {  	[smem:$0x3FB4] =	sst s10  }
0x38: {  	s10 =	sld [smem:$0x3FB5]  }
0x39: {  	_ = 	snop;
	(pc) =	sbr.ind lr, $3  }
0x3a: {  	_ = 	snop  }
0x3b: {  	_ = 	snop  }
0x3c: {  	p2 =	seq.s32 s10, $0x1;
	s10 =	sld [smem:$0x3FB4]  }
0x3d: {  	_ =	shalt  }
0x3e: {  	_ =	shalt  }
0x3f: {  	_ =	shalt  }
0x40: {  	_ =	shalt  }
0x41: {  	_ =	shalt  }
0x42: {  	_ =	shalt  }
0x43: {  	_ =	shalt  }
0x44: {  	_ =	shalt  }
0x45: {  	_ =	shalt  }
0x46: {  	_ =	shalt  }
0x47: {  	_ =	shalt  }
0x48: {  	_ =	shalt  }
0x49: {  	_ =	shalt  }
0x4a: {  	_ =	shalt  }
0x4b: {  	_ =	shalt  }
0x4c: {  	_ =	shalt  }
0x4d: {  	_ =	shalt  }
0x4e: {  	_ =	shalt  }
0x4f: {  	_ =	shalt  }
0x50: {  	_ =	shalt  }
0x51: {  	_ =	shalt  }
0x52: {  	_ =	shalt  }
0x53: {  	_ =	shalt  }
0x54: {  	_ =	shalt  }
0x55: {  	_ =	shalt  }
0x56: {  	_ =	shalt  }
0x57: {  	_ =	shalt  }
0x58: {  	_ =	shalt  }
0x59: {  	_ =	shalt  }
0x5a: {  	_ =	shalt  }
0x5b: {  	_ =	shalt  }
0x5c: {  	_ =	shalt  }
0x5d: {  	_ =	shalt  }
0x5e: {  	_ =	shalt  }
0x5f: {  	_ =	shalt  }
0x60: {  	_ =	shalt  }
0x61: {  	_ =	shalt  }
0x62: {  	_ =	shalt  }
0x63: {  	_ =	shalt  }
0x64: {  	_ =	shalt  }
0x65: {  	_ =	shalt  }
0x66: {  	_ =	shalt  }
0x67: {  	_ =	shalt  }
0x68: {  	_ =	shalt  }
0x69: {  	_ =	shalt  }
0x6a: {  	_ =	shalt  }
0x6b: {  	_ =	shalt  }
0x6c: {  	_ =	shalt  }
0x6d: {  	_ =	shalt  }
0x6e: {  	_ =	shalt  }
0x6f: {  	_ =	shalt  }
0x70: {  	_ =	shalt  }
0x71: {  	_ =	shalt  }
0x72: {  	_ =	shalt  }
0x73: {  	_ =	shalt  }
0x74: {  	_ =	shalt  }
0x75: {  	_ =	shalt  }
0x76: {  	_ =	shalt  }
0x77: {  	_ =	shalt  }
0x78: {  	_ =	shalt  }
0x79: {  	_ =	shalt  }
0x7a: {  	_ =	shalt  }
0x7b: {  	_ =	shalt  }
0x7c: {  	_ =	shalt  }
0x7d: {  	_ =	shalt  }
0x7e: {  	_ =	shalt  }
0x7f: {  	_ =	shalt  }
0x80: {  	_ =	shalt  }
0x81: {  	_ =	shalt  }
0x82: {  	_ =	shalt  }
0x83: {  	_ =	shalt  }
0x84: {  	_ =	shalt  }
0x85: {  	_ =	shalt  }
0x86: {  	_ =	shalt  }
0x87: {  	_ =	shalt  }
.Lfunc_end0:
.L_simem_size_0:
called_computation.1_lowered:
.L_overlay_start_0:
0x88: {  	s2 =	sld [smem:$0x3FD9]  }
0x89: {  	s3 =	sld [smem:$0x3FFE];
	_ =	sdelay $0x1  }
0x8a: {  	s1 =	srdreg.scid  }
0x8b: {  	s0 =	sand.u32 $0x1, s1  }
0x8c: {  	s17 =	sshll.u32 s0, $0xA;
	s2 =	sadd.s32 s3, s2  }
0x8d: {  	s2 =	sadd.s32 s2, s17  }
0x8e: {  	[smem:$0x3FC0] =	sst s2  }
0x8f: {  	_ = 	snop  }
0x90: {  	s2 =	sld [smem:$0x3FD0];
	(tm) =	ssettm $0x1  }
0x91: {  	s18 =	sld [smem:$0x3FFB];
	_ =	sdelay $0x3  }
0x92: {  	_ =	strace s18  }
0x93: {  	s3 =	sld [smem:$0x3FFC];
	_ =	sdelay $0x3  }
0x94: {  	_ =	strace s3  }
0x95: {  	s3 =	sld [smem:$0x3FFD];
	_ =	sdelay $0x3  }
0x96: {  	_ =	strace s3  }
0x97: {  	_ =	strace $0x8FFFFFFF  }
0x98: {  	s19 =	sld [smem:$0x3FDB];
	_ =	sdelay $0x1  }
0x99: {  	s4 =	simm.s32 $_scs_section_size  }
0x9a: {  	s5 =	simm.s32 $_size__tile_overlayer_lowered;
	s6 =	simm.s32 $_tile_overlayer_lowered  }
0x9b: {  	s22 =	simm.s32 $0x1BFF;
	s21 =	sshll.u32 s6, $0x1;
	s3 =	sadd.s32 s4, s19  }
0x9c: {  	s7 =	simm.s32 $0x0;
	s20 =	sshll.u32 s5, $0x1;
	s5 =	sadd.s32 s21, s3  }
0x9d: {  	[timem:s7], [sflag:s22] =	dma.local [hbm:s5], s20  }
0x9e: {  	_ =	swait.ge [sflag:s22], s20  }
0x9f: {  	s4 =	ssub.s32 $0x0, s20;
	[sflag:s22] =	ssyncset.done $0x0  }
0xa0: {  	[sflag:s22] =	ssyncadd.s32 s4;
	_ =	sdelay $0x1  }
0xa1: {  	s23 =	simm.s32 $0x1B8B  }
0xa2: {  	_ =	swait.ge [sflag:s23], $0x1  }
0xa3: {  	[sflag:s23] =	ssyncset.done $0x0  }
0xa4: {  	s25 =	simm.s32 $0x1B8E;
	s24 =	sld [smem:$0x3FFE];
	[sflag:s23] =	ssyncadd.s32 $0xFFFFFFFF  }
0xa5: {  	s26 =	simm.s32 $execute0_lowered;
	[smem:$0x3FD2] =	sst s25  }
0xa6: {  	s5 =	sshll.u32 s26, $0x1;
	_ =	strace $0x80000049;
	[dreg:$0x1] =	wrdreg $0xFFFFFFFF  }
0xa7: {  	s28 =	simm.s32 $_size_execute0_lowered;
	s3 =	sadd.s32 s3, s5;
	[dreg:$0x0] =	wrdreg $0x0  }
0xa8: {  	s5 =	sshll.u32 s28, $0x1;
	[dreg:$0x2] =	wrdreg s3  }
0xa9: {  	[dreg:$0x3] =	wrdreg s5  }
0xaa: {  	[dreg:$0x4] =	wrdreg $0xC0  }
0xab: {  	_ =	task [dreg:s7], $0x5FFFF  }
0xac: {  	[dreg:$0x1] =	wrdreg $0xFFFFFFFF  }
0xad: {  	[dreg:$0x0] =	wrdreg $0x60  }
0xae: {  	[dreg:$0x2] =	wrdreg s24  }
0xaf: {  	[dreg:$0x3] =	wrdreg s2  }
0xb0: {  	[dreg:$0x4] =	wrdreg $0xA8000  }
0xb1: {  	[dreg:$0x5] =	wrdreg $0x9  }
0xb2: {  	_ =	task.clear_ibuf [dreg:s7], $0x6FFFF;
	_ =	strace $0x90000049  }
0xb3: {  	s29 =	simm.s32 $0x9;
	_ =	strace $0x8000004E  }
0xb4: {  	_ =	swait.ge [sflag:s29], $0x1  }
0xb5: {  	[sflag:s29] =	ssyncadd.s32 $0xFFFFFFFF  }
0xb6: {  	_ =	strace $0x9000004E  }
0xb7: {  	_ =	sfence  }
0xb8: {  	s30 =	sld [smem:$0x0];
	_ =	sdelay $0x2  }
0xb9: {  	s31 =	sshll.u32 s1, $0xD;
	s1 =	sshrl.u32 s1, $0x2  }
0xba: {  	s3 =	sand.u32 $0x4000, s31;
	s1 =	sadd.s32 s1, s30  }
0xbb: {  	s0 =	sor.u32 s3, s0;
	s1 =	sshll.u32 s1, $0x11  }
0xbc: {  	s0 =	sor.u32 s1, s0  }
0xbd: {  	s0 =	sadd.s32 $0x8F2B, s0  }
0xbe: {  	[sflag:s0] =	ssyncadd.remote.s32 $0x1  }
0xbf: {  	_ =	sfence.sel $0xFFFF  }
0xc0: {  	[dreg:$0x0] =	wrdreg $0xFFFFFFFF;
	(pc) =	sbr.abs _section_cstart, $3  }
0xc1: {  	[dreg:$0x1] =	wrdreg $0xFFFFFFFF  }
0xc2: {  	_ =	task.clear_ibuf [dreg:s7], $0x2FFFF;
	_ =	strace $0x9FFFFFFF  }
0xc3: {  	(tm) =	ssettm $0x7FFFFFFF  }
tec
execute0_lowered:
.L_overlay_start_1:
0x0: {  	(tag) =	ssettag $0x1  }
0x1: {  	s5 =	rddreg [dreg:$0x0]  }
0x2: {  	s14 =	rddreg [dreg:$0x1]  }
0x3: {  	s1 =	rddreg [dreg:$0x2];
	s2 =	simm.s32 $0x0;
	s0 =	stileid.u32  }
0x4: {  	s6 =	srdreg.scid;
	s20 =	simm.s32 $0x1400;
	s21 =	simm.s32 $0x80  }
0x5: {  	s22 =	simm.s32 $0x6800;
	s23 =	simm.s32 $0x1;
	s24 =	simm.s32 $0x2  }
0x6: {  	s25 =	simm.s32 $0x1380;
	s26 =	simm.s32 $0x2700;
	s28 =	simm.s32 $0x2780  }
0x7: {  	[smem:$0x7FF] =	sst s2;
	s3 =	sadd.s32 $0xCA00, s5;
	s13 =	sadd.s32 $0x2A00, s5  }
0x8: {  	s7 =	smul.u32 $0x4E000, s0;
	s15 =	sadd.s32 $0x34400, s5;
	s9 =	sand.u32 $0x1, s6  }
0x9: {  	s29 =	sshll.u32 s0, $0x1;
	s10 =	sadd.s32 $0x138000, s1;
	s19 =	smul.u32 $0x13800, s0  }
0xa: {  	p0 =	sne.s32 s0, $0x0;
	s8 =	sor.u32 s9, s29;
	s18 =	smul.u32 $0x138800, s9  }
0xb: {  	_ =	strace $0x8000004A;
	s6 =	ssub.s32 $0x2, s9;
	s12 =	smul.u32 $0x500, s8  }
0xc: {  	s30 =	sshrl.u32 s7, $0x2;
	s31 =	sshrl.u32 s6, $0x1;
	s16 =	smul.u32 $0x2800, s8  }
0xd: {  	s5 =	sadd.s32 s30, s1;
	s17 =	ssub.s32 s6, s31;
	s19 =	sadd.s32 s19, s18  }
0xe: {  	s18 =	sshrl.u32 s18, $0x3;
	s6 =	sadd.s32 $0x4000, s5;
	s7 =	sadd.s32 $0x8000, s5  }
0xf: {  	s8 =	sadd.s32 $0xC000, s5;
	s9 =	sadd.s32 $0x10000, s5;
	s11 =	sadd.s32 s13, s12  }
0x10: {  	s12 =	sadd.s32 s14, s12;
	s16 =	sshrl.u32 s16, $0x3;
	s19 =	sshrl.u32 s19, $0x3  }
0x11: {  	s18 =	sadd.s32 s15, s18;
	s17 =	smax.u32 s17, $0x1;
	s16 =	sadd.s32 $0x280, s16  }
0x12: {  	s15 =	sadd.s32 s15, s19;
	s19 =	simm.s32 $0x3;
	s13 =	sadd.s32 s13, s16  }
0x13: {  	v0 =	vimm.f32 $0.0e+00;
	s14 =	sadd.s32 s14, s16;
	s16 =	sadd.s32 $0x27000, s18;
	s18 =	simm.s32 $0x2800  }
.LBB2_1:
0x14: {  	s29 =	simm.s32 $0x0;
	s30 =	simm.s32 $0x200  }
.LBB2_2:
0x15: {  	p1 =	sne.s32 s30, $0xFE00;
	[tilespmem:s29+$0x2870] =	vst v0  }
0x16: {  	[tilespmem:s29+$0x2800] =	vst v0  }
0x17: {  	[tilespmem:s29+$0x2810] =	vst v0  }
.Ltmp0:
0x18: {  	[tilespmem:s29+$0x2820] =	vst v0;
	(pc) =	sbr.rel @p1 .LBB2_2-.Ltmp0, $4  }
0x19: {  	[tilespmem:s29+$0x2830] =	vst v0  }
0x1a: {  	[tilespmem:s29+$0x2840] =	vst v0  }
0x1b: {  	[tilespmem:s29+$0x2850] =	vst v0  }
0x1c: {  	[tilespmem:s29+$0x2860] =	vst v0;
	s29 =	sshra.s32 s30, $0x2;
	s30 =	sadd.s32 $0x200, s30  }
0x1d: {  	[tilespmem:s29+$0x2870] =	vst v0  }
0x1e: {  	[tilespmem:s29+$0x2800] =	vst v0  }
0x1f: {  	[tilespmem:s29+$0x2810] =	vst v0  }
0x20: {  	[tilespmem:s29+$0x2820] =	vst v0  }
0x21: {  	[tilespmem:s29+$0x2830] =	vst v0  }
0x22: {  	[tilespmem:s29+$0x2840] =	vst v0  }
0x23: {  	[tilespmem:s29+$0x2850] =	vst v0  }
0x24: {  	[tilespmem:s29+$0x2860] =	vst v0  }
0x25: {  	[spmem:s5] =	stream.linear.scatter [tilespmem:s18], [sflag:$0x3], $0x4000, $0x38;
	[tilespmem:$0x1E480] =	vst v63  }
0x26: {  	_ =	swait.ge [sflag:s19], $0x4000  }
0x27: {  	[sflag:s19] =	ssyncset.done $0x0  }
0x28: {  	[sflag:s19] =	ssyncadd.s32 $0xFFFFC000  }
0x29: {  	[spmem:s6] =	stream.linear.scatter [tilespmem:s18], [sflag:$0x3], $0x4000, $0x38;
	[tilespmem:$0x1E480] =	vst v63  }
0x2a: {  	_ =	swait.ge [sflag:s19], $0x4000  }
0x2b: {  	[sflag:s19] =	ssyncset.done $0x0  }
0x2c: {  	[sflag:s19] =	ssyncadd.s32 $0xFFFFC000  }
0x2d: {  	[spmem:s7] =	stream.linear.scatter [tilespmem:s18], [sflag:$0x3], $0x4000, $0x38;
	[tilespmem:$0x1E480] =	vst v63  }
0x2e: {  	_ =	swait.ge [sflag:s19], $0x4000  }
0x2f: {  	[sflag:s19] =	ssyncset.done $0x0  }
0x30: {  	[sflag:s19] =	ssyncadd.s32 $0xFFFFC000  }
0x31: {  	[spmem:s8] =	stream.linear.scatter [tilespmem:s18], [sflag:$0x3], $0x4000, $0x38;
	[tilespmem:$0x1E480] =	vst v63  }
0x32: {  	_ =	swait.ge [sflag:s19], $0x4000  }
0x33: {  	[sflag:s19] =	ssyncset.done $0x0  }
0x34: {  	[sflag:s19] =	ssyncadd.s32 $0xFFFFC000  }
0x35: {  	[spmem:s9] =	stream.linear.scatter [tilespmem:s18], [sflag:$0x3], $0x3800, $0x38;
	[tilespmem:$0x1E480] =	vst v63  }
0x36: {  	_ =	swait.ge [sflag:s19], $0x3800  }
0x37: {  	[sflag:s19] =	ssyncset.done $0x0  }
0x38: {  	s29 =	simm.s32 @!p0 $0x2800;
	[sflag:s19] =	ssyncadd.s32 $0xFFFFC800  }
0x39: {  	[spmem:s10] =	stream.linear.scatter @!p0 [tilespmem:s29], [sflag:$0x3], $0x800, $0x38;
	[tilespmem:$0x1E480] =	vst v63  }
0x3a: {  	s29 =	simm.s32 @!p0 $0x3  }
0x3b: {  	_ =	swait.ge @!p0 [sflag:s29], $0x800  }
0x3c: {  	[sflag:s29] =	ssyncset.done @!p0 $0x0  }
0x3d: {  	[sflag:s29] =	ssyncadd.s32 @!p0 $0xFFFFF800  }
0x3e: {  	[bflag:$0x0] =	sbarrier.arrive $0xFFFF  }
0x3f: {  	s29 =	simm.s32 $0x0;
	_ =	strace $0x8000004B  }
0x40: {  	[tilespmem:s29], [sflag:$0x3] =	stream.linear.gather [hbm4b:s11+s29], $0x1400, $0x200038;
	[tilespmem:$0x1E480] =	vst v63  }
0x41: {  	_ =	swait.ge [sflag:s19], $0x1400  }
0x42: {  	[sflag:s19] =	ssyncset.done $0x0  }
0x43: {  	[sflag:s19] =	ssyncadd.s32 $0xFFFFEC00  }
0x44: {  	[tilespmem:s20], [sflag:$0x3] =	stream.linear.gather [hbm4b:s12+s29], $0x1400, $0x200038;
	[tilespmem:$0x1E480] =	vst v63  }
0x45: {  	_ =	swait.ge [sflag:s19], $0x1400  }
0x46: {  	[sflag:s19] =	ssyncset.done $0x0  }
0x47: {  	[sflag:s19] =	ssyncadd.s32 $0xFFFFEC00  }
0x48: {  	[tilespmem:s18], [sflag:$0x1] =	stream.indirect.gather [hbm4b:s3+s21], $0x80, s29, s21, $0x2000b8;
	[tilespmem:$0x1E480] =	vst v63  }
0x49: {  	s29 =	simm.s32 $0x80  }
0x4a: {  	[tilespmem:s22], [sflag:$0x2] =	stream.indirect.gather [hbm4b:s3+s21], $0x80, s29, s21, $0x2000b8;
	[tilespmem:$0x1E480] =	vst v63  }
0x4b: {  	_ =	swait.ge [sflag:s23], $0x4000  }
0x4c: {  	[sflag:s23] =	ssyncset.done $0x0  }
0x4d: {  	s29 =	simm.s32 $0x1400;
	[sflag:s23] =	ssyncadd.s32 $0xFFFFC000  }
0x4e: {  	[spmem:s1] =	stream.indirect.scatter.add.f32 [tilespmem:s18], [sflag:$0x3], $0x80, s29, s21, $0x2000b8;
	[tilespmem:$0x1E480] =	vst v63  }
0x4f: {  	_ =	swait.ge [sflag:s19], $0x4000  }
0x50: {  	[sflag:s19] =	ssyncset.done $0x0  }
0x51: {  	s29 =	simm.s32 $0x100;
	[sflag:s19] =	ssyncadd.s32 $0xFFFFC000  }
0x52: {  	[tilespmem:s18], [sflag:$0x1] =	stream.indirect.gather [hbm4b:s3+s21], $0x80, s29, s21, $0x2000b8;
	[tilespmem:$0x1E480] =	vst v63  }
0x53: {  	_ =	swait.ge [sflag:s24], $0x4000  }
0x54: {  	[sflag:s24] =	ssyncset.done $0x0  }
0x55: {  	s29 =	simm.s32 $0x1480;
	[sflag:s24] =	ssyncadd.s32 $0xFFFFC000  }
0x56: {  	[spmem:s1] =	stream.indirect.scatter.add.f32 [tilespmem:s22], [sflag:$0x3], $0x80, s29, s21, $0x2000b8;
	[tilespmem:$0x1E480] =	vst v63  }
0x57: {  	_ =	swait.ge [sflag:s19], $0x4000  }
0x58: {  	s30 =	simm.s32 $0x800;
	s29 =	simm.s32 $0x100;
	[sflag:s19] =	ssyncset.done $0x0  }
.LBB2_4:
0x59: {  	s31 =	sadd.s32 $0x80, s29  }
0x5a: {  	[sflag:s19] =	ssyncadd.s32 $0xFFFFC000;
	s0 =	smov.u32 s30;
	s4 =	sadd.s32 $0x400, s30  }
0x5b: {  	[tilespmem:s22], [sflag:$0x2] =	stream.indirect.gather [hbm4b:s3+s21], $0x80, s31, s21, $0x2000b8;
	[tilespmem:$0x1E480] =	vst v63  }
0x5c: {  	p1 =	sne.s32 s30, $0x4800;
	_ =	swait.ge [sflag:s23], $0x4000  }
0x5d: {  	[sflag:s23] =	ssyncset.done $0x0  }
0x5e: {  	s30 =	sadd.s32 $0x1400, s29;
	[sflag:s23] =	ssyncadd.s32 $0xFFFFC000  }
0x5f: {  	[spmem:s1] =	stream.indirect.scatter.add.f32 [tilespmem:s18], [sflag:$0x3], $0x80, s30, s21, $0x2000b8;
	[tilespmem:$0x1E480] =	vst v63  }
0x60: {  	_ =	swait.ge [sflag:s19], $0x4000  }
0x61: {  	[sflag:s19] =	ssyncset.done $0x0  }
0x62: {  	s30 =	sadd.s32 $0x100, s29;
	[sflag:s19] =	ssyncadd.s32 $0xFFFFC000  }
0x63: {  	[tilespmem:s18], [sflag:$0x1] =	stream.indirect.gather [hbm4b:s3+s21], $0x80, s30, s21, $0x2000b8;
	[tilespmem:$0x1E480] =	vst v63  }
0x64: {  	_ =	swait.ge [sflag:s24], $0x4000  }
.Ltmp1:
0x65: {  	[sflag:s24] =	ssyncset.done $0x0;
	(pc) =	sbr.rel @p1 .LBB2_4-.Ltmp1, $4  }
0x66: {  	s29 =	sadd.s32 $0x1480, s29;
	[sflag:s24] =	ssyncadd.s32 $0xFFFFC000  }
0x67: {  	[spmem:s1] =	stream.indirect.scatter.add.f32 [tilespmem:s22], [sflag:$0x3], $0x80, s29, s21, $0x2000b8;
	[tilespmem:$0x1E480] =	vst v63  }
0x68: {  	_ =	swait.ge [sflag:s19], $0x4000  }
0x69: {  	s30 =	smov.u32 s4;
	s29 =	sshra.s32 s0, $0x2;
	[sflag:s19] =	ssyncset.done $0x0  }
0x6a: {  	s0 =	sadd.s32 $0x80, s29;
	[sflag:s19] =	ssyncadd.s32 $0xFFFFC000  }
0x6b: {  	[tilespmem:s22], [sflag:$0x2] =	stream.indirect.gather [hbm4b:s3+s21], $0x80, s0, s21, $0x2000b8;
	[tilespmem:$0x1E480] =	vst v63  }
0x6c: {  	_ =	swait.ge [sflag:s23], $0x4000  }
0x6d: {  	[sflag:s23] =	ssyncset.done $0x0  }
0x6e: {  	s4 =	sadd.s32 $0x1400, s29;
	[sflag:s23] =	ssyncadd.s32 $0xFFFFC000  }
0x6f: {  	[spmem:s1] =	stream.indirect.scatter.add.f32 [tilespmem:s18], [sflag:$0x3], $0x80, s4, s21, $0x2000b8;
	[tilespmem:$0x1E480] =	vst v63  }
0x70: {  	_ =	swait.ge [sflag:s19], $0x4000  }
0x71: {  	[sflag:s19] =	ssyncset.done $0x0  }
0x72: {  	s31 =	sadd.s32 $0x100, s29;
	[sflag:s19] =	ssyncadd.s32 $0xFFFFC000  }
0x73: {  	[tilespmem:s18], [sflag:$0x1] =	stream.indirect.gather [hbm4b:s3+s21], $0x80, s31, s21, $0x2000b8;
	[tilespmem:$0x1E480] =	vst v63  }
0x74: {  	_ =	swait.ge [sflag:s24], $0x4000  }
0x75: {  	[sflag:s24] =	ssyncset.done $0x0  }
0x76: {  	s4 =	sadd.s32 $0x1480, s29;
	[sflag:s24] =	ssyncadd.s32 $0xFFFFC000  }
0x77: {  	[spmem:s1] =	stream.indirect.scatter.add.f32 [tilespmem:s22], [sflag:$0x3], $0x80, s4, s21, $0x2000b8;
	[tilespmem:$0x1E480] =	vst v63  }
0x78: {  	_ =	swait.ge [sflag:s19], $0x4000  }
0x79: {  	[sflag:s19] =	ssyncset.done $0x0  }
0x7a: {  	[sflag:s19] =	ssyncadd.s32 $0xFFFFC000  }
0x7b: {  	[tilespmem:s22], [sflag:$0x2] =	stream.indirect.gather [hbm4b:s3+s21], $0x80, s25, s21, $0x2000b8;
	[tilespmem:$0x1E480] =	vst v63  }
0x7c: {  	_ =	swait.ge [sflag:s23], $0x4000  }
0x7d: {  	[sflag:s23] =	ssyncset.done $0x0  }
0x7e: {  	[sflag:s23] =	ssyncadd.s32 $0xFFFFC000  }
0x7f: {  	[spmem:s1] =	stream.indirect.scatter.add.f32 [tilespmem:s18], [sflag:$0x3], $0x80, s26, s21, $0x2000b8;
	[tilespmem:$0x1E480] =	vst v63  }
0x80: {  	_ =	swait.ge [sflag:s19], $0x4000  }
0x81: {  	[sflag:s19] =	ssyncset.done $0x0  }
0x82: {  	[sflag:s19] =	ssyncadd.s32 $0xFFFFC000  }
0x83: {  	_ =	swait.ge [sflag:s24], $0x4000  }
0x84: {  	[sflag:s24] =	ssyncset.done $0x0  }
0x85: {  	[sflag:s24] =	ssyncadd.s32 $0xFFFFC000  }
0x86: {  	[spmem:s1] =	stream.indirect.scatter.add.f32 [tilespmem:s22], [sflag:$0x3], $0x80, s28, s21, $0x2000b8;
	[tilespmem:$0x1E480] =	vst v63  }
0x87: {  	_ =	swait.ge [sflag:s19], $0x4000  }
0x88: {  	[sflag:s19] =	ssyncset.done $0x0  }
0x89: {  	[sflag:s19] =	ssyncadd.s32 $0xFFFFC000  }
0x8a: {  	_ =	strace $0x9000004B  }
0x8b: {  	s31 =	simm.s32 $0x0;
	_ =	strace $0x8000004C  }
0x8c: {  	[tilespmem:s31], [sflag:$0x3] =	stream.linear.gather [hbm4b:s13+s31], $0x1400, $0x200038;
	[tilespmem:$0x1E480] =	vst v63  }
0x8d: {  	_ =	swait.ge [sflag:s19], $0x1400  }
0x8e: {  	[sflag:s19] =	ssyncset.done $0x0  }
0x8f: {  	[sflag:s19] =	ssyncadd.s32 $0xFFFFEC00  }
0x90: {  	[tilespmem:s20], [sflag:$0x3] =	stream.linear.gather [hbm4b:s14+s31], $0x1400, $0x200038;
	[tilespmem:$0x1E480] =	vst v63  }
0x91: {  	_ =	swait.ge [sflag:s19], $0x1400  }
0x92: {  	[sflag:s19] =	ssyncset.done $0x0  }
0x93: {  	[sflag:s19] =	ssyncadd.s32 $0xFFFFEC00  }
0x94: {  	[tilespmem:s18], [sflag:$0x1] =	stream.indirect.gather [hbm4b:s3+s21], $0x80, s31, s21, $0x2000b8;
	[tilespmem:$0x1E480] =	vst v63  }
0x95: {  	s4 =	simm.s32 $0x80  }
0x96: {  	[tilespmem:s22], [sflag:$0x2] =	stream.indirect.gather [hbm4b:s3+s21], $0x80, s4, s21, $0x2000b8;
	[tilespmem:$0x1E480] =	vst v63  }
0x97: {  	_ =	swait.ge [sflag:s23], $0x4000  }
0x98: {  	[sflag:s23] =	ssyncset.done $0x0  }
0x99: {  	s31 =	simm.s32 $0x1400;
	[sflag:s23] =	ssyncadd.s32 $0xFFFFC000  }
0x9a: {  	[spmem:s1] =	stream.indirect.scatter.add.f32 [tilespmem:s18], [sflag:$0x3], $0x80, s31, s21, $0x2000b8;
	[tilespmem:$0x1E480] =	vst v63  }
0x9b: {  	_ =	swait.ge [sflag:s19], $0x4000  }
0x9c: {  	[sflag:s19] =	ssyncset.done $0x0  }
0x9d: {  	s4 =	simm.s32 $0x100;
	[sflag:s19] =	ssyncadd.s32 $0xFFFFC000  }
0x9e: {  	[tilespmem:s18], [sflag:$0x1] =	stream.indirect.gather [hbm4b:s3+s21], $0x80, s4, s21, $0x2000b8;
	[tilespmem:$0x1E480] =	vst v63  }
0x9f: {  	_ =	swait.ge [sflag:s24], $0x4000  }
0xa0: {  	[sflag:s24] =	ssyncset.done $0x0  }
0xa1: {  	s31 =	simm.s32 $0x1480;
	[sflag:s24] =	ssyncadd.s32 $0xFFFFC000  }
0xa2: {  	[spmem:s1] =	stream.indirect.scatter.add.f32 [tilespmem:s22], [sflag:$0x3], $0x80, s31, s21, $0x2000b8;
	[tilespmem:$0x1E480] =	vst v63  }
0xa3: {  	_ =	swait.ge [sflag:s19], $0x4000  }
0xa4: {  	s30 =	simm.s32 $0x800;
	s29 =	simm.s32 $0x100;
	[sflag:s19] =	ssyncset.done $0x0  }
.LBB2_6:
0xa5: {  	s0 =	sadd.s32 $0x80, s29  }
0xa6: {  	[sflag:s19] =	ssyncadd.s32 $0xFFFFC000;
	s4 =	smov.u32 s30;
	s31 =	sadd.s32 $0x400, s30  }
0xa7: {  	[tilespmem:s22], [sflag:$0x2] =	stream.indirect.gather [hbm4b:s3+s21], $0x80, s0, s21, $0x2000b8;
	[tilespmem:$0x1E480] =	vst v63  }
0xa8: {  	p1 =	sne.s32 s30, $0x4800;
	_ =	swait.ge [sflag:s23], $0x4000  }
0xa9: {  	[sflag:s23] =	ssyncset.done $0x0  }
0xaa: {  	s0 =	sadd.s32 $0x1400, s29;
	[sflag:s23] =	ssyncadd.s32 $0xFFFFC000  }
0xab: {  	[spmem:s1] =	stream.indirect.scatter.add.f32 [tilespmem:s18], [sflag:$0x3], $0x80, s0, s21, $0x2000b8;
	[tilespmem:$0x1E480] =	vst v63  }
0xac: {  	_ =	swait.ge [sflag:s19], $0x4000  }
0xad: {  	[sflag:s19] =	ssyncset.done $0x0  }
0xae: {  	s0 =	sadd.s32 $0x100, s29;
	[sflag:s19] =	ssyncadd.s32 $0xFFFFC000  }
0xaf: {  	[tilespmem:s18], [sflag:$0x1] =	stream.indirect.gather [hbm4b:s3+s21], $0x80, s0, s21, $0x2000b8;
	[tilespmem:$0x1E480] =	vst v63  }
0xb0: {  	_ =	swait.ge [sflag:s24], $0x4000  }
.Ltmp2:
0xb1: {  	[sflag:s24] =	ssyncset.done $0x0;
	(pc) =	sbr.rel @p1 .LBB2_6-.Ltmp2, $4  }
0xb2: {  	s0 =	sadd.s32 $0x1480, s29;
	[sflag:s24] =	ssyncadd.s32 $0xFFFFC000  }
0xb3: {  	[spmem:s1] =	stream.indirect.scatter.add.f32 [tilespmem:s22], [sflag:$0x3], $0x80, s0, s21, $0x2000b8;
	[tilespmem:$0x1E480] =	vst v63  }
0xb4: {  	_ =	swait.ge [sflag:s19], $0x4000  }
0xb5: {  	s30 =	smov.u32 s31;
	s29 =	sshra.s32 s4, $0x2;
	[sflag:s19] =	ssyncset.done $0x0  }
0xb6: {  	s0 =	sadd.s32 $0x80, s29;
	[sflag:s19] =	ssyncadd.s32 $0xFFFFC000  }
0xb7: {  	[tilespmem:s22], [sflag:$0x2] =	stream.indirect.gather [hbm4b:s3+s21], $0x80, s0, s21, $0x2000b8;
	[tilespmem:$0x1E480] =	vst v63  }
0xb8: {  	_ =	swait.ge [sflag:s23], $0x4000  }
0xb9: {  	[sflag:s23] =	ssyncset.done $0x0  }
0xba: {  	s31 =	sadd.s32 $0x1400, s29;
	[sflag:s23] =	ssyncadd.s32 $0xFFFFC000  }
0xbb: {  	[spmem:s1] =	stream.indirect.scatter.add.f32 [tilespmem:s18], [sflag:$0x3], $0x80, s31, s21, $0x2000b8;
	[tilespmem:$0x1E480] =	vst v63  }
0xbc: {  	_ =	swait.ge [sflag:s19], $0x4000  }
0xbd: {  	[sflag:s19] =	ssyncset.done $0x0  }
0xbe: {  	s4 =	sadd.s32 $0x100, s29;
	[sflag:s19] =	ssyncadd.s32 $0xFFFFC000  }
0xbf: {  	[tilespmem:s18], [sflag:$0x1] =	stream.indirect.gather [hbm4b:s3+s21], $0x80, s4, s21, $0x2000b8;
	[tilespmem:$0x1E480] =	vst v63  }
0xc0: {  	_ =	swait.ge [sflag:s24], $0x4000  }
0xc1: {  	[sflag:s24] =	ssyncset.done $0x0  }
0xc2: {  	s30 =	sadd.s32 $0x1480, s29;
	[sflag:s24] =	ssyncadd.s32 $0xFFFFC000  }
0xc3: {  	[spmem:s1] =	stream.indirect.scatter.add.f32 [tilespmem:s22], [sflag:$0x3], $0x80, s30, s21, $0x2000b8;
	[tilespmem:$0x1E480] =	vst v63  }
0xc4: {  	_ =	swait.ge [sflag:s19], $0x4000  }
0xc5: {  	[sflag:s19] =	ssyncset.done $0x0  }
0xc6: {  	[sflag:s19] =	ssyncadd.s32 $0xFFFFC000  }
0xc7: {  	[tilespmem:s22], [sflag:$0x2] =	stream.indirect.gather [hbm4b:s3+s21], $0x80, s25, s21, $0x2000b8;
	[tilespmem:$0x1E480] =	vst v63  }
0xc8: {  	_ =	swait.ge [sflag:s23], $0x4000  }
0xc9: {  	[sflag:s23] =	ssyncset.done $0x0  }
0xca: {  	[sflag:s23] =	ssyncadd.s32 $0xFFFFC000  }
0xcb: {  	[spmem:s1] =	stream.indirect.scatter.add.f32 [tilespmem:s18], [sflag:$0x3], $0x80, s26, s21, $0x2000b8;
	[tilespmem:$0x1E480] =	vst v63  }
0xcc: {  	_ =	swait.ge [sflag:s19], $0x4000  }
0xcd: {  	[sflag:s19] =	ssyncset.done $0x0  }
0xce: {  	[sflag:s19] =	ssyncadd.s32 $0xFFFFC000  }
0xcf: {  	_ =	swait.ge [sflag:s24], $0x4000  }
0xd0: {  	[sflag:s24] =	ssyncset.done $0x0  }
0xd1: {  	[sflag:s24] =	ssyncadd.s32 $0xFFFFC000  }
0xd2: {  	[spmem:s1] =	stream.indirect.scatter.add.f32 [tilespmem:s22], [sflag:$0x3], $0x80, s28, s21, $0x2000b8;
	[tilespmem:$0x1E480] =	vst v63  }
0xd3: {  	_ =	swait.ge [sflag:s19], $0x4000  }
0xd4: {  	[sflag:s19] =	ssyncset.done $0x0  }
0xd5: {  	[sflag:s19] =	ssyncadd.s32 $0xFFFFC000  }
0xd6: {  	s31 =	stileid.u32;
	_ =	strace $0x9000004C  }
0xd7: {  	s0 =	sshll.u32 s31, $0x6;
	[bflag:$0x0] =	sbarrier.arrive $0xFFFF  }
0xd8: {  	s0 =	sor.u32 $0x1C03, s0;
	s4 =	sshrl.u32 s5, $0x3;
	_ =	strace $0x8000004D  }
0xd9: {  	[hbm:s15], [sflag:s0] =	dma.local [spmem:s4], $0x2700  }
0xda: {  	_ =	swait.ge [sflag:s19], $0x2700  }
0xdb: {  	s2 =	sadd.s32 $0x1, s2;
	[sflag:s19] =	ssyncset.done $0x0  }
0xdc: {  	p1 =	sne.s32 s2, s17;
	s4 =	sshrl.u32 @!p0 s10, $0x3;
	[sflag:s19] =	ssyncadd.s32 $0xFFFFD900  }
0xdd: {  	[hbm:s16], [sflag:s0] =	dma.local @!p0 [spmem:s4], $0x100  }
.Ltmp3:
0xde: {  	s0 =	simm.s32 @!p0 $0x3;
	(pc) =	sbr.rel @p1 .LBB2_1-.Ltmp3, $4  }
0xdf: {  	_ =	swait.ge @!p0 [sflag:s0], $0x100  }
0xe0: {  	[sflag:s0] =	ssyncset.done @!p0 $0x0  }
0xe1: {  	[sflag:s0] =	ssyncadd.s32 @!p0 $0xFFFFFF00  }
0xe2: {  	_ =	strace $0x9000004D  }
0xe3: {  	_ =	sfence.sel $0x180000  }
0xe4: {  	[bflag:$0x0] =	sbarrier.arrive $0xFFFF  }
0xe5: {  	_ =	strace $0x9000004A  }
0xe6: {  	[bflag:$0x2] =	sbarrier.arrive $0xFFFF  }
0xe7: {  	s0 =	rddreg [dreg:$0x3]  }
0xe8: {  	s0 =	sadd.s32 @!p0 $0x100000, s0  }
0xe9: {  	[sflag:s0] =	ssyncadd.tile.s32 @!p0 $0x1;
	_ =	shalt  }
.Lfunc_end2:
_tile_overlayer_lowered:
.L_overlay_start_2:
0xea: {  	(tag) =	ssettag $0x2  }
0xeb: {  	s0 =	rddreg [dreg:$0x0];
	s2 =	stileid.u32  }
0xec: {  	s1 =	rddreg [dreg:$0x1];
	p0 =	sne.s32 s2, $0x0  }
0xed: {  	s3 =	rddreg [dreg:$0x2];
	[bflag:$0x3] =	sbarrier.arrive $0xFFFF;
	s2 =	simm.s32 @!p0 $0x1C03  }
0xee: {  	[timem:s3], [sflag:s2] =	dma.local @!p0 [hbm:s0], s1  }
0xef: {  	s0 =	simm.s32 @!p0 $0x3  }
0xf0: {  	_ =	swait.ge @!p0 [sflag:s0], s1  }
0xf1: {  	s1 =	ssub.s32 @!p0 $0x0, s1;
	[sflag:s0] =	ssyncset.done @!p0 $0x0  }
0xf2: {  	[sflag:s0] =	ssyncadd.s32 @!p0 s1  }
0xf3: {  	[bflag:$0x3] =	sbarrier.arrive $0xFFFF  }
0xf4: {  	_ =	shalt  }

// kernel: kernel.14.cloned.1.call-start
scs
__scs_entry_jumppad:
0x0: {  	(pc) =	sbr.rel $0x88, $3  }
0x1: {  	(tag) =	ssettag $0x0;
	lr =	simm.s32 $0x1  }
0x2: {  	[smem:$0x3F99] =	sst lr;
	_ =	strace $0xD0000000  }
0x3: {  	_ = 	snop  }
0x4: {  	_ = 	snop  }
0x5: {  	_ = 	snop  }
0x6: {  	_ = 	snop  }
0x7: {  	_ = 	snop  }
__scs_overlays_trampoline_lowered:
0x8: {  	[smem:$0x3FA8] =	sst s0  }
0x9: {  	[smem:$0x3FA9] =	sst s1  }
0xa: {  	[smem:$0x3FAA] =	sst s2  }
0xb: {  	[smem:$0x3FAB] =	sst s3  }
0xc: {  	[smem:$0x3FAC] =	sst s4  }
0xd: {  	[smem:$0x3FAD] =	sst s5  }
0xe: {  	[smem:$0x3FAE] =	sst s6  }
0xf: {  	[smem:$0x3FAF] =	sst s7  }
0x10: {  	[smem:$0x3FB0] =	sst s8  }
0x11: {  	[smem:$0x3FB1] =	sst s9;
	s0 =	simm.s32 @!p0 $0x0  }
0x12: {  	s1 =	sld [smem:$0x3F97];
	s0 =	simm.s32 @p0 $0x1  }
0x13: {  	[smem:$0x3FB2] =	sst s0;
	s0 =	simm.s32 @!p1 $0x0  }
0x14: {  	s2 =	sld [smem:$0x3F96];
	s0 =	simm.s32 @p1 $0x1  }
0x15: {  	[smem:$0x3FB3] =	sst s0;
	s0 =	simm.s32 @!p2 $0x0  }
0x16: {  	s3 =	sld [smem:$0x3FDB];
	s0 =	simm.s32 @p2 $0x1  }
0x17: {  	s4 =	simm.s32 $0x1BF5;
	[smem:$0x3FB5] =	sst s0  }
0x18: {  	s0 =	sld [smem:$0x3F98];
	_ =	swait.ge [sflag:s4], $0x0  }
0x19: {  	s7 =	sld [smem:$0x3F99]  }
0x1a: {  	s8 =	sadd.s32 $0xFFFFE003, lr  }
0x1b: {  	s9 =	sadd.s32 $0xFFFFFEF7, lr;
	s5 =	simm.s32 $0xFFFFFFFF;
	p2 =	slt.u32 s8, $0xFFFFF086  }
0x1c: {  	p1 =	slt.u32 s9, $0xF7A;
	s5 =	simm.s32 @!p2 $0x0  }
0x1d: {  	s5 =	simm.s32 @p1 $0x1;
	p0 =	seq.s32 s7, s2  }
0x1e: {  	s7 =	smul.u32 @!p0 $0xF7A, s2;
	p2 =	seq.s32 @!p0 s5, $0x0  }
0x1f: {  	s9 =	smul.u32 $0xF7A, s1;
	s8 =	simm.s32 @!p0 $0x1BF5;
	p2 =	por !p2, p0  }
0x20: {  	[sflag:s8] =	ssyncset.s32 @!p0 $0xFFFFF086;
	s6 =	sadd.s32 @!p0 s3, s7;
	s7 =	simm.s32 @!p0 $0x108  }
0x21: {  	s3 =	sadd.s32 s3, s9;
	s6 =	sadd.s32 @!p0 $0x88, s6;
	s7 =	simm.s32 @p2 $0x1082  }
0x22: {  	[simem:s7], [sflag:s8] =	dma.local @!p0 [hbm:s6], $0xF7A  }
0x23: {  	s9 =	sor.u32 $0xD0000000, s2;
	s6 =	simm.s32 $0x108;
	_ =	swait.ge @!p0 [sflag:s8], $0x0  }
0x24: {  	s3 =	sadd.s32 $0x88, s3;
	s6 =	simm.s32 @!p1 $0x1082;
	[sflag:s4] =	ssyncset.s32 $0xFFFFF086  }
0x25: {  	[simem:s6], [sflag:s4] =	dma.local [hbm:s3], $0xF7A  }
0x26: {  	[smem:$0x3F99] =	sst s1;
	(tag) =	ssettag s2;
	_ =	strace s9  }
0x27: {  	s1 =	sld [smem:$0x3FA9]  }
0x28: {  	s2 =	sld [smem:$0x3FAA]  }
0x29: {  	s4 =	sld [smem:$0x3FAC]  }
0x2a: {  	p0 =	seq.s32 s5, $0x0;
	s5 =	sld [smem:$0x3FAD]  }
0x2b: {  	s6 =	sld [smem:$0x3FAE]  }
0x2c: {  	s7 =	sld [smem:$0x3FAF]  }
0x2d: {  	s3 =	simm.s32 $0x108;
	s8 =	sld [smem:$0x3FB0]  }
0x2e: {  	s3 =	simm.s32 @!p0 $0x1082;
	s9 =	sld [smem:$0x3FB1]  }
0x2f: {  	lr =	sadd.s32 s0, s3;
	s0 =	sld [smem:$0x3FA8]  }
0x30: {  	s3 =	sld [smem:$0x3FAB]  }
0x31: {  	[smem:$0x3FB4] =	sst s10  }
0x32: {  	s10 =	sld [smem:$0x3FB2];
	_ =	sdelay $0x3  }
0x33: {  	p0 =	seq.s32 s10, $0x1;
	s10 =	sld [smem:$0x3FB4];
	_ =	sdelay $0x3  }
0x34: {  	[smem:$0x3FB4] =	sst s10  }
0x35: {  	s10 =	sld [smem:$0x3FB3];
	_ =	sdelay $0x3  }
0x36: {  	p1 =	seq.s32 s10, $0x1;
	s10 =	sld [smem:$0x3FB4];
	_ =	sdelay $0x3  }
0x37: {  	[smem:$0x3FB4] =	sst s10  }
0x38: {  	s10 =	sld [smem:$0x3FB5]  }
0x39: {  	_ = 	snop;
	(pc) =	sbr.ind lr, $3  }
0x3a: {  	_ = 	snop  }
0x3b: {  	_ = 	snop  }
0x3c: {  	p2 =	seq.s32 s10, $0x1;
	s10 =	sld [smem:$0x3FB4]  }
0x3d: {  	_ =	shalt  }
0x3e: {  	_ =	shalt  }
0x3f: {  	_ =	shalt  }
0x40: {  	_ =	shalt  }
0x41: {  	_ =	shalt  }
0x42: {  	_ =	shalt  }
0x43: {  	_ =	shalt  }
0x44: {  	_ =	shalt  }
0x45: {  	_ =	shalt  }
0x46: {  	_ =	shalt  }
0x47: {  	_ =	shalt  }
0x48: {  	_ =	shalt  }
0x49: {  	_ =	shalt  }
0x4a: {  	_ =	shalt  }
0x4b: {  	_ =	shalt  }
0x4c: {  	_ =	shalt  }
0x4d: {  	_ =	shalt  }
0x4e: {  	_ =	shalt  }
0x4f: {  	_ =	shalt  }
0x50: {  	_ =	shalt  }
0x51: {  	_ =	shalt  }
0x52: {  	_ =	shalt  }
0x53: {  	_ =	shalt  }
0x54: {  	_ =	shalt  }
0x55: {  	_ =	shalt  }
0x56: {  	_ =	shalt  }
0x57: {  	_ =	shalt  }
0x58: {  	_ =	shalt  }
0x59: {  	_ =	shalt  }
0x5a: {  	_ =	shalt  }
0x5b: {  	_ =	shalt  }
0x5c: {  	_ =	shalt  }
0x5d: {  	_ =	shalt  }
0x5e: {  	_ =	shalt  }
0x5f: {  	_ =	shalt  }
0x60: {  	_ =	shalt  }
0x61: {  	_ =	shalt  }
0x62: {  	_ =	shalt  }
0x63: {  	_ =	shalt  }
0x64: {  	_ =	shalt  }
0x65: {  	_ =	shalt  }
0x66: {  	_ =	shalt  }
0x67: {  	_ =	shalt  }
0x68: {  	_ =	shalt  }
0x69: {  	_ =	shalt  }
0x6a: {  	_ =	shalt  }
0x6b: {  	_ =	shalt  }
0x6c: {  	_ =	shalt  }
0x6d: {  	_ =	shalt  }
0x6e: {  	_ =	shalt  }
0x6f: {  	_ =	shalt  }
0x70: {  	_ =	shalt  }
0x71: {  	_ =	shalt  }
0x72: {  	_ =	shalt  }
0x73: {  	_ =	shalt  }
0x74: {  	_ =	shalt  }
0x75: {  	_ =	shalt  }
0x76: {  	_ =	shalt  }
0x77: {  	_ =	shalt  }
0x78: {  	_ =	shalt  }
0x79: {  	_ =	shalt  }
0x7a: {  	_ =	shalt  }
0x7b: {  	_ =	shalt  }
0x7c: {  	_ =	shalt  }
0x7d: {  	_ =	shalt  }
0x7e: {  	_ =	shalt  }
0x7f: {  	_ =	shalt  }
0x80: {  	_ =	shalt  }
0x81: {  	_ =	shalt  }
0x82: {  	_ =	shalt  }
0x83: {  	_ =	shalt  }
0x84: {  	_ =	shalt  }
0x85: {  	_ =	shalt  }
0x86: {  	_ =	shalt  }
0x87: {  	_ =	shalt  }
.Lfunc_end0:
.L_simem_size_0:
called_computation.2_lowered:
.L_overlay_start_0:
0x88: {  	s2 =	sld [smem:$0x3FD9]  }
0x89: {  	s3 =	sld [smem:$0x3FFE];
	_ =	sdelay $0x1  }
0x8a: {  	s1 =	srdreg.scid  }
0x8b: {  	s0 =	sand.u32 $0x1, s1  }
0x8c: {  	s17 =	sshll.u32 s0, $0xA;
	s2 =	sadd.s32 s3, s2  }
0x8d: {  	s2 =	sadd.s32 s2, s17  }
0x8e: {  	[smem:$0x3FC0] =	sst s2  }
0x8f: {  	_ = 	snop  }
0x90: {  	s2 =	sld [smem:$0x3FD0];
	(tm) =	ssettm $0x1  }
0x91: {  	s18 =	sld [smem:$0x3FFB];
	_ =	sdelay $0x3  }
0x92: {  	_ =	strace s18  }
0x93: {  	s3 =	sld [smem:$0x3FFC];
	_ =	sdelay $0x3  }
0x94: {  	_ =	strace s3  }
0x95: {  	s3 =	sld [smem:$0x3FFD];
	_ =	sdelay $0x3  }
0x96: {  	_ =	strace s3  }
0x97: {  	_ =	strace $0x8FFFFFFF  }
0x98: {  	s19 =	sld [smem:$0x3FDB];
	_ =	sdelay $0x1  }
0x99: {  	s4 =	simm.s32 $_scs_section_size  }
0x9a: {  	s5 =	simm.s32 $_size__tile_overlayer_lowered;
	s6 =	simm.s32 $_tile_overlayer_lowered  }
0x9b: {  	s22 =	simm.s32 $0x1BFF;
	s21 =	sshll.u32 s6, $0x1;
	s3 =	sadd.s32 s4, s19  }
0x9c: {  	s7 =	simm.s32 $0x0;
	s20 =	sshll.u32 s5, $0x1;
	s5 =	sadd.s32 s21, s3  }
0x9d: {  	[timem:s7], [sflag:s22] =	dma.local [hbm:s5], s20  }
0x9e: {  	_ =	swait.ge [sflag:s22], s20  }
0x9f: {  	s4 =	ssub.s32 $0x0, s20;
	[sflag:s22] =	ssyncset.done $0x0  }
0xa0: {  	[sflag:s22] =	ssyncadd.s32 s4;
	_ =	sdelay $0x1  }
0xa1: {  	s23 =	simm.s32 $0x1B8B  }
0xa2: {  	_ =	swait.ge [sflag:s23], $0x1  }
0xa3: {  	[sflag:s23] =	ssyncset.done $0x0  }
0xa4: {  	s25 =	simm.s32 $0x1B8E;
	s24 =	sld [smem:$0x3FFE];
	[sflag:s23] =	ssyncadd.s32 $0xFFFFFFFF  }
0xa5: {  	s26 =	simm.s32 $execute0_lowered;
	[smem:$0x3FD2] =	sst s25  }
0xa6: {  	s5 =	sshll.u32 s26, $0x1;
	_ =	strace $0x8000004F;
	[dreg:$0x1] =	wrdreg $0xFFFFFFFF  }
0xa7: {  	s28 =	simm.s32 $_size_execute0_lowered;
	s3 =	sadd.s32 s3, s5;
	[dreg:$0x0] =	wrdreg $0x0  }
0xa8: {  	s5 =	sshll.u32 s28, $0x1;
	[dreg:$0x2] =	wrdreg s3  }
0xa9: {  	[dreg:$0x3] =	wrdreg s5  }
0xaa: {  	[dreg:$0x4] =	wrdreg $0xC0  }
0xab: {  	_ =	task [dreg:s7], $0x5FFFF  }
0xac: {  	[dreg:$0x1] =	wrdreg $0xFFFFFFFF  }
0xad: {  	[dreg:$0x0] =	wrdreg $0x60  }
0xae: {  	[dreg:$0x2] =	wrdreg s24  }
0xaf: {  	[dreg:$0x3] =	wrdreg s2  }
0xb0: {  	[dreg:$0x4] =	wrdreg $0xA8000  }
0xb1: {  	[dreg:$0x5] =	wrdreg $0x9  }
0xb2: {  	_ =	task.clear_ibuf [dreg:s7], $0x6FFFF;
	_ =	strace $0x9000004F  }
0xb3: {  	s29 =	simm.s32 $0x9;
	_ =	strace $0x80000054  }
0xb4: {  	_ =	swait.ge [sflag:s29], $0x1  }
0xb5: {  	[sflag:s29] =	ssyncadd.s32 $0xFFFFFFFF  }
0xb6: {  	_ =	strace $0x90000054  }
0xb7: {  	_ =	sfence  }
0xb8: {  	s30 =	sld [smem:$0x0];
	_ =	sdelay $0x2  }
0xb9: {  	s31 =	sshll.u32 s1, $0xD;
	s1 =	sshrl.u32 s1, $0x2  }
0xba: {  	s3 =	sand.u32 $0x4000, s31;
	s1 =	sadd.s32 s1, s30  }
0xbb: {  	s0 =	sor.u32 s3, s0;
	s1 =	sshll.u32 s1, $0x11  }
0xbc: {  	s0 =	sor.u32 s1, s0  }
0xbd: {  	s0 =	sadd.s32 $0x8F2B, s0  }
0xbe: {  	[sflag:s0] =	ssyncadd.remote.s32 $0x1  }
0xbf: {  	_ =	sfence.sel $0xFFFF  }
0xc0: {  	[dreg:$0x0] =	wrdreg $0xFFFFFFFF;
	(pc) =	sbr.abs _section_cstart, $3  }
0xc1: {  	[dreg:$0x1] =	wrdreg $0xFFFFFFFF  }
0xc2: {  	_ =	task.clear_ibuf [dreg:s7], $0x2FFFF;
	_ =	strace $0x9FFFFFFF  }
0xc3: {  	(tm) =	ssettm $0x7FFFFFFF  }
tec
execute0_lowered:
.L_overlay_start_1:
0x0: {  	(tag) =	ssettag $0x1  }
0x1: {  	s5 =	rddreg [dreg:$0x0]  }
0x2: {  	s14 =	rddreg [dreg:$0x1]  }
0x3: {  	s1 =	rddreg [dreg:$0x2];
	s2 =	simm.s32 $0x0;
	s0 =	stileid.u32  }
0x4: {  	s6 =	srdreg.scid;
	s20 =	simm.s32 $0x1400;
	s21 =	simm.s32 $0x80  }
0x5: {  	s22 =	simm.s32 $0x6800;
	s23 =	simm.s32 $0x1;
	s24 =	simm.s32 $0x2  }
0x6: {  	s25 =	simm.s32 $0x1380;
	s26 =	simm.s32 $0x2700;
	s28 =	simm.s32 $0x2780  }
0x7: {  	[smem:$0x7FF] =	sst s2;
	s3 =	sadd.s32 $0xCA00, s5;
	s13 =	sadd.s32 $0x2A00, s5  }
0x8: {  	s7 =	smul.u32 $0x4E000, s0;
	s15 =	sadd.s32 $0x34400, s5;
	s9 =	sand.u32 $0x1, s6  }
0x9: {  	s29 =	sshll.u32 s0, $0x1;
	s10 =	sadd.s32 $0x138000, s1;
	s19 =	smul.u32 $0x13800, s0  }
0xa: {  	p0 =	sne.s32 s0, $0x0;
	s8 =	sor.u32 s9, s29;
	s18 =	smul.u32 $0x138800, s9  }
0xb: {  	_ =	strace $0x80000050;
	s6 =	ssub.s32 $0x2, s9;
	s12 =	smul.u32 $0x500, s8  }
0xc: {  	s30 =	sshrl.u32 s7, $0x2;
	s31 =	sshrl.u32 s6, $0x1;
	s16 =	smul.u32 $0x2800, s8  }
0xd: {  	s5 =	sadd.s32 s30, s1;
	s17 =	ssub.s32 s6, s31;
	s19 =	sadd.s32 s19, s18  }
0xe: {  	s18 =	sshrl.u32 s18, $0x3;
	s6 =	sadd.s32 $0x4000, s5;
	s7 =	sadd.s32 $0x8000, s5  }
0xf: {  	s8 =	sadd.s32 $0xC000, s5;
	s9 =	sadd.s32 $0x10000, s5;
	s11 =	sadd.s32 s13, s12  }
0x10: {  	s12 =	sadd.s32 s14, s12;
	s16 =	sshrl.u32 s16, $0x3;
	s19 =	sshrl.u32 s19, $0x3  }
0x11: {  	s18 =	sadd.s32 s15, s18;
	s17 =	smax.u32 s17, $0x1;
	s16 =	sadd.s32 $0x280, s16  }
0x12: {  	s15 =	sadd.s32 s15, s19;
	s19 =	simm.s32 $0x3;
	s13 =	sadd.s32 s13, s16  }
0x13: {  	v0 =	vimm.f32 $0.0e+00;
	s14 =	sadd.s32 s14, s16;
	s16 =	sadd.s32 $0x27000, s18;
	s18 =	simm.s32 $0x2800  }
.LBB2_1:
0x14: {  	s29 =	simm.s32 $0x0;
	s30 =	simm.s32 $0x200  }
.LBB2_2:
0x15: {  	p1 =	sne.s32 s30, $0xFE00;
	[tilespmem:s29+$0x2870] =	vst v0  }
0x16: {  	[tilespmem:s29+$0x2800] =	vst v0  }
0x17: {  	[tilespmem:s29+$0x2810] =	vst v0  }
.Ltmp0:
0x18: {  	[tilespmem:s29+$0x2820] =	vst v0;
	(pc) =	sbr.rel @p1 .LBB2_2-.Ltmp0, $4  }
0x19: {  	[tilespmem:s29+$0x2830] =	vst v0  }
0x1a: {  	[tilespmem:s29+$0x2840] =	vst v0  }
0x1b: {  	[tilespmem:s29+$0x2850] =	vst v0  }
0x1c: {  	[tilespmem:s29+$0x2860] =	vst v0;
	s29 =	sshra.s32 s30, $0x2;
	s30 =	sadd.s32 $0x200, s30  }
0x1d: {  	[tilespmem:s29+$0x2870] =	vst v0  }
0x1e: {  	[tilespmem:s29+$0x2800] =	vst v0  }
0x1f: {  	[tilespmem:s29+$0x2810] =	vst v0  }
0x20: {  	[tilespmem:s29+$0x2820] =	vst v0  }
0x21: {  	[tilespmem:s29+$0x2830] =	vst v0  }
0x22: {  	[tilespmem:s29+$0x2840] =	vst v0  }
0x23: {  	[tilespmem:s29+$0x2850] =	vst v0  }
0x24: {  	[tilespmem:s29+$0x2860] =	vst v0  }
0x25: {  	[spmem:s5] =	stream.linear.scatter [tilespmem:s18], [sflag:$0x3], $0x4000, $0x38;
	[tilespmem:$0x1E480] =	vst v63  }
0x26: {  	_ =	swait.ge [sflag:s19], $0x4000  }
0x27: {  	[sflag:s19] =	ssyncset.done $0x0  }
0x28: {  	[sflag:s19] =	ssyncadd.s32 $0xFFFFC000  }
0x29: {  	[spmem:s6] =	stream.linear.scatter [tilespmem:s18], [sflag:$0x3], $0x4000, $0x38;
	[tilespmem:$0x1E480] =	vst v63  }
0x2a: {  	_ =	swait.ge [sflag:s19], $0x4000  }
0x2b: {  	[sflag:s19] =	ssyncset.done $0x0  }
0x2c: {  	[sflag:s19] =	ssyncadd.s32 $0xFFFFC000  }
0x2d: {  	[spmem:s7] =	stream.linear.scatter [tilespmem:s18], [sflag:$0x3], $0x4000, $0x38;
	[tilespmem:$0x1E480] =	vst v63  }
0x2e: {  	_ =	swait.ge [sflag:s19], $0x4000  }
0x2f: {  	[sflag:s19] =	ssyncset.done $0x0  }
0x30: {  	[sflag:s19] =	ssyncadd.s32 $0xFFFFC000  }
0x31: {  	[spmem:s8] =	stream.linear.scatter [tilespmem:s18], [sflag:$0x3], $0x4000, $0x38;
	[tilespmem:$0x1E480] =	vst v63  }
0x32: {  	_ =	swait.ge [sflag:s19], $0x4000  }
0x33: {  	[sflag:s19] =	ssyncset.done $0x0  }
0x34: {  	[sflag:s19] =	ssyncadd.s32 $0xFFFFC000  }
0x35: {  	[spmem:s9] =	stream.linear.scatter [tilespmem:s18], [sflag:$0x3], $0x3800, $0x38;
	[tilespmem:$0x1E480] =	vst v63  }
0x36: {  	_ =	swait.ge [sflag:s19], $0x3800  }
0x37: {  	[sflag:s19] =	ssyncset.done $0x0  }
0x38: {  	s29 =	simm.s32 @!p0 $0x2800;
	[sflag:s19] =	ssyncadd.s32 $0xFFFFC800  }
0x39: {  	[spmem:s10] =	stream.linear.scatter @!p0 [tilespmem:s29], [sflag:$0x3], $0x800, $0x38;
	[tilespmem:$0x1E480] =	vst v63  }
0x3a: {  	s29 =	simm.s32 @!p0 $0x3  }
0x3b: {  	_ =	swait.ge @!p0 [sflag:s29], $0x800  }
0x3c: {  	[sflag:s29] =	ssyncset.done @!p0 $0x0  }
0x3d: {  	[sflag:s29] =	ssyncadd.s32 @!p0 $0xFFFFF800  }
0x3e: {  	[bflag:$0x0] =	sbarrier.arrive $0xFFFF  }
0x3f: {  	s29 =	simm.s32 $0x0;
	_ =	strace $0x80000051  }
0x40: {  	[tilespmem:s29], [sflag:$0x3] =	stream.linear.gather [hbm4b:s11+s29], $0x1400, $0x200038;
	[tilespmem:$0x1E480] =	vst v63  }
0x41: {  	_ =	swait.ge [sflag:s19], $0x1400  }
0x42: {  	[sflag:s19] =	ssyncset.done $0x0  }
0x43: {  	[sflag:s19] =	ssyncadd.s32 $0xFFFFEC00  }
0x44: {  	[tilespmem:s20], [sflag:$0x3] =	stream.linear.gather [hbm4b:s12+s29], $0x1400, $0x200038;
	[tilespmem:$0x1E480] =	vst v63  }
0x45: {  	_ =	swait.ge [sflag:s19], $0x1400  }
0x46: {  	[sflag:s19] =	ssyncset.done $0x0  }
0x47: {  	[sflag:s19] =	ssyncadd.s32 $0xFFFFEC00  }
0x48: {  	[tilespmem:s18], [sflag:$0x1] =	stream.indirect.gather [hbm4b:s3+s21], $0x80, s29, s21, $0x2000b8;
	[tilespmem:$0x1E480] =	vst v63  }
0x49: {  	s29 =	simm.s32 $0x80  }
0x4a: {  	[tilespmem:s22], [sflag:$0x2] =	stream.indirect.gather [hbm4b:s3+s21], $0x80, s29, s21, $0x2000b8;
	[tilespmem:$0x1E480] =	vst v63  }
0x4b: {  	_ =	swait.ge [sflag:s23], $0x4000  }
0x4c: {  	[sflag:s23] =	ssyncset.done $0x0  }
0x4d: {  	s29 =	simm.s32 $0x1400;
	[sflag:s23] =	ssyncadd.s32 $0xFFFFC000  }
0x4e: {  	[spmem:s1] =	stream.indirect.scatter.add.f32 [tilespmem:s18], [sflag:$0x3], $0x80, s29, s21, $0x2000b8;
	[tilespmem:$0x1E480] =	vst v63  }
0x4f: {  	_ =	swait.ge [sflag:s19], $0x4000  }
0x50: {  	[sflag:s19] =	ssyncset.done $0x0  }
0x51: {  	s29 =	simm.s32 $0x100;
	[sflag:s19] =	ssyncadd.s32 $0xFFFFC000  }
0x52: {  	[tilespmem:s18], [sflag:$0x1] =	stream.indirect.gather [hbm4b:s3+s21], $0x80, s29, s21, $0x2000b8;
	[tilespmem:$0x1E480] =	vst v63  }
0x53: {  	_ =	swait.ge [sflag:s24], $0x4000  }
0x54: {  	[sflag:s24] =	ssyncset.done $0x0  }
0x55: {  	s29 =	simm.s32 $0x1480;
	[sflag:s24] =	ssyncadd.s32 $0xFFFFC000  }
0x56: {  	[spmem:s1] =	stream.indirect.scatter.add.f32 [tilespmem:s22], [sflag:$0x3], $0x80, s29, s21, $0x2000b8;
	[tilespmem:$0x1E480] =	vst v63  }
0x57: {  	_ =	swait.ge [sflag:s19], $0x4000  }
0x58: {  	s30 =	simm.s32 $0x800;
	s29 =	simm.s32 $0x100;
	[sflag:s19] =	ssyncset.done $0x0  }
.LBB2_4:
0x59: {  	s31 =	sadd.s32 $0x80, s29  }
0x5a: {  	[sflag:s19] =	ssyncadd.s32 $0xFFFFC000;
	s0 =	smov.u32 s30;
	s4 =	sadd.s32 $0x400, s30  }
0x5b: {  	[tilespmem:s22], [sflag:$0x2] =	stream.indirect.gather [hbm4b:s3+s21], $0x80, s31, s21, $0x2000b8;
	[tilespmem:$0x1E480] =	vst v63  }
0x5c: {  	p1 =	sne.s32 s30, $0x4800;
	_ =	swait.ge [sflag:s23], $0x4000  }
0x5d: {  	[sflag:s23] =	ssyncset.done $0x0  }
0x5e: {  	s30 =	sadd.s32 $0x1400, s29;
	[sflag:s23] =	ssyncadd.s32 $0xFFFFC000  }
0x5f: {  	[spmem:s1] =	stream.indirect.scatter.add.f32 [tilespmem:s18], [sflag:$0x3], $0x80, s30, s21, $0x2000b8;
	[tilespmem:$0x1E480] =	vst v63  }
0x60: {  	_ =	swait.ge [sflag:s19], $0x4000  }
0x61: {  	[sflag:s19] =	ssyncset.done $0x0  }
0x62: {  	s30 =	sadd.s32 $0x100, s29;
	[sflag:s19] =	ssyncadd.s32 $0xFFFFC000  }
0x63: {  	[tilespmem:s18], [sflag:$0x1] =	stream.indirect.gather [hbm4b:s3+s21], $0x80, s30, s21, $0x2000b8;
	[tilespmem:$0x1E480] =	vst v63  }
0x64: {  	_ =	swait.ge [sflag:s24], $0x4000  }
.Ltmp1:
0x65: {  	[sflag:s24] =	ssyncset.done $0x0;
	(pc) =	sbr.rel @p1 .LBB2_4-.Ltmp1, $4  }
0x66: {  	s29 =	sadd.s32 $0x1480, s29;
	[sflag:s24] =	ssyncadd.s32 $0xFFFFC000  }
0x67: {  	[spmem:s1] =	stream.indirect.scatter.add.f32 [tilespmem:s22], [sflag:$0x3], $0x80, s29, s21, $0x2000b8;
	[tilespmem:$0x1E480] =	vst v63  }
0x68: {  	_ =	swait.ge [sflag:s19], $0x4000  }
0x69: {  	s30 =	smov.u32 s4;
	s29 =	sshra.s32 s0, $0x2;
	[sflag:s19] =	ssyncset.done $0x0  }
0x6a: {  	s0 =	sadd.s32 $0x80, s29;
	[sflag:s19] =	ssyncadd.s32 $0xFFFFC000  }
0x6b: {  	[tilespmem:s22], [sflag:$0x2] =	stream.indirect.gather [hbm4b:s3+s21], $0x80, s0, s21, $0x2000b8;
	[tilespmem:$0x1E480] =	vst v63  }
0x6c: {  	_ =	swait.ge [sflag:s23], $0x4000  }
0x6d: {  	[sflag:s23] =	ssyncset.done $0x0  }
0x6e: {  	s4 =	sadd.s32 $0x1400, s29;
	[sflag:s23] =	ssyncadd.s32 $0xFFFFC000  }
0x6f: {  	[spmem:s1] =	stream.indirect.scatter.add.f32 [tilespmem:s18], [sflag:$0x3], $0x80, s4, s21, $0x2000b8;
	[tilespmem:$0x1E480] =	vst v63  }
0x70: {  	_ =	swait.ge [sflag:s19], $0x4000  }
0x71: {  	[sflag:s19] =	ssyncset.done $0x0  }
0x72: {  	s31 =	sadd.s32 $0x100, s29;
	[sflag:s19] =	ssyncadd.s32 $0xFFFFC000  }
0x73: {  	[tilespmem:s18], [sflag:$0x1] =	stream.indirect.gather [hbm4b:s3+s21], $0x80, s31, s21, $0x2000b8;
	[tilespmem:$0x1E480] =	vst v63  }
0x74: {  	_ =	swait.ge [sflag:s24], $0x4000  }
0x75: {  	[sflag:s24] =	ssyncset.done $0x0  }
0x76: {  	s4 =	sadd.s32 $0x1480, s29;
	[sflag:s24] =	ssyncadd.s32 $0xFFFFC000  }
0x77: {  	[spmem:s1] =	stream.indirect.scatter.add.f32 [tilespmem:s22], [sflag:$0x3], $0x80, s4, s21, $0x2000b8;
	[tilespmem:$0x1E480] =	vst v63  }
0x78: {  	_ =	swait.ge [sflag:s19], $0x4000  }
0x79: {  	[sflag:s19] =	ssyncset.done $0x0  }
0x7a: {  	[sflag:s19] =	ssyncadd.s32 $0xFFFFC000  }
0x7b: {  	[tilespmem:s22], [sflag:$0x2] =	stream.indirect.gather [hbm4b:s3+s21], $0x80, s25, s21, $0x2000b8;
	[tilespmem:$0x1E480] =	vst v63  }
0x7c: {  	_ =	swait.ge [sflag:s23], $0x4000  }
0x7d: {  	[sflag:s23] =	ssyncset.done $0x0  }
0x7e: {  	[sflag:s23] =	ssyncadd.s32 $0xFFFFC000  }
0x7f: {  	[spmem:s1] =	stream.indirect.scatter.add.f32 [tilespmem:s18], [sflag:$0x3], $0x80, s26, s21, $0x2000b8;
	[tilespmem:$0x1E480] =	vst v63  }
0x80: {  	_ =	swait.ge [sflag:s19], $0x4000  }
0x81: {  	[sflag:s19] =	ssyncset.done $0x0  }
0x82: {  	[sflag:s19] =	ssyncadd.s32 $0xFFFFC000  }
0x83: {  	_ =	swait.ge [sflag:s24], $0x4000  }
0x84: {  	[sflag:s24] =	ssyncset.done $0x0  }
0x85: {  	[sflag:s24] =	ssyncadd.s32 $0xFFFFC000  }
0x86: {  	[spmem:s1] =	stream.indirect.scatter.add.f32 [tilespmem:s22], [sflag:$0x3], $0x80, s28, s21, $0x2000b8;
	[tilespmem:$0x1E480] =	vst v63  }
0x87: {  	_ =	swait.ge [sflag:s19], $0x4000  }
0x88: {  	[sflag:s19] =	ssyncset.done $0x0  }
0x89: {  	[sflag:s19] =	ssyncadd.s32 $0xFFFFC000  }
0x8a: {  	_ =	strace $0x90000051  }
0x8b: {  	s31 =	simm.s32 $0x0;
	_ =	strace $0x80000052  }
0x8c: {  	[tilespmem:s31], [sflag:$0x3] =	stream.linear.gather [hbm4b:s13+s31], $0x1400, $0x200038;
	[tilespmem:$0x1E480] =	vst v63  }
0x8d: {  	_ =	swait.ge [sflag:s19], $0x1400  }
0x8e: {  	[sflag:s19] =	ssyncset.done $0x0  }
0x8f: {  	[sflag:s19] =	ssyncadd.s32 $0xFFFFEC00  }
0x90: {  	[tilespmem:s20], [sflag:$0x3] =	stream.linear.gather [hbm4b:s14+s31], $0x1400, $0x200038;
	[tilespmem:$0x1E480] =	vst v63  }
0x91: {  	_ =	swait.ge [sflag:s19], $0x1400  }
0x92: {  	[sflag:s19] =	ssyncset.done $0x0  }
0x93: {  	[sflag:s19] =	ssyncadd.s32 $0xFFFFEC00  }
0x94: {  	[tilespmem:s18], [sflag:$0x1] =	stream.indirect.gather [hbm4b:s3+s21], $0x80, s31, s21, $0x2000b8;
	[tilespmem:$0x1E480] =	vst v63  }
0x95: {  	s4 =	simm.s32 $0x80  }
0x96: {  	[tilespmem:s22], [sflag:$0x2] =	stream.indirect.gather [hbm4b:s3+s21], $0x80, s4, s21, $0x2000b8;
	[tilespmem:$0x1E480] =	vst v63  }
0x97: {  	_ =	swait.ge [sflag:s23], $0x4000  }
0x98: {  	[sflag:s23] =	ssyncset.done $0x0  }
0x99: {  	s31 =	simm.s32 $0x1400;
	[sflag:s23] =	ssyncadd.s32 $0xFFFFC000  }
0x9a: {  	[spmem:s1] =	stream.indirect.scatter.add.f32 [tilespmem:s18], [sflag:$0x3], $0x80, s31, s21, $0x2000b8;
	[tilespmem:$0x1E480] =	vst v63  }
0x9b: {  	_ =	swait.ge [sflag:s19], $0x4000  }
0x9c: {  	[sflag:s19] =	ssyncset.done $0x0  }
0x9d: {  	s4 =	simm.s32 $0x100;
	[sflag:s19] =	ssyncadd.s32 $0xFFFFC000  }
0x9e: {  	[tilespmem:s18], [sflag:$0x1] =	stream.indirect.gather [hbm4b:s3+s21], $0x80, s4, s21, $0x2000b8;
	[tilespmem:$0x1E480] =	vst v63  }
0x9f: {  	_ =	swait.ge [sflag:s24], $0x4000  }
0xa0: {  	[sflag:s24] =	ssyncset.done $0x0  }
0xa1: {  	s31 =	simm.s32 $0x1480;
	[sflag:s24] =	ssyncadd.s32 $0xFFFFC000  }
0xa2: {  	[spmem:s1] =	stream.indirect.scatter.add.f32 [tilespmem:s22], [sflag:$0x3], $0x80, s31, s21, $0x2000b8;
	[tilespmem:$0x1E480] =	vst v63  }
0xa3: {  	_ =	swait.ge [sflag:s19], $0x4000  }
0xa4: {  	s30 =	simm.s32 $0x800;
	s29 =	simm.s32 $0x100;
	[sflag:s19] =	ssyncset.done $0x0  }
.LBB2_6:
0xa5: {  	s0 =	sadd.s32 $0x80, s29  }
0xa6: {  	[sflag:s19] =	ssyncadd.s32 $0xFFFFC000;
	s4 =	smov.u32 s30;
	s31 =	sadd.s32 $0x400, s30  }
0xa7: {  	[tilespmem:s22], [sflag:$0x2] =	stream.indirect.gather [hbm4b:s3+s21], $0x80, s0, s21, $0x2000b8;
	[tilespmem:$0x1E480] =	vst v63  }
0xa8: {  	p1 =	sne.s32 s30, $0x4800;
	_ =	swait.ge [sflag:s23], $0x4000  }
0xa9: {  	[sflag:s23] =	ssyncset.done $0x0  }
0xaa: {  	s0 =	sadd.s32 $0x1400, s29;
	[sflag:s23] =	ssyncadd.s32 $0xFFFFC000  }
0xab: {  	[spmem:s1] =	stream.indirect.scatter.add.f32 [tilespmem:s18], [sflag:$0x3], $0x80, s0, s21, $0x2000b8;
	[tilespmem:$0x1E480] =	vst v63  }
0xac: {  	_ =	swait.ge [sflag:s19], $0x4000  }
0xad: {  	[sflag:s19] =	ssyncset.done $0x0  }
0xae: {  	s0 =	sadd.s32 $0x100, s29;
	[sflag:s19] =	ssyncadd.s32 $0xFFFFC000  }
0xaf: {  	[tilespmem:s18], [sflag:$0x1] =	stream.indirect.gather [hbm4b:s3+s21], $0x80, s0, s21, $0x2000b8;
	[tilespmem:$0x1E480] =	vst v63  }
0xb0: {  	_ =	swait.ge [sflag:s24], $0x4000  }
.Ltmp2:
0xb1: {  	[sflag:s24] =	ssyncset.done $0x0;
	(pc) =	sbr.rel @p1 .LBB2_6-.Ltmp2, $4  }
0xb2: {  	s0 =	sadd.s32 $0x1480, s29;
	[sflag:s24] =	ssyncadd.s32 $0xFFFFC000  }
0xb3: {  	[spmem:s1] =	stream.indirect.scatter.add.f32 [tilespmem:s22], [sflag:$0x3], $0x80, s0, s21, $0x2000b8;
	[tilespmem:$0x1E480] =	vst v63  }
0xb4: {  	_ =	swait.ge [sflag:s19], $0x4000  }
0xb5: {  	s30 =	smov.u32 s31;
	s29 =	sshra.s32 s4, $0x2;
	[sflag:s19] =	ssyncset.done $0x0  }
0xb6: {  	s0 =	sadd.s32 $0x80, s29;
	[sflag:s19] =	ssyncadd.s32 $0xFFFFC000  }
0xb7: {  	[tilespmem:s22], [sflag:$0x2] =	stream.indirect.gather [hbm4b:s3+s21], $0x80, s0, s21, $0x2000b8;
	[tilespmem:$0x1E480] =	vst v63  }
0xb8: {  	_ =	swait.ge [sflag:s23], $0x4000  }
0xb9: {  	[sflag:s23] =	ssyncset.done $0x0  }
0xba: {  	s31 =	sadd.s32 $0x1400, s29;
	[sflag:s23] =	ssyncadd.s32 $0xFFFFC000  }
0xbb: {  	[spmem:s1] =	stream.indirect.scatter.add.f32 [tilespmem:s18], [sflag:$0x3], $0x80, s31, s21, $0x2000b8;
	[tilespmem:$0x1E480] =	vst v63  }
0xbc: {  	_ =	swait.ge [sflag:s19], $0x4000  }
0xbd: {  	[sflag:s19] =	ssyncset.done $0x0  }
0xbe: {  	s4 =	sadd.s32 $0x100, s29;
	[sflag:s19] =	ssyncadd.s32 $0xFFFFC000  }
0xbf: {  	[tilespmem:s18], [sflag:$0x1] =	stream.indirect.gather [hbm4b:s3+s21], $0x80, s4, s21, $0x2000b8;
	[tilespmem:$0x1E480] =	vst v63  }
0xc0: {  	_ =	swait.ge [sflag:s24], $0x4000  }
0xc1: {  	[sflag:s24] =	ssyncset.done $0x0  }
0xc2: {  	s30 =	sadd.s32 $0x1480, s29;
	[sflag:s24] =	ssyncadd.s32 $0xFFFFC000  }
0xc3: {  	[spmem:s1] =	stream.indirect.scatter.add.f32 [tilespmem:s22], [sflag:$0x3], $0x80, s30, s21, $0x2000b8;
	[tilespmem:$0x1E480] =	vst v63  }
0xc4: {  	_ =	swait.ge [sflag:s19], $0x4000  }
0xc5: {  	[sflag:s19] =	ssyncset.done $0x0  }
0xc6: {  	[sflag:s19] =	ssyncadd.s32 $0xFFFFC000  }
0xc7: {  	[tilespmem:s22], [sflag:$0x2] =	stream.indirect.gather [hbm4b:s3+s21], $0x80, s25, s21, $0x2000b8;
	[tilespmem:$0x1E480] =	vst v63  }
0xc8: {  	_ =	swait.ge [sflag:s23], $0x4000  }
0xc9: {  	[sflag:s23] =	ssyncset.done $0x0  }
0xca: {  	[sflag:s23] =	ssyncadd.s32 $0xFFFFC000  }
0xcb: {  	[spmem:s1] =	stream.indirect.scatter.add.f32 [tilespmem:s18], [sflag:$0x3], $0x80, s26, s21, $0x2000b8;
	[tilespmem:$0x1E480] =	vst v63  }
0xcc: {  	_ =	swait.ge [sflag:s19], $0x4000  }
0xcd: {  	[sflag:s19] =	ssyncset.done $0x0  }
0xce: {  	[sflag:s19] =	ssyncadd.s32 $0xFFFFC000  }
0xcf: {  	_ =	swait.ge [sflag:s24], $0x4000  }
0xd0: {  	[sflag:s24] =	ssyncset.done $0x0  }
0xd1: {  	[sflag:s24] =	ssyncadd.s32 $0xFFFFC000  }
0xd2: {  	[spmem:s1] =	stream.indirect.scatter.add.f32 [tilespmem:s22], [sflag:$0x3], $0x80, s28, s21, $0x2000b8;
	[tilespmem:$0x1E480] =	vst v63  }
0xd3: {  	_ =	swait.ge [sflag:s19], $0x4000  }
0xd4: {  	[sflag:s19] =	ssyncset.done $0x0  }
0xd5: {  	[sflag:s19] =	ssyncadd.s32 $0xFFFFC000  }
0xd6: {  	s31 =	stileid.u32;
	_ =	strace $0x90000052  }
0xd7: {  	s0 =	sshll.u32 s31, $0x6;
	[bflag:$0x0] =	sbarrier.arrive $0xFFFF  }
0xd8: {  	s0 =	sor.u32 $0x1C03, s0;
	s4 =	sshrl.u32 s5, $0x3;
	_ =	strace $0x80000053  }
0xd9: {  	[hbm:s15], [sflag:s0] =	dma.local [spmem:s4], $0x2700  }
0xda: {  	_ =	swait.ge [sflag:s19], $0x2700  }
0xdb: {  	s2 =	sadd.s32 $0x1, s2;
	[sflag:s19] =	ssyncset.done $0x0  }
0xdc: {  	p1 =	sne.s32 s2, s17;
	s4 =	sshrl.u32 @!p0 s10, $0x3;
	[sflag:s19] =	ssyncadd.s32 $0xFFFFD900  }
0xdd: {  	[hbm:s16], [sflag:s0] =	dma.local @!p0 [spmem:s4], $0x100  }
.Ltmp3:
0xde: {  	s0 =	simm.s32 @!p0 $0x3;
	(pc) =	sbr.rel @p1 .LBB2_1-.Ltmp3, $4  }
0xdf: {  	_ =	swait.ge @!p0 [sflag:s0], $0x100  }
0xe0: {  	[sflag:s0] =	ssyncset.done @!p0 $0x0  }
0xe1: {  	[sflag:s0] =	ssyncadd.s32 @!p0 $0xFFFFFF00  }
0xe2: {  	_ =	strace $0x90000053  }
0xe3: {  	_ =	sfence.sel $0x180000  }
0xe4: {  	[bflag:$0x0] =	sbarrier.arrive $0xFFFF  }
0xe5: {  	_ =	strace $0x90000050  }
0xe6: {  	[bflag:$0x2] =	sbarrier.arrive $0xFFFF  }
0xe7: {  	s0 =	rddreg [dreg:$0x3]  }
0xe8: {  	s0 =	sadd.s32 @!p0 $0x100000, s0  }
0xe9: {  	[sflag:s0] =	ssyncadd.tile.s32 @!p0 $0x1;
	_ =	shalt  }
.Lfunc_end2:
_tile_overlayer_lowered:
.L_overlay_start_2:
0xea: {  	(tag) =	ssettag $0x2  }
0xeb: {  	s0 =	rddreg [dreg:$0x0];
	s2 =	stileid.u32  }
0xec: {  	s1 =	rddreg [dreg:$0x1];
	p0 =	sne.s32 s2, $0x0  }
0xed: {  	s3 =	rddreg [dreg:$0x2];
	[bflag:$0x3] =	sbarrier.arrive $0xFFFF;
	s2 =	simm.s32 @!p0 $0x1C03  }
0xee: {  	[timem:s3], [sflag:s2] =	dma.local @!p0 [hbm:s0], s1  }
0xef: {  	s0 =	simm.s32 @!p0 $0x3  }
0xf0: {  	_ =	swait.ge @!p0 [sflag:s0], s1  }
0xf1: {  	s1 =	ssub.s32 @!p0 $0x0, s1;
	[sflag:s0] =	ssyncset.done @!p0 $0x0  }
0xf2: {  	[sflag:s0] =	ssyncadd.s32 @!p0 s1  }
0xf3: {  	[bflag:$0x3] =	sbarrier.arrive $0xFFFF  }
0xf4: {  	_ =	shalt  }

// kernel: kernel.8.cloned.1.call-start
scs
__scs_entry_jumppad:
0x0: {  	(pc) =	sbr.rel $0x88, $3  }
0x1: {  	(tag) =	ssettag $0x0;
	lr =	simm.s32 $0x1  }
0x2: {  	[smem:$0x3F99] =	sst lr;
	_ =	strace $0xD0000000  }
0x3: {  	_ = 	snop  }
0x4: {  	_ = 	snop  }
0x5: {  	_ = 	snop  }
0x6: {  	_ = 	snop  }
0x7: {  	_ = 	snop  }
__scs_overlays_trampoline_lowered:
0x8: {  	[smem:$0x3FA8] =	sst s0  }
0x9: {  	[smem:$0x3FA9] =	sst s1  }
0xa: {  	[smem:$0x3FAA] =	sst s2  }
0xb: {  	[smem:$0x3FAB] =	sst s3  }
0xc: {  	[smem:$0x3FAC] =	sst s4  }
0xd: {  	[smem:$0x3FAD] =	sst s5  }
0xe: {  	[smem:$0x3FAE] =	sst s6  }
0xf: {  	[smem:$0x3FAF] =	sst s7  }
0x10: {  	[smem:$0x3FB0] =	sst s8  }
0x11: {  	[smem:$0x3FB1] =	sst s9;
	s0 =	simm.s32 @!p0 $0x0  }
0x12: {  	s1 =	sld [smem:$0x3F97];
	s0 =	simm.s32 @p0 $0x1  }
0x13: {  	[smem:$0x3FB2] =	sst s0;
	s0 =	simm.s32 @!p1 $0x0  }
0x14: {  	s2 =	sld [smem:$0x3F96];
	s0 =	simm.s32 @p1 $0x1  }
0x15: {  	[smem:$0x3FB3] =	sst s0;
	s0 =	simm.s32 @!p2 $0x0  }
0x16: {  	s3 =	sld [smem:$0x3FDB];
	s0 =	simm.s32 @p2 $0x1  }
0x17: {  	s4 =	simm.s32 $0x1BF5;
	[smem:$0x3FB5] =	sst s0  }
0x18: {  	s0 =	sld [smem:$0x3F98];
	_ =	swait.ge [sflag:s4], $0x0  }
0x19: {  	s7 =	sld [smem:$0x3F99]  }
0x1a: {  	s8 =	sadd.s32 $0xFFFFE003, lr  }
0x1b: {  	s9 =	sadd.s32 $0xFFFFFEF7, lr;
	s5 =	simm.s32 $0xFFFFFFFF;
	p2 =	slt.u32 s8, $0xFFFFF086  }
0x1c: {  	p1 =	slt.u32 s9, $0xF7A;
	s5 =	simm.s32 @!p2 $0x0  }
0x1d: {  	s5 =	simm.s32 @p1 $0x1;
	p0 =	seq.s32 s7, s2  }
0x1e: {  	s7 =	smul.u32 @!p0 $0xF7A, s2;
	p2 =	seq.s32 @!p0 s5, $0x0  }
0x1f: {  	s9 =	smul.u32 $0xF7A, s1;
	s8 =	simm.s32 @!p0 $0x1BF5;
	p2 =	por !p2, p0  }
0x20: {  	[sflag:s8] =	ssyncset.s32 @!p0 $0xFFFFF086;
	s6 =	sadd.s32 @!p0 s3, s7;
	s7 =	simm.s32 @!p0 $0x108  }
0x21: {  	s3 =	sadd.s32 s3, s9;
	s6 =	sadd.s32 @!p0 $0x88, s6;
	s7 =	simm.s32 @p2 $0x1082  }
0x22: {  	[simem:s7], [sflag:s8] =	dma.local @!p0 [hbm:s6], $0xF7A  }
0x23: {  	s9 =	sor.u32 $0xD0000000, s2;
	s6 =	simm.s32 $0x108;
	_ =	swait.ge @!p0 [sflag:s8], $0x0  }
0x24: {  	s3 =	sadd.s32 $0x88, s3;
	s6 =	simm.s32 @!p1 $0x1082;
	[sflag:s4] =	ssyncset.s32 $0xFFFFF086  }
0x25: {  	[simem:s6], [sflag:s4] =	dma.local [hbm:s3], $0xF7A  }
0x26: {  	[smem:$0x3F99] =	sst s1;
	(tag) =	ssettag s2;
	_ =	strace s9  }
0x27: {  	s1 =	sld [smem:$0x3FA9]  }
0x28: {  	s2 =	sld [smem:$0x3FAA]  }
0x29: {  	s4 =	sld [smem:$0x3FAC]  }
0x2a: {  	p0 =	seq.s32 s5, $0x0;
	s5 =	sld [smem:$0x3FAD]  }
0x2b: {  	s6 =	sld [smem:$0x3FAE]  }
0x2c: {  	s7 =	sld [smem:$0x3FAF]  }
0x2d: {  	s3 =	simm.s32 $0x108;
	s8 =	sld [smem:$0x3FB0]  }
0x2e: {  	s3 =	simm.s32 @!p0 $0x1082;
	s9 =	sld [smem:$0x3FB1]  }
0x2f: {  	lr =	sadd.s32 s0, s3;
	s0 =	sld [smem:$0x3FA8]  }
0x30: {  	s3 =	sld [smem:$0x3FAB]  }
0x31: {  	[smem:$0x3FB4] =	sst s10  }
0x32: {  	s10 =	sld [smem:$0x3FB2];
	_ =	sdelay $0x3  }
0x33: {  	p0 =	seq.s32 s10, $0x1;
	s10 =	sld [smem:$0x3FB4];
	_ =	sdelay $0x3  }
0x34: {  	[smem:$0x3FB4] =	sst s10  }
0x35: {  	s10 =	sld [smem:$0x3FB3];
	_ =	sdelay $0x3  }
0x36: {  	p1 =	seq.s32 s10, $0x1;
	s10 =	sld [smem:$0x3FB4];
	_ =	sdelay $0x3  }
0x37: {  	[smem:$0x3FB4] =	sst s10  }
0x38: {  	s10 =	sld [smem:$0x3FB5]  }
0x39: {  	_ = 	snop;
	(pc) =	sbr.ind lr, $3  }
0x3a: {  	_ = 	snop  }
0x3b: {  	_ = 	snop  }
0x3c: {  	p2 =	seq.s32 s10, $0x1;
	s10 =	sld [smem:$0x3FB4]  }
0x3d: {  	_ =	shalt  }
0x3e: {  	_ =	shalt  }
0x3f: {  	_ =	shalt  }
0x40: {  	_ =	shalt  }
0x41: {  	_ =	shalt  }
0x42: {  	_ =	shalt  }
0x43: {  	_ =	shalt  }
0x44: {  	_ =	shalt  }
0x45: {  	_ =	shalt  }
0x46: {  	_ =	shalt  }
0x47: {  	_ =	shalt  }
0x48: {  	_ =	shalt  }
0x49: {  	_ =	shalt  }
0x4a: {  	_ =	shalt  }
0x4b: {  	_ =	shalt  }
0x4c: {  	_ =	shalt  }
0x4d: {  	_ =	shalt  }
0x4e: {  	_ =	shalt  }
0x4f: {  	_ =	shalt  }
0x50: {  	_ =	shalt  }
0x51: {  	_ =	shalt  }
0x52: {  	_ =	shalt  }
0x53: {  	_ =	shalt  }
0x54: {  	_ =	shalt  }
0x55: {  	_ =	shalt  }
0x56: {  	_ =	shalt  }
0x57: {  	_ =	shalt  }
0x58: {  	_ =	shalt  }
0x59: {  	_ =	shalt  }
0x5a: {  	_ =	shalt  }
0x5b: {  	_ =	shalt  }
0x5c: {  	_ =	shalt  }
0x5d: {  	_ =	shalt  }
0x5e: {  	_ =	shalt  }
0x5f: {  	_ =	shalt  }
0x60: {  	_ =	shalt  }
0x61: {  	_ =	shalt  }
0x62: {  	_ =	shalt  }
0x63: {  	_ =	shalt  }
0x64: {  	_ =	shalt  }
0x65: {  	_ =	shalt  }
0x66: {  	_ =	shalt  }
0x67: {  	_ =	shalt  }
0x68: {  	_ =	shalt  }
0x69: {  	_ =	shalt  }
0x6a: {  	_ =	shalt  }
0x6b: {  	_ =	shalt  }
0x6c: {  	_ =	shalt  }
0x6d: {  	_ =	shalt  }
0x6e: {  	_ =	shalt  }
0x6f: {  	_ =	shalt  }
0x70: {  	_ =	shalt  }
0x71: {  	_ =	shalt  }
0x72: {  	_ =	shalt  }
0x73: {  	_ =	shalt  }
0x74: {  	_ =	shalt  }
0x75: {  	_ =	shalt  }
0x76: {  	_ =	shalt  }
0x77: {  	_ =	shalt  }
0x78: {  	_ =	shalt  }
0x79: {  	_ =	shalt  }
0x7a: {  	_ =	shalt  }
0x7b: {  	_ =	shalt  }
0x7c: {  	_ =	shalt  }
0x7d: {  	_ =	shalt  }
0x7e: {  	_ =	shalt  }
0x7f: {  	_ =	shalt  }
0x80: {  	_ =	shalt  }
0x81: {  	_ =	shalt  }
0x82: {  	_ =	shalt  }
0x83: {  	_ =	shalt  }
0x84: {  	_ =	shalt  }
0x85: {  	_ =	shalt  }
0x86: {  	_ =	shalt  }
0x87: {  	_ =	shalt  }
.Lfunc_end0:
.L_simem_size_0:
called_computation_lowered:
.L_overlay_start_0:
0x88: {  	s2 =	sld [smem:$0x3FD9]  }
0x89: {  	s3 =	sld [smem:$0x3FFE];
	_ =	sdelay $0x1  }
0x8a: {  	s1 =	srdreg.scid  }
0x8b: {  	s0 =	sand.u32 $0x1, s1  }
0x8c: {  	s17 =	sshll.u32 s0, $0xA;
	s2 =	sadd.s32 s3, s2  }
0x8d: {  	s2 =	sadd.s32 s2, s17  }
0x8e: {  	[smem:$0x3FC0] =	sst s2  }
0x8f: {  	_ = 	snop  }
0x90: {  	s2 =	sld [smem:$0x3FD0];
	(tm) =	ssettm $0x1  }
0x91: {  	s18 =	sld [smem:$0x3FFB];
	_ =	sdelay $0x3  }
0x92: {  	_ =	strace s18  }
0x93: {  	s3 =	sld [smem:$0x3FFC];
	_ =	sdelay $0x3  }
0x94: {  	_ =	strace s3  }
0x95: {  	s3 =	sld [smem:$0x3FFD];
	_ =	sdelay $0x3  }
0x96: {  	_ =	strace s3  }
0x97: {  	_ =	strace $0x8FFFFFFF  }
0x98: {  	s19 =	sld [smem:$0x3FDB];
	_ =	sdelay $0x1  }
0x99: {  	s4 =	simm.s32 $_scs_section_size  }
0x9a: {  	s5 =	simm.s32 $_size__tile_overlayer_lowered;
	s6 =	simm.s32 $_tile_overlayer_lowered  }
0x9b: {  	s22 =	simm.s32 $0x1BFF;
	s21 =	sshll.u32 s6, $0x1;
	s3 =	sadd.s32 s4, s19  }
0x9c: {  	s7 =	simm.s32 $0x0;
	s20 =	sshll.u32 s5, $0x1;
	s5 =	sadd.s32 s21, s3  }
0x9d: {  	[timem:s7], [sflag:s22] =	dma.local [hbm:s5], s20  }
0x9e: {  	_ =	swait.ge [sflag:s22], s20  }
0x9f: {  	s4 =	ssub.s32 $0x0, s20;
	[sflag:s22] =	ssyncset.done $0x0  }
0xa0: {  	[sflag:s22] =	ssyncadd.s32 s4;
	_ =	sdelay $0x1  }
0xa1: {  	s23 =	simm.s32 $0x1B8B  }
0xa2: {  	_ =	swait.ge [sflag:s23], $0x1  }
0xa3: {  	[sflag:s23] =	ssyncset.done $0x0  }
0xa4: {  	s25 =	simm.s32 $0x1B8E;
	s24 =	sld [smem:$0x3FFE];
	[sflag:s23] =	ssyncadd.s32 $0xFFFFFFFF  }
0xa5: {  	s26 =	simm.s32 $execute0_lowered;
	[smem:$0x3FD2] =	sst s25  }
0xa6: {  	s5 =	sshll.u32 s26, $0x1;
	_ =	strace $0x80000046;
	[dreg:$0x1] =	wrdreg $0xFFFFFFFF  }
0xa7: {  	s28 =	simm.s32 $_size_execute0_lowered;
	s3 =	sadd.s32 s3, s5;
	[dreg:$0x0] =	wrdreg $0x0  }
0xa8: {  	s5 =	sshll.u32 s28, $0x1;
	[dreg:$0x2] =	wrdreg s3  }
0xa9: {  	[dreg:$0x3] =	wrdreg s5  }
0xaa: {  	[dreg:$0x4] =	wrdreg $0xC0  }
0xab: {  	_ =	task [dreg:s7], $0x5FFFF  }
0xac: {  	[dreg:$0x1] =	wrdreg $0xFFFFFFFF  }
0xad: {  	[dreg:$0x0] =	wrdreg $0x60  }
0xae: {  	[dreg:$0x2] =	wrdreg s24  }
0xaf: {  	[dreg:$0x3] =	wrdreg s2  }
0xb0: {  	[dreg:$0x4] =	wrdreg $0x78800  }
0xb1: {  	[dreg:$0x5] =	wrdreg $0x7B000  }
0xb2: {  	[dreg:$0x6] =	wrdreg $0x9  }
0xb3: {  	_ =	task.clear_ibuf [dreg:s7], $0x7FFFF;
	_ =	strace $0x90000046  }
0xb4: {  	s29 =	simm.s32 $0x9;
	_ =	strace $0x80000048  }
0xb5: {  	_ =	swait.ge [sflag:s29], $0x1  }
0xb6: {  	[sflag:s29] =	ssyncadd.s32 $0xFFFFFFFF  }
0xb7: {  	_ =	strace $0x90000048  }
0xb8: {  	_ =	sfence  }
0xb9: {  	s30 =	sld [smem:$0x0];
	_ =	sdelay $0x2  }
0xba: {  	s31 =	sshll.u32 s1, $0xD;
	s1 =	sshrl.u32 s1, $0x2  }
0xbb: {  	s3 =	sand.u32 $0x4000, s31;
	s1 =	sadd.s32 s1, s30  }
0xbc: {  	s0 =	sor.u32 s3, s0;
	s1 =	sshll.u32 s1, $0x11  }
0xbd: {  	s0 =	sor.u32 s1, s0  }
0xbe: {  	s0 =	sadd.s32 $0x8F2B, s0  }
0xbf: {  	[sflag:s0] =	ssyncadd.remote.s32 $0x1  }
0xc0: {  	_ =	sfence.sel $0xFFFF  }
0xc1: {  	[dreg:$0x0] =	wrdreg $0xFFFFFFFF;
	(pc) =	sbr.abs _section_cstart, $3  }
0xc2: {  	[dreg:$0x1] =	wrdreg $0xFFFFFFFF  }
0xc3: {  	_ =	task.clear_ibuf [dreg:s7], $0x2FFFF;
	_ =	strace $0x9FFFFFFF  }
0xc4: {  	(tm) =	ssettm $0x7FFFFFFF  }
0xc5: {  	_ =	shalt  }
tec
execute0_lowered:
.L_overlay_start_1:
0x0: {  	(tag) =	ssettag $0x1  }
0x1: {  	s4 =	rddreg [dreg:$0x0]  }
0x2: {  	s5 =	rddreg [dreg:$0x1]  }
0x3: {  	s0 =	srdreg.scid;
	s1 =	rddreg [dreg:$0x2]  }
0x4: {  	s9 =	stileid.u32;
	s2 =	rddreg [dreg:$0x3];
	s3 =	simm.s32 $0x0  }
0x5: {  	s12 =	simm.s32 $0x80;
	s13 =	simm.s32 $0x5000;
	s16 =	simm.s32 $0x0  }
0x6: {  	s6 =	sand.u32 $0x1, s0;
	s30 =	sshll.u32 s9, $0x1;
	s0 =	rddreg [dreg:$0x4]  }
0x7: {  	[smem:$0x7FF] =	sst s3;
	p0 =	sne.s32 s9, $0x0;
	s9 =	simm.s32 $0x1  }
0x8: {  	s7 =	sor.u32 s6, s30;
	s8 =	smul.u32 $0x500, s6;
	_ =	strace $0x80000047  }
0x9: {  	s6 =	ssub.s32 $0x2, s6;
	s14 =	sshrl.u32 @!p0 s1, $0x3;
	s7 =	smul.u32 $0x500, s7  }
0xa: {  	s15 =	sshrl.u32 @!p0 s2, $0x3;
	s31 =	sshrl.u32 s6, $0x1;
	s8 =	sadd.s32 s8, s4  }
0xb: {  	s11 =	ssub.s32 s6, s31;
	s10 =	sadd.s32 s7, s4;
	s5 =	sadd.s32 s5, s7  }
0xc: {  	s6 =	sadd.s32 $0xCA00, s8;
	s7 =	sadd.s32 $0xD400, s8;
	s8 =	smax.u32 s11, $0x1  }
0xd: {  	v0 =	vimm.f32 $1.000000000e+00;
	v1 =	vimm.f32 $0.0e+00;
	s11 =	simm.s32 $0x5080;
	s4 =	sadd.s32 $0x2A00, s10;
	s10 =	simm.s32 $0x2800  }
.LBB2_1:
0xe: {  	[tilespmem:s3], [sflag:$0x1] =	stream.linear.gather [hbm4b:s4+s3], $0x2800, $0x38;
	[tilespmem:$0x7D80] =	vst v63  }
0xf: {  	_ =	swait.ge [sflag:s9], $0x2800  }
0x10: {  	[sflag:s9] =	ssyncset.done $0x0  }
0x11: {  	[sflag:s9] =	ssyncadd.s32 $0xFFFFD800  }
0x12: {  	[tilespmem:s10], [sflag:$0x1] =	stream.linear.gather [hbm4b:s5+s3], $0x2800, $0x38;
	[tilespmem:$0x7D80] =	vst v63  }
0x13: {  	_ =	swait.ge [sflag:s9], $0x2800  }
0x14: {  	[sflag:s9] =	ssyncset.done $0x0  }
0x15: {  	[sflag:s9] =	ssyncadd.s32 $0xFFFFD800  }
0x16: {  	[tilespmem:$0x5000] =	vst v0  }
0x17: {  	[tilespmem:$0x5010] =	vst v0  }
0x18: {  	[tilespmem:$0x5020] =	vst v0  }
.Ltmp0:
0x19: {  	[tilespmem:$0x5030] =	vst v0;
	(pc) =	sbr.rel @p0 .LBB2_5-.Ltmp0, $4  }
0x1a: {  	[tilespmem:$0x5040] =	vst v0  }
0x1b: {  	[tilespmem:$0x5050] =	vst v0  }
0x1c: {  	[tilespmem:$0x5060] =	vst v0  }
0x1d: {  	[tilespmem:$0x5070] =	vst v0  }
0x1e: {  	s17 =	simm.s32 $0x40;
	s18 =	simm.s32 $0x0  }
.LBB2_3:
0x1f: {  	p1 =	sne.s32 s17, $0x9E00;
	[tilespmem:s18+$0x5080] =	vst v1;
	s18 =	smov.u32 s17;
	s17 =	sadd.s32 $0x40, s17  }
.Ltmp1:
0x20: {  	(pc) =	sbr.rel @p1 .LBB2_3-.Ltmp1, $2  }
0x21: {  	_ =	sdelay $0x2  }
0x22: {  	s18 =	sshra.s32 s18, $0x2  }
0x23: {  	[tilespmem:s18+$0x5080] =	vst v1  }
0x24: {  	[spmem:s1] =	stream.linear.scatter [tilespmem:s11], [sflag:$0x1], $0x2800, $0x38;
	[tilespmem:$0x7D80] =	vst v63  }
0x25: {  	_ =	swait.ge [sflag:s9], $0x2800  }
0x26: {  	[sflag:s9] =	ssyncset.done $0x0  }
0x27: {  	[sflag:s9] =	ssyncadd.s32 $0xFFFFD800  }
0x28: {  	[spmem:s2] =	stream.linear.scatter [tilespmem:s11], [sflag:$0x1], $0x2800, $0x38;
	[tilespmem:$0x7D80] =	vst v63  }
0x29: {  	_ =	swait.ge [sflag:s9], $0x2800  }
0x2a: {  	[sflag:s9] =	ssyncset.done $0x0  }
0x2b: {  	[sflag:s9] =	ssyncadd.s32 $0xFFFFD800  }
.LBB2_5:
0x2c: {  	[bflag:$0x0] =	sbarrier.arrive $0xFFFF;
	s17 =	simm.s32 $0x0  }
0x2d: {  	[spmem:s1] =	stream.indirect.scatter.add.f32 [tilespmem:s13], [sflag:$0x1], $0x1, s17, s12, $0xb8;
	[tilespmem:$0x7D80] =	vst v63  }
0x2e: {  	_ =	swait.ge [sflag:s9], $0x80  }
0x2f: {  	[sflag:s9] =	ssyncset.done $0x0  }
0x30: {  	s31 =	simm.s32 $0x2800;
	[sflag:s9] =	ssyncadd.s32 $0xFFFFFF80  }
0x31: {  	[spmem:s2] =	stream.indirect.scatter.add.f32 [tilespmem:s13], [sflag:$0x1], $0x1, s31, s12, $0xb8;
	[tilespmem:$0x7D80] =	vst v63  }
0x32: {  	_ =	swait.ge [sflag:s9], $0x80  }
0x33: {  	s18 =	simm.s32 $0x400;
	s17 =	simm.s32 $0x200;
	[sflag:s9] =	ssyncset.done $0x0  }
.LBB2_6:
0x34: {  	s19 =	sshra.s32 s17, $0x2  }
0x35: {  	[sflag:s9] =	ssyncadd.s32 $0xFFFFFF80;
	s17 =	smov.u32 s18;
	s20 =	sadd.s32 $0x200, s18  }
0x36: {  	[spmem:s1] =	stream.indirect.scatter.add.f32 [tilespmem:s13], [sflag:$0x1], $0x1, s19, s12, $0xb8;
	[tilespmem:$0x7D80] =	vst v63  }
0x37: {  	p1 =	sne.s32 s18, $0x9E00;
	_ =	swait.ge [sflag:s9], $0x80  }
.Ltmp2:
0x38: {  	[sflag:s9] =	ssyncset.done $0x0;
	(pc) =	sbr.rel @p1 .LBB2_6-.Ltmp2, $4  }
0x39: {  	s18 =	sadd.s32 $0x2800, s19;
	[sflag:s9] =	ssyncadd.s32 $0xFFFFFF80  }
0x3a: {  	[spmem:s2] =	stream.indirect.scatter.add.f32 [tilespmem:s13], [sflag:$0x1], $0x1, s18, s12, $0xb8;
	[tilespmem:$0x7D80] =	vst v63  }
0x3b: {  	_ =	swait.ge [sflag:s9], $0x80  }
0x3c: {  	s18 =	smov.u32 s20;
	[sflag:s9] =	ssyncset.done $0x0  }
0x3d: {  	s17 =	sshra.s32 s17, $0x2;
	[sflag:s9] =	ssyncadd.s32 $0xFFFFFF80  }
0x3e: {  	[spmem:s1] =	stream.indirect.scatter.add.f32 [tilespmem:s13], [sflag:$0x1], $0x1, s17, s12, $0xb8;
	[tilespmem:$0x7D80] =	vst v63  }
0x3f: {  	_ =	swait.ge [sflag:s9], $0x80  }
0x40: {  	[sflag:s9] =	ssyncset.done $0x0  }
0x41: {  	s17 =	sadd.s32 $0x2800, s17;
	[sflag:s9] =	ssyncadd.s32 $0xFFFFFF80  }
0x42: {  	[spmem:s2] =	stream.indirect.scatter.add.f32 [tilespmem:s13], [sflag:$0x1], $0x1, s17, s12, $0xb8;
	[tilespmem:$0x7D80] =	vst v63  }
0x43: {  	_ =	swait.ge [sflag:s9], $0x80  }
0x44: {  	[sflag:s9] =	ssyncset.done $0x0  }
0x45: {  	[sflag:s9] =	ssyncadd.s32 $0xFFFFFF80  }
0x46: {  	s18 =	simm.s32 @!p0 $0x1;
	s17 =	simm.s32 @!p0 $0x1C01;
	[bflag:$0x0] =	sbarrier.arrive $0xFFFF  }
0x47: {  	[hbm:s6], [sflag:s17] =	dma.local @!p0 [spmem:s14], $0x500  }
0x48: {  	s16 =	sadd.s32 $0x1, s16;
	_ =	swait.ge @!p0 [sflag:s18], $0x500  }
0x49: {  	p1 =	sne.s32 s16, s8;
	[sflag:s18] =	ssyncset.done @!p0 $0x0  }
.Ltmp3:
0x4a: {  	[sflag:s18] =	ssyncadd.s32 @!p0 $0xFFFFFB00;
	(pc) =	sbr.rel @p1 .LBB2_1-.Ltmp3, $4  }
0x4b: {  	[hbm:s7], [sflag:s17] =	dma.local @!p0 [spmem:s15], $0x500  }
0x4c: {  	_ =	swait.ge @!p0 [sflag:s18], $0x500  }
0x4d: {  	[sflag:s18] =	ssyncset.done @!p0 $0x0  }
0x4e: {  	[sflag:s18] =	ssyncadd.s32 @!p0 $0xFFFFFB00  }
0x4f: {  	_ =	sfence.sel $0x180000  }
0x50: {  	[bflag:$0x0] =	sbarrier.arrive $0xFFFF  }
0x51: {  	_ =	strace $0x90000047  }
0x52: {  	s0 =	sadd.s32 @!p0 $0x100000, s0;
	[bflag:$0x2] =	sbarrier.arrive $0xFFFF  }
0x53: {  	[sflag:s0] =	ssyncadd.tile.s32 @!p0 $0x1;
	_ =	shalt  }
.Lfunc_end2:
_tile_overlayer_lowered:
.L_overlay_start_2:
0x54: {  	(tag) =	ssettag $0x2  }
0x55: {  	s0 =	rddreg [dreg:$0x0];
	s2 =	stileid.u32  }
0x56: {  	s1 =	rddreg [dreg:$0x1];
	p0 =	sne.s32 s2, $0x0  }
0x57: {  	s3 =	rddreg [dreg:$0x2];
	[bflag:$0x3] =	sbarrier.arrive $0xFFFF;
	s2 =	simm.s32 @!p0 $0x1C01  }
0x58: {  	[timem:s3], [sflag:s2] =	dma.local @!p0 [hbm:s0], s1  }
0x59: {  	s0 =	simm.s32 @!p0 $0x1  }
0x5a: {  	_ =	swait.ge @!p0 [sflag:s0], s1  }
0x5b: {  	s1 =	ssub.s32 @!p0 $0x0, s1;
	[sflag:s0] =	ssyncset.done @!p0 $0x0  }
0x5c: {  	[sflag:s0] =	ssyncadd.s32 @!p0 s1  }
0x5d: {  	[bflag:$0x3] =	sbarrier.arrive $0xFFFF  }
0x5e: {  	_ =	shalt  }

</sc_bundles>
